<compile_context>
chip_gen: v7x
topology: tpu7x:2x2x1
jax: 0.10.2.dev20260603
libtpu: 0.0.44.dev20260713+nightly
codegen_flags: <defaults>
</compile_context>

<pallas_src>
import functools

import jax
import jax.numpy as jnp
from jax import lax
from jax.experimental import pallas as pl
from jax.experimental.pallas import tpu as pltpu
from jax.experimental.pallas import tpu_sc as plsc

_N = 10000
_E = 320000
_D = 128
_NC = 2
_NS = 16
_L = 16

_NP = 10240
_CHK = _NP // _NS

_EPT = _E // _NS

_EPC = _E // _NC
_EPT2 = _EPC // _NS
_K = 80
_NB = _EPT2 // _K
_RPT = _NP // _NS
_ZR = 128

_sc_mesh = plsc.VectorSubcoreMesh(core_axis_name="c", subcore_axis_name="s")


@functools.partial(
    pl.kernel,
    out_type=jax.ShapeDtypeStruct((_NP,), jnp.float32),
    mesh=_sc_mesh,
    scratch_types=[
        pltpu.VMEM((_EPT,), jnp.int32),
        pltpu.VMEM((_NP,), jnp.float32),
        pltpu.VMEM((_NS, _CHK), jnp.float32),
        pltpu.VMEM((_CHK,), jnp.float32),
        pltpu.VMEM_SHARED((_NS, _NP), jnp.float32),
    ],
    compiler_params=pltpu.CompilerParams(needs_layout_passes=False),
)
def _deg_kernel(dst_hbm, dinv_hbm, idx_v, hist_v, buf, dinv_v, deg_sh):
    c = lax.axis_index("c")
    s = lax.axis_index("s")

    zeros = jnp.zeros((_L,), jnp.float32)

    def zero_body(i, carry):
        hist_v[pl.ds(i * _L, _L)] = zeros
        return carry

    lax.fori_loop(0, _NP // _L, zero_body, 0)

    pltpu.sync_copy(dst_hbm.at[pl.ds(s * _EPT, _EPT)], idx_v)
    ones = jnp.ones((_L,), jnp.float32)

    def hist_body(i, carry):
        idx = idx_v[pl.ds(i * _L, _L)]
        plsc.addupdate_scatter(hist_v, [idx], ones)
        return carry

    lax.fori_loop(0, _EPT // _L, hist_body, 0)

    pltpu.sync_copy(hist_v, deg_sh.at[s])
    plsc.subcore_barrier()
    for t in range(_NS):
        pltpu.sync_copy(deg_sh.at[t, pl.ds(s * _CHK, _CHK)], buf.at[t])

    half = jnp.full((_L,), 0.5, jnp.float32)
    three_half = jnp.full((_L,), 1.5, jnp.float32)
    magic = jnp.full((_L,), 0x5F3759DF, jnp.int32)

    def red_body(j, carry):
        v = buf[0, pl.ds(j * _L, _L)]
        for t in range(1, _NS):
            v = v + buf[t, pl.ds(j * _L, _L)]
        d = v + 1.0
        bits = plsc.bitcast(d, jnp.int32)
        y = plsc.bitcast(magic - (bits >> 1), jnp.float32)
        for _ in range(3):
            y = y * (three_half - half * d * y * y)
        dinv_v[pl.ds(j * _L, _L)] = y
        return carry

    lax.fori_loop(0, _CHK // _L, red_body, 0)

    @pl.when(c == 0)
    def _():
        pltpu.sync_copy(dinv_v, dinv_hbm.at[pl.ds(s * _CHK, _CHK)])


@functools.partial(
    pl.kernel,
    out_type=(
        jax.ShapeDtypeStruct((_NP, _D), jnp.float32),
        jax.ShapeDtypeStruct((_NP, _D), jnp.float32),
    ),
    mesh=_sc_mesh,
    scratch_types=[
        pltpu.VMEM((_K,), jnp.int32),
        pltpu.VMEM((_K,), jnp.int32),
        pltpu.VMEM((_K, _D), jnp.float32),
        pltpu.VMEM((_ZR, _D), jnp.float32),
        pltpu.VMEM_SHARED((_NP, _D), jnp.float32),
        pltpu.SemaphoreType.DMA,
    ],
    compiler_params=pltpu.CompilerParams(needs_layout_passes=False),
)
def _prop_kernel(hp_hbm, src_hbm, dst_hbm, out0_hbm, out1_hbm, idx_s, idx_d, rows, zbuf, acc_sh, sem):
    c = lax.axis_index("c")
    s = lax.axis_index("s")

    zeros = jnp.zeros((_L,), jnp.float32)

    def zfill(r, carry):
        for j in range(_D // _L):
            zbuf[r, pl.ds(j * _L, _L)] = zeros
        return carry

    lax.fori_loop(0, _ZR, zfill, 0)
    row0 = s * _RPT
    for t in range(_RPT // _ZR):
        pltpu.sync_copy(zbuf, acc_sh.at[pl.ds(row0 + t * _ZR, _ZR)])
    plsc.subcore_barrier()

    ebase = c * _EPC + s * _EPT2

    def body(i, carry):
        b = ebase + i * _K
        pltpu.sync_copy(src_hbm.at[pl.ds(b, _K)], idx_s)
        pltpu.async_copy(hp_hbm.at[idx_s], rows, sem).wait()
        pltpu.sync_copy(dst_hbm.at[pl.ds(b, _K)], idx_d)
        pltpu.sync_copy(rows, acc_sh.at[idx_d], add=True)
        return carry

    lax.fori_loop(0, _NB, body, 0)
    plsc.subcore_barrier()

    @pl.when(c == 0)
    def _():
        for t in range(_RPT // _ZR):
            pltpu.sync_copy(
                acc_sh.at[pl.ds(row0 + t * _ZR, _ZR)],
                out0_hbm.at[pl.ds(row0 + t * _ZR, _ZR)],
            )

    @pl.when(c == 1)
    def _():
        for t in range(_RPT // _ZR):
            pltpu.sync_copy(
                acc_sh.at[pl.ds(row0 + t * _ZR, _ZR)],
                out1_hbm.at[pl.ds(row0 + t * _ZR, _ZR)],
            )


_BN = 1000
_G = _N // _BN


def _tc1_body(dinv_ref, x_ref, w1_ref, hp_ref):
    h = jnp.dot(x_ref[...], w1_ref[...], preferred_element_type=jnp.float32)
    hp_ref[...] = dinv_ref[...] * h


def _tc2_body(a0_ref, a1_ref, hp_ref, dinv_ref, b1_ref, w2_ref, hp2_ref):
    dinv = dinv_ref[...]
    z = dinv * (a0_ref[...] + a1_ref[...] + hp_ref[...]) + b1_ref[...]
    z = jnp.maximum(z, 0.0)
    hp2_ref[...] = dinv * jnp.dot(z, w2_ref[...], preferred_element_type=jnp.float32)


def _tc3_body(a0_ref, a1_ref, hp2_ref, dinv_ref, b2_ref, out_ref):
    out_ref[...] = (
        dinv_ref[...] * (a0_ref[...] + a1_ref[...] + hp2_ref[...]) + b2_ref[...]
    )


_tc1 = pl.pallas_call(
    _tc1_body,
    grid=(_G,),
    in_specs=[
        pl.BlockSpec((_BN, 1), lambda i: (i, 0)),
        pl.BlockSpec((_BN, _D), lambda i: (i, 0)),
        pl.BlockSpec((_D, _D), lambda i: (0, 0)),
    ],
    out_specs=pl.BlockSpec((_BN, _D), lambda i: (i, 0)),
    out_shape=jax.ShapeDtypeStruct((_N, _D), jnp.float32),
)

_tc2 = pl.pallas_call(
    _tc2_body,
    grid=(_G,),
    in_specs=[
        pl.BlockSpec((_BN, _D), lambda i: (i, 0)),
        pl.BlockSpec((_BN, _D), lambda i: (i, 0)),
        pl.BlockSpec((_BN, _D), lambda i: (i, 0)),
        pl.BlockSpec((_BN, 1), lambda i: (i, 0)),
        pl.BlockSpec((1, _D), lambda i: (0, 0)),
        pl.BlockSpec((_D, _D), lambda i: (0, 0)),
    ],
    out_specs=pl.BlockSpec((_BN, _D), lambda i: (i, 0)),
    out_shape=jax.ShapeDtypeStruct((_N, _D), jnp.float32),
)

_tc3 = pl.pallas_call(
    _tc3_body,
    grid=(_G,),
    in_specs=[
        pl.BlockSpec((_BN, _D), lambda i: (i, 0)),
        pl.BlockSpec((_BN, _D), lambda i: (i, 0)),
        pl.BlockSpec((_BN, _D), lambda i: (i, 0)),
        pl.BlockSpec((_BN, 1), lambda i: (i, 0)),
        pl.BlockSpec((1, _D), lambda i: (0, 0)),
    ],
    out_specs=pl.BlockSpec((_BN, _D), lambda i: (i, 0)),
    out_shape=jax.ShapeDtypeStruct((_N, _D), jnp.float32),
)


def kernel(x, edge_index, W1, b1, W2, b2):
    src = edge_index[0].astype(jnp.int32)
    dst = edge_index[1].astype(jnp.int32)
    b1r = b1.reshape(1, _D)
    b2r = b2.reshape(1, _D)

    dinv = _deg_kernel(dst)[: _N].reshape(_N, 1)
    hp1 = _tc1(dinv, x, W1)
    a0, a1 = _prop_kernel(hp1, src, dst)
    hp2 = _tc2(a0, a1, hp1, dinv, b1r, W2)
    c0, c1 = _prop_kernel(hp2, src, dst)
    out = _tc3(c0, c1, hp2, dinv, b2r)
    return out

# --- scband reference (transcript-rebuilt; emitter-appended) ---
"""Pipeline reference for scband-node-encoder-15771119911318 (READ-ONLY COPY).

The authoritative reference and input builder live on the scoring server;
editing this copy changes nothing except your own understanding.
"""

import jax, jax.numpy as jnp
import numpy as np

NUM_NODES = 10000
NUM_EDGES = 320000
IN_DIM = 128
HIDDEN_DIM = 128
OUT_DIM = 128


def glorot(key, shape):
    fan_in, fan_out = shape[0], shape[1]
    limit = float(np.sqrt(6.0 / (fan_in + fan_out)))
    return jax.random.uniform(key, shape, minval=-limit, maxval=limit, dtype=jnp.float32)


def setup_inputs(seed: int = 0) -> dict:
    key = jax.random.key(seed)
    k_x, k_e, k_w1, k_w2 = jax.random.split(key, 4)
    x = jax.random.normal(k_x, (NUM_NODES, IN_DIM), dtype=jnp.float32)
    edge_index = jax.random.randint(k_e, (2, NUM_EDGES), 0, NUM_NODES, dtype=jnp.int64)
    W1 = glorot(k_w1, (IN_DIM, HIDDEN_DIM))
    b1 = jnp.zeros((HIDDEN_DIM,), dtype=jnp.float32)
    W2 = glorot(k_w2, (HIDDEN_DIM, OUT_DIM))
    b2 = jnp.zeros((OUT_DIM,), dtype=jnp.float32)
    return {"x": x, "edge_index": edge_index, "W1": W1, "b1": b1, "W2": W2, "b2": b2}


def gcn_conv(x, edge_index, W, b, num_nodes):
    # PyG GCNConv semantics: add self-loops, symmetric normalization, linear, scatter-add, bias
    src = edge_index[0]
    dst = edge_index[1]
    loop = jnp.arange(num_nodes, dtype=src.dtype)
    src = jnp.concatenate([src, loop])
    dst = jnp.concatenate([dst, loop])
    deg = jnp.zeros((num_nodes,), dtype=x.dtype).at[dst].add(1.0)
    deg_inv_sqrt = jnp.where(deg > 0, deg ** -0.5, 0.0)
    norm = deg_inv_sqrt[src] * deg_inv_sqrt[dst]
    h = x @ W
    msg = h[src] * norm[:, None]
    out = jnp.zeros((num_nodes, W.shape[1]), dtype=x.dtype).at[dst].add(msg)
    return out + b


def reference(x, edge_index, W1, b1, W2, b2):
    num_nodes = x.shape[0]
    h = jax.nn.relu(gcn_conv(x, edge_index, W1, b1, num_nodes))
    out = gcn_conv(h, edge_index, W2, b2, num_nodes)
    return out

if __name__ == "__main__":
    import jax
    _d = setup_inputs()
    print(jax.jit(kernel)(*tuple(_d.values())))

</pallas_src>

<mosaic_0001>
#map = affine_map<(d0, d1) -> (0, 0)>
#map1 = affine_map<(d0, d1) -> (0)>
module attributes {stable_mosaic.version = 14 : i64} {
  func.func @_prop_kernel(%arg0: i32, %arg1: i32, %arg2: memref<10000x128xf32, #tpu.memory_space<hbm>>, %arg3: memref<320000xi32, #tpu.memory_space<hbm>>, %arg4: memref<320000xi32, #tpu.memory_space<hbm>>, %arg5: memref<10240x128xf32, #tpu.memory_space<hbm>>, %arg6: memref<10240x128xf32, #tpu.memory_space<hbm>>, %arg7: memref<80xi32, #tpu.memory_space<vmem>>, %arg8: memref<80xi32, #tpu.memory_space<vmem>>, %arg9: memref<80x128xf32, #tpu.memory_space<vmem>>, %arg10: memref<128x128xf32, #tpu.memory_space<vmem>>, %arg11: memref<10240x128xf32, #tpu.memory_space<vmem_shared>>, %arg12: memref<!tpu.dma_semaphore, #tpu.memory_space<semaphore_mem>>) attributes {dimension_semantics = [#tpu.dimension_semantics<core_parallel>, #tpu.dimension_semantics<subcore_parallel>], iteration_bounds = array<i64: 2, 16>, scalar_prefetch = 0 : i64, scratch_operands = 6 : i64, tpu.core_type = #tpu.core_type<sc_vector_subcore>, window_params = [{transform_indices = #map}, {transform_indices = #map1}, {transform_indices = #map1}, {transform_indices = #map}, {transform_indices = #map}]} {
    %broadcast_in_dim3A = arith.constant 0.000000e+00 : f32
    %broadcast_in_dim3A_0 = vector.broadcast %broadcast_in_dim3A : f32 to vector<16xf32>
    %scan3A = arith.constant 0 : i32
    %scan3A_1 = arith.constant 0 : i32
    %scan3A_2 = arith.constant 128 : i32
    %scan3A_3 = arith.addi %scan3A_1, %scan3A_2 : i32
    %scan3A_4 = arith.constant 1 : i32
    scf.for %scan3A_35 = %scan3A_1 to %scan3A_3 step %scan3A_4  : i32 {
      %swap3A = arith.index_cast %scan3A_35 : i32 to index
      %swap3A_36 = arith.constant 0 : index
      %swap3A_37 = tpu.vector_load %arg10[%swap3A, %swap3A_36] {strides = array<i32>} : memref<128x128xf32, #tpu.memory_space<vmem>>, vector<16xf32>,
      tpu.vector_store %arg10[%swap3A, %swap3A_36], %broadcast_in_dim3A_0 {strides = array<i32>} : memref<128x128xf32, #tpu.memory_space<vmem>>, vector<16xf32>,
      %swap3A_38 = arith.index_cast %scan3A_35 : i32 to index
      %swap3A_39 = arith.constant 16 : index
      %swap3A_40 = tpu.vector_load %arg10[%swap3A_38, %swap3A_39] {strides = array<i32>} : memref<128x128xf32, #tpu.memory_space<vmem>>, vector<16xf32>,
      tpu.vector_store %arg10[%swap3A_38, %swap3A_39], %broadcast_in_dim3A_0 {strides = array<i32>} : memref<128x128xf32, #tpu.memory_space<vmem>>, vector<16xf32>,
      %swap3A_41 = arith.index_cast %scan3A_35 : i32 to index
      %swap3A_42 = arith.constant 32 : index
      %swap3A_43 = tpu.vector_load %arg10[%swap3A_41, %swap3A_42] {strides = array<i32>} : memref<128x128xf32, #tpu.memory_space<vmem>>, vector<16xf32>,
      tpu.vector_store %arg10[%swap3A_41, %swap3A_42], %broadcast_in_dim3A_0 {strides = array<i32>} : memref<128x128xf32, #tpu.memory_space<vmem>>, vector<16xf32>,
      %swap3A_44 = arith.index_cast %scan3A_35 : i32 to index
      %swap3A_45 = arith.constant 48 : index
      %swap3A_46 = tpu.vector_load %arg10[%swap3A_44, %swap3A_45] {strides = array<i32>} : memref<128x128xf32, #tpu.memory_space<vmem>>, vector<16xf32>,
      tpu.vector_store %arg10[%swap3A_44, %swap3A_45], %broadcast_in_dim3A_0 {strides = array<i32>} : memref<128x128xf32, #tpu.memory_space<vmem>>, vector<16xf32>,
      %swap3A_47 = arith.index_cast %scan3A_35 : i32 to index
      %swap3A_48 = arith.constant 64 : index
      %swap3A_49 = tpu.vector_load %arg10[%swap3A_47, %swap3A_48] {strides = array<i32>} : memref<128x128xf32, #tpu.memory_space<vmem>>, vector<16xf32>,
      tpu.vector_store %arg10[%swap3A_47, %swap3A_48], %broadcast_in_dim3A_0 {strides = array<i32>} : memref<128x128xf32, #tpu.memory_space<vmem>>, vector<16xf32>,
      %swap3A_50 = arith.index_cast %scan3A_35 : i32 to index
      %swap3A_51 = arith.constant 80 : index
      %swap3A_52 = tpu.vector_load %arg10[%swap3A_50, %swap3A_51] {strides = array<i32>} : memref<128x128xf32, #tpu.memory_space<vmem>>, vector<16xf32>,
      tpu.vector_store %arg10[%swap3A_50, %swap3A_51], %broadcast_in_dim3A_0 {strides = array<i32>} : memref<128x128xf32, #tpu.memory_space<vmem>>, vector<16xf32>,
      %swap3A_53 = arith.index_cast %scan3A_35 : i32 to index
      %swap3A_54 = arith.constant 96 : index
      %swap3A_55 = tpu.vector_load %arg10[%swap3A_53, %swap3A_54] {strides = array<i32>} : memref<128x128xf32, #tpu.memory_space<vmem>>, vector<16xf32>,
      tpu.vector_store %arg10[%swap3A_53, %swap3A_54], %broadcast_in_dim3A_0 {strides = array<i32>} : memref<128x128xf32, #tpu.memory_space<vmem>>, vector<16xf32>,
      %swap3A_56 = arith.index_cast %scan3A_35 : i32 to index
      %swap3A_57 = arith.constant 112 : index
      %swap3A_58 = tpu.vector_load %arg10[%swap3A_56, %swap3A_57] {strides = array<i32>} : memref<128x128xf32, #tpu.memory_space<vmem>>, vector<16xf32>,
      tpu.vector_store %arg10[%swap3A_56, %swap3A_57], %broadcast_in_dim3A_0 {strides = array<i32>} : memref<128x128xf32, #tpu.memory_space<vmem>>, vector<16xf32>,
    }
    %scan3A_5 = arith.constant 128 : i32
    %mul3A = arith.constant 640 : i32
    %mul3A_6 = arith.muli %arg1, %mul3A : i32
    %add3A = arith.constant 0 : i32
    %add3A_7 = arith.addi %mul3A_6, %add3A : i32
    "tpu.region"() ({
      %run_scoped3A = tpu.sem_alloc : memref<!tpu.dma_semaphore, #tpu.memory_space<semaphore_mem>>
      %dma_start3A = arith.constant 0 : i32
      %dma_start3A_35 = tpu.memref_slice %arg11[%add3A_7, %dma_start3A] : memref<10240x128xf32, #tpu.memory_space<vmem_shared>> -> memref<128x128xf32, #tpu.memory_space<vmem_shared>>
      %dma_start3A_36 = arith.constant 0 : i32
      %dma_start3A_37 = tpu.memref_slice %arg11[%add3A_7, %dma_start3A_36] : memref<10240x128xf32, #tpu.memory_space<vmem_shared>> -> memref<128x128xf32, #tpu.memory_space<vmem_shared>>
      tpu.enqueue_dma source(%arg10 : memref<128x128xf32, #tpu.memory_space<vmem>>) target(%dma_start3A_37 : memref<128x128xf32, #tpu.memory_space<vmem_shared>>) target_semaphore(%run_scoped3A : memref<!tpu.dma_semaphore, #tpu.memory_space<semaphore_mem>>)
      %dma_wait3A = arith.constant 0 : i32
      %dma_wait3A_38 = tpu.memref_slice %arg11[%add3A_7, %dma_wait3A] : memref<10240x128xf32, #tpu.memory_space<vmem_shared>> -> memref<128x128xf32, #tpu.memory_space<vmem_shared>>
      %dma_wait3A_39 = arith.constant 0 : i32
      %dma_wait3A_40 = tpu.memref_slice %arg11[%add3A_7, %dma_wait3A_39] : memref<10240x128xf32, #tpu.memory_space<vmem_shared>> -> memref<128x128xf32, #tpu.memory_space<vmem_shared>>
      tpu.wait_dma2 semaphore(%run_scoped3A : memref<!tpu.dma_semaphore, #tpu.memory_space<semaphore_mem>>) src(%arg10 : memref<128x128xf32, #tpu.memory_space<vmem>>) dst(%dma_wait3A_40 : memref<128x128xf32, #tpu.memory_space<vmem_shared>>)
      tpu.yield
    }) : () -> ()
    %add3A_8 = arith.constant 128 : i32
    %add3A_9 = arith.addi %mul3A_6, %add3A_8 : i32
    "tpu.region"() ({
      %run_scoped3A = tpu.sem_alloc : memref<!tpu.dma_semaphore, #tpu.memory_space<semaphore_mem>>
      %dma_start3A = arith.constant 0 : i32
      %dma_start3A_35 = tpu.memref_slice %arg11[%add3A_9, %dma_start3A] : memref<10240x128xf32, #tpu.memory_space<vmem_shared>> -> memref<128x128xf32, #tpu.memory_space<vmem_shared>>
      %dma_start3A_36 = arith.constant 0 : i32
      %dma_start3A_37 = tpu.memref_slice %arg11[%add3A_9, %dma_start3A_36] : memref<10240x128xf32, #tpu.memory_space<vmem_shared>> -> memref<128x128xf32, #tpu.memory_space<vmem_shared>>
      tpu.enqueue_dma source(%arg10 : memref<128x128xf32, #tpu.memory_space<vmem>>) target(%dma_start3A_37 : memref<128x128xf32, #tpu.memory_space<vmem_shared>>) target_semaphore(%run_scoped3A : memref<!tpu.dma_semaphore, #tpu.memory_space<semaphore_mem>>)
      %dma_wait3A = arith.constant 0 : i32
      %dma_wait3A_38 = tpu.memref_slice %arg11[%add3A_9, %dma_wait3A] : memref<10240x128xf32, #tpu.memory_space<vmem_shared>> -> memref<128x128xf32, #tpu.memory_space<vmem_shared>>
      %dma_wait3A_39 = arith.constant 0 : i32
      %dma_wait3A_40 = tpu.memref_slice %arg11[%add3A_9, %dma_wait3A_39] : memref<10240x128xf32, #tpu.memory_space<vmem_shared>> -> memref<128x128xf32, #tpu.memory_space<vmem_shared>>
      tpu.wait_dma2 semaphore(%run_scoped3A : memref<!tpu.dma_semaphore, #tpu.memory_space<semaphore_mem>>) src(%arg10 : memref<128x128xf32, #tpu.memory_space<vmem>>) dst(%dma_wait3A_40 : memref<128x128xf32, #tpu.memory_space<vmem_shared>>)
      tpu.yield
    }) : () -> ()
    %add3A_10 = arith.constant 256 : i32
    %add3A_11 = arith.addi %mul3A_6, %add3A_10 : i32
    "tpu.region"() ({
      %run_scoped3A = tpu.sem_alloc : memref<!tpu.dma_semaphore, #tpu.memory_space<semaphore_mem>>
      %dma_start3A = arith.constant 0 : i32
      %dma_start3A_35 = tpu.memref_slice %arg11[%add3A_11, %dma_start3A] : memref<10240x128xf32, #tpu.memory_space<vmem_shared>> -> memref<128x128xf32, #tpu.memory_space<vmem_shared>>
      %dma_start3A_36 = arith.constant 0 : i32
      %dma_start3A_37 = tpu.memref_slice %arg11[%add3A_11, %dma_start3A_36] : memref<10240x128xf32, #tpu.memory_space<vmem_shared>> -> memref<128x128xf32, #tpu.memory_space<vmem_shared>>
      tpu.enqueue_dma source(%arg10 : memref<128x128xf32, #tpu.memory_space<vmem>>) target(%dma_start3A_37 : memref<128x128xf32, #tpu.memory_space<vmem_shared>>) target_semaphore(%run_scoped3A : memref<!tpu.dma_semaphore, #tpu.memory_space<semaphore_mem>>)
      %dma_wait3A = arith.constant 0 : i32
      %dma_wait3A_38 = tpu.memref_slice %arg11[%add3A_11, %dma_wait3A] : memref<10240x128xf32, #tpu.memory_space<vmem_shared>> -> memref<128x128xf32, #tpu.memory_space<vmem_shared>>
      %dma_wait3A_39 = arith.constant 0 : i32
      %dma_wait3A_40 = tpu.memref_slice %arg11[%add3A_11, %dma_wait3A_39] : memref<10240x128xf32, #tpu.memory_space<vmem_shared>> -> memref<128x128xf32, #tpu.memory_space<vmem_shared>>
      tpu.wait_dma2 semaphore(%run_scoped3A : memref<!tpu.dma_semaphore, #tpu.memory_space<semaphore_mem>>) src(%arg10 : memref<128x128xf32, #tpu.memory_space<vmem>>) dst(%dma_wait3A_40 : memref<128x128xf32, #tpu.memory_space<vmem_shared>>)
      tpu.yield
    }) : () -> ()
    %add3A_12 = arith.constant 384 : i32
    %add3A_13 = arith.addi %mul3A_6, %add3A_12 : i32
    "tpu.region"() ({
      %run_scoped3A = tpu.sem_alloc : memref<!tpu.dma_semaphore, #tpu.memory_space<semaphore_mem>>
      %dma_start3A = arith.constant 0 : i32
      %dma_start3A_35 = tpu.memref_slice %arg11[%add3A_13, %dma_start3A] : memref<10240x128xf32, #tpu.memory_space<vmem_shared>> -> memref<128x128xf32, #tpu.memory_space<vmem_shared>>
      %dma_start3A_36 = arith.constant 0 : i32
      %dma_start3A_37 = tpu.memref_slice %arg11[%add3A_13, %dma_start3A_36] : memref<10240x128xf32, #tpu.memory_space<vmem_shared>> -> memref<128x128xf32, #tpu.memory_space<vmem_shared>>
      tpu.enqueue_dma source(%arg10 : memref<128x128xf32, #tpu.memory_space<vmem>>) target(%dma_start3A_37 : memref<128x128xf32, #tpu.memory_space<vmem_shared>>) target_semaphore(%run_scoped3A : memref<!tpu.dma_semaphore, #tpu.memory_space<semaphore_mem>>)
      %dma_wait3A = arith.constant 0 : i32
      %dma_wait3A_38 = tpu.memref_slice %arg11[%add3A_13, %dma_wait3A] : memref<10240x128xf32, #tpu.memory_space<vmem_shared>> -> memref<128x128xf32, #tpu.memory_space<vmem_shared>>
      %dma_wait3A_39 = arith.constant 0 : i32
      %dma_wait3A_40 = tpu.memref_slice %arg11[%add3A_13, %dma_wait3A_39] : memref<10240x128xf32, #tpu.memory_space<vmem_shared>> -> memref<128x128xf32, #tpu.memory_space<vmem_shared>>
      tpu.wait_dma2 semaphore(%run_scoped3A : memref<!tpu.dma_semaphore, #tpu.memory_space<semaphore_mem>>) src(%arg10 : memref<128x128xf32, #tpu.memory_space<vmem>>) dst(%dma_wait3A_40 : memref<128x128xf32, #tpu.memory_space<vmem_shared>>)
      tpu.yield
    }) : () -> ()
    %add3A_14 = arith.constant 512 : i32
    %add3A_15 = arith.addi %mul3A_6, %add3A_14 : i32
    "tpu.region"() ({
      %run_scoped3A = tpu.sem_alloc : memref<!tpu.dma_semaphore, #tpu.memory_space<semaphore_mem>>
      %dma_start3A = arith.constant 0 : i32
      %dma_start3A_35 = tpu.memref_slice %arg11[%add3A_15, %dma_start3A] : memref<10240x128xf32, #tpu.memory_space<vmem_shared>> -> memref<128x128xf32, #tpu.memory_space<vmem_shared>>
      %dma_start3A_36 = arith.constant 0 : i32
      %dma_start3A_37 = tpu.memref_slice %arg11[%add3A_15, %dma_start3A_36] : memref<10240x128xf32, #tpu.memory_space<vmem_shared>> -> memref<128x128xf32, #tpu.memory_space<vmem_shared>>
      tpu.enqueue_dma source(%arg10 : memref<128x128xf32, #tpu.memory_space<vmem>>) target(%dma_start3A_37 : memref<128x128xf32, #tpu.memory_space<vmem_shared>>) target_semaphore(%run_scoped3A : memref<!tpu.dma_semaphore, #tpu.memory_space<semaphore_mem>>)
      %dma_wait3A = arith.constant 0 : i32
      %dma_wait3A_38 = tpu.memref_slice %arg11[%add3A_15, %dma_wait3A] : memref<10240x128xf32, #tpu.memory_space<vmem_shared>> -> memref<128x128xf32, #tpu.memory_space<vmem_shared>>
      %dma_wait3A_39 = arith.constant 0 : i32
      %dma_wait3A_40 = tpu.memref_slice %arg11[%add3A_15, %dma_wait3A_39] : memref<10240x128xf32, #tpu.memory_space<vmem_shared>> -> memref<128x128xf32, #tpu.memory_space<vmem_shared>>
      tpu.wait_dma2 semaphore(%run_scoped3A : memref<!tpu.dma_semaphore, #tpu.memory_space<semaphore_mem>>) src(%arg10 : memref<128x128xf32, #tpu.memory_space<vmem>>) dst(%dma_wait3A_40 : memref<128x128xf32, #tpu.memory_space<vmem_shared>>)
      tpu.yield
    }) : () -> ()
    %barrier3A = arith.constant 0 : index
    tpu.barrier barrier_id(%barrier3A)
    %mul3A_16 = arith.constant 160000 : i32
    %mul3A_17 = arith.muli %arg0, %mul3A_16 : i32
    %mul3A_18 = arith.constant 10000 : i32
    %mul3A_19 = arith.muli %arg1, %mul3A_18 : i32
    %add3A_20 = arith.addi %mul3A_17, %mul3A_19 : i32
    %scan3A_21 = arith.constant 0 : i32
    %scan3A_22 = arith.constant 0 : i32
    %scan3A_23 = arith.constant 125 : i32
    %scan3A_24 = arith.addi %scan3A_22, %scan3A_23 : i32
    %scan3A_25 = arith.constant 1 : i32
    scf.for %scan3A_35 = %scan3A_22 to %scan3A_24 step %scan3A_25  : i32 {
      %mul3A_36 = arith.constant 80 : i32
      %mul3A_37 = arith.muli %scan3A_35, %mul3A_36 : i32
      %add3A_38 = arith.addi %add3A_20, %mul3A_37 : i32
      "tpu.region"() ({
        %run_scoped3A = tpu.sem_alloc : memref<!tpu.dma_semaphore, #tpu.memory_space<semaphore_mem>>
        %dma_start3A_43 = tpu.memref_slice %arg3[%add3A_38] : memref<320000xi32, #tpu.memory_space<hbm>> -> memref<80xi32, #tpu.memory_space<hbm>>
        %dma_start3A_44 = tpu.memref_slice %arg3[%add3A_38] : memref<320000xi32, #tpu.memory_space<hbm>> -> memref<80xi32, #tpu.memory_space<hbm>>
        tpu.enqueue_dma source(%dma_start3A_44 : memref<80xi32, #tpu.memory_space<hbm>>) target(%arg7 : memref<80xi32, #tpu.memory_space<vmem>>) target_semaphore(%run_scoped3A : memref<!tpu.dma_semaphore, #tpu.memory_space<semaphore_mem>>)
        %dma_wait3A_45 = tpu.memref_slice %arg3[%add3A_38] : memref<320000xi32, #tpu.memory_space<hbm>> -> memref<80xi32, #tpu.memory_space<hbm>>
        %dma_wait3A_46 = tpu.memref_slice %arg3[%add3A_38] : memref<320000xi32, #tpu.memory_space<hbm>> -> memref<80xi32, #tpu.memory_space<hbm>>
        tpu.wait_dma2 semaphore(%run_scoped3A : memref<!tpu.dma_semaphore, #tpu.memory_space<semaphore_mem>>) src(%dma_wait3A_46 : memref<80xi32, #tpu.memory_space<hbm>>) dst(%arg7 : memref<80xi32, #tpu.memory_space<vmem>>)
        tpu.yield
      }) : () -> ()
      %dma_start3A = arith.constant 0 : i32
      %dma_start3A_39 = arith.constant 0 : i32
      %dma_start3A_40 = tpu.memref_slice %arg2[%dma_start3A, %dma_start3A_39] : memref<10000x128xf32, #tpu.memory_space<hbm>> -> memref<10000x128xf32, #tpu.memory_space<hbm>>
      tpu.enqueue_indirect_dma source(%dma_start3A_40 : memref<10000x128xf32, #tpu.memory_space<hbm>>) target(%arg9 : memref<80x128xf32, #tpu.memory_space<vmem>>) offsets(%arg7 : memref<80xi32, #tpu.memory_space<vmem>>) semaphore(%arg12 : memref<!tpu.dma_semaphore, #tpu.memory_space<semaphore_mem>>)
      %dma_wait3A = arith.constant 0 : i32
      %dma_wait3A_41 = arith.constant 0 : i32
      %dma_wait3A_42 = tpu.memref_slice %arg2[%dma_wait3A, %dma_wait3A_41] : memref<10000x128xf32, #tpu.memory_space<hbm>> -> memref<10000x128xf32, #tpu.memory_space<hbm>>
      tpu.wait_indirect_dma semaphore(%arg12 : memref<!tpu.dma_semaphore, #tpu.memory_space<semaphore_mem>>) src(%dma_wait3A_42 : memref<10000x128xf32, #tpu.memory_space<hbm>>) dst(%arg9 : memref<80x128xf32, #tpu.memory_space<vmem>>)
      "tpu.region"() ({
        %run_scoped3A = tpu.sem_alloc : memref<!tpu.dma_semaphore, #tpu.memory_space<semaphore_mem>>
        %dma_start3A_43 = tpu.memref_slice %arg4[%add3A_38] : memref<320000xi32, #tpu.memory_space<hbm>> -> memref<80xi32, #tpu.memory_space<hbm>>
        %dma_start3A_44 = tpu.memref_slice %arg4[%add3A_38] : memref<320000xi32, #tpu.memory_space<hbm>> -> memref<80xi32, #tpu.memory_space<hbm>>
        tpu.enqueue_dma source(%dma_start3A_44 : memref<80xi32, #tpu.memory_space<hbm>>) target(%arg8 : memref<80xi32, #tpu.memory_space<vmem>>) target_semaphore(%run_scoped3A : memref<!tpu.dma_semaphore, #tpu.memory_space<semaphore_mem>>)
        %dma_wait3A_45 = tpu.memref_slice %arg4[%add3A_38] : memref<320000xi32, #tpu.memory_space<hbm>> -> memref<80xi32, #tpu.memory_space<hbm>>
        %dma_wait3A_46 = tpu.memref_slice %arg4[%add3A_38] : memref<320000xi32, #tpu.memory_space<hbm>> -> memref<80xi32, #tpu.memory_space<hbm>>
        tpu.wait_dma2 semaphore(%run_scoped3A : memref<!tpu.dma_semaphore, #tpu.memory_space<semaphore_mem>>) src(%dma_wait3A_46 : memref<80xi32, #tpu.memory_space<hbm>>) dst(%arg8 : memref<80xi32, #tpu.memory_space<vmem>>)
        tpu.yield
      }) : () -> ()
      "tpu.region"() ({
        %run_scoped3A = tpu.sem_alloc : memref<!tpu.dma_semaphore, #tpu.memory_space<semaphore_mem>>
        %dma_start3A_43 = arith.constant 0 : i32
        %dma_start3A_44 = arith.constant 0 : i32
        %dma_start3A_45 = tpu.memref_slice %arg11[%dma_start3A_43, %dma_start3A_44] : memref<10240x128xf32, #tpu.memory_space<vmem_shared>> -> memref<10240x128xf32, #tpu.memory_space<vmem_shared>>
        tpu.enqueue_indirect_dma source(%arg9 : memref<80x128xf32, #tpu.memory_space<vmem>>) target(%dma_start3A_45 : memref<10240x128xf32, #tpu.memory_space<vmem_shared>>) offsets(%arg8 : memref<80xi32, #tpu.memory_space<vmem>>) semaphore(%run_scoped3A : memref<!tpu.dma_semaphore, #tpu.memory_space<semaphore_mem>>) {add = true}
        %dma_wait3A_46 = arith.constant 0 : i32
        %dma_wait3A_47 = arith.constant 0 : i32
        %dma_wait3A_48 = tpu.memref_slice %arg11[%dma_wait3A_46, %dma_wait3A_47] : memref<10240x128xf32, #tpu.memory_space<vmem_shared>> -> memref<10240x128xf32, #tpu.memory_space<vmem_shared>>
        tpu.wait_indirect_dma semaphore(%run_scoped3A : memref<!tpu.dma_semaphore, #tpu.memory_space<semaphore_mem>>) src(%arg9 : memref<80x128xf32, #tpu.memory_space<vmem>>) dst(%dma_wait3A_48 : memref<10240x128xf32, #tpu.memory_space<vmem_shared>>)
        tpu.yield
      }) : () -> ()
    }
    %scan3A_26 = arith.constant 125 : i32
    %barrier3A_27 = arith.constant 0 : index
    tpu.barrier barrier_id(%barrier3A_27)
    %eq3A = arith.constant 0 : i32
    %eq3A_28 = arith.cmpi eq, %arg0, %eq3A : i32
    %convert_element_type3A = arith.extui %eq3A_28 : i1 to i32
    %cond3A = arith.constant 0 : i32
    %cond3A_29 = arith.cmpi ne, %convert_element_type3A, %cond3A : i32
    scf.if %cond3A_29 {
      %add3A_35 = arith.constant 0 : i32
      %add3A_36 = arith.addi %mul3A_6, %add3A_35 : i32
      %add3A_37 = arith.constant 0 : i32
      %add3A_38 = arith.addi %mul3A_6, %add3A_37 : i32
      "tpu.region"() ({
        %run_scoped3A = tpu.sem_alloc : memref<!tpu.dma_semaphore, #tpu.memory_space<semaphore_mem>>
        %dma_start3A = arith.constant 0 : i32
        %dma_start3A_55 = tpu.memref_slice %arg5[%add3A_38, %dma_start3A] : memref<10240x128xf32, #tpu.memory_space<hbm>> -> memref<128x128xf32, #tpu.memory_space<hbm>>
        %dma_start3A_56 = arith.constant 0 : i32
        %dma_start3A_57 = tpu.memref_slice %arg11[%add3A_36, %dma_start3A_56] : memref<10240x128xf32, #tpu.memory_space<vmem_shared>> -> memref<128x128xf32, #tpu.memory_space<vmem_shared>>
        tpu.enqueue_dma source(%dma_start3A_57 : memref<128x128xf32, #tpu.memory_space<vmem_shared>>) target(%dma_start3A_55 : memref<128x128xf32, #tpu.memory_space<hbm>>) target_semaphore(%run_scoped3A : memref<!tpu.dma_semaphore, #tpu.memory_space<semaphore_mem>>)
        %dma_wait3A = arith.constant 0 : i32
        %dma_wait3A_58 = tpu.memref_slice %arg5[%add3A_38, %dma_wait3A] : memref<10240x128xf32, #tpu.memory_space<hbm>> -> memref<128x128xf32, #tpu.memory_space<hbm>>
        %dma_wait3A_59 = arith.constant 0 : i32
        %dma_wait3A_60 = tpu.memref_slice %arg11[%add3A_36, %dma_wait3A_59] : memref<10240x128xf32, #tpu.memory_space<vmem_shared>> -> memref<128x128xf32, #tpu.memory_space<vmem_shared>>
        tpu.wait_dma2 semaphore(%run_scoped3A : memref<!tpu.dma_semaphore, #tpu.memory_space<semaphore_mem>>) src(%dma_wait3A_60 : memref<128x128xf32, #tpu.memory_space<vmem_shared>>) dst(%dma_wait3A_58 : memref<128x128xf32, #tpu.memory_space<hbm>>)
        tpu.yield
      }) : () -> ()
      %add3A_39 = arith.constant 128 : i32
      %add3A_40 = arith.addi %mul3A_6, %add3A_39 : i32
      %add3A_41 = arith.constant 128 : i32
      %add3A_42 = arith.addi %mul3A_6, %add3A_41 : i32
      "tpu.region"() ({
        %run_scoped3A = tpu.sem_alloc : memref<!tpu.dma_semaphore, #tpu.memory_space<semaphore_mem>>
        %dma_start3A = arith.constant 0 : i32
        %dma_start3A_55 = tpu.memref_slice %arg5[%add3A_42, %dma_start3A] : memref<10240x128xf32, #tpu.memory_space<hbm>> -> memref<128x128xf32, #tpu.memory_space<hbm>>
        %dma_start3A_56 = arith.constant 0 : i32
        %dma_start3A_57 = tpu.memref_slice %arg11[%add3A_40, %dma_start3A_56] : memref<10240x128xf32, #tpu.memory_space<vmem_shared>> -> memref<128x128xf32, #tpu.memory_space<vmem_shared>>
        tpu.enqueue_dma source(%dma_start3A_57 : memref<128x128xf32, #tpu.memory_space<vmem_shared>>) target(%dma_start3A_55 : memref<128x128xf32, #tpu.memory_space<hbm>>) target_semaphore(%run_scoped3A : memref<!tpu.dma_semaphore, #tpu.memory_space<semaphore_mem>>)
        %dma_wait3A = arith.constant 0 : i32
        %dma_wait3A_58 = tpu.memref_slice %arg5[%add3A_42, %dma_wait3A] : memref<10240x128xf32, #tpu.memory_space<hbm>> -> memref<128x128xf32, #tpu.memory_space<hbm>>
        %dma_wait3A_59 = arith.constant 0 : i32
        %dma_wait3A_60 = tpu.memref_slice %arg11[%add3A_40, %dma_wait3A_59] : memref<10240x128xf32, #tpu.memory_space<vmem_shared>> -> memref<128x128xf32, #tpu.memory_space<vmem_shared>>
        tpu.wait_dma2 semaphore(%run_scoped3A : memref<!tpu.dma_semaphore, #tpu.memory_space<semaphore_mem>>) src(%dma_wait3A_60 : memref<128x128xf32, #tpu.memory_space<vmem_shared>>) dst(%dma_wait3A_58 : memref<128x128xf32, #tpu.memory_space<hbm>>)
        tpu.yield
      }) : () -> ()
      %add3A_43 = arith.constant 256 : i32
      %add3A_44 = arith.addi %mul3A_6, %add3A_43 : i32
      %add3A_45 = arith.constant 256 : i32
      %add3A_46 = arith.addi %mul3A_6, %add3A_45 : i32
      "tpu.region"() ({
        %run_scoped3A = tpu.sem_alloc : memref<!tpu.dma_semaphore, #tpu.memory_space<semaphore_mem>>
        %dma_start3A = arith.constant 0 : i32
        %dma_start3A_55 = tpu.memref_slice %arg5[%add3A_46, %dma_start3A] : memref<10240x128xf32, #tpu.memory_space<hbm>> -> memref<128x128xf32, #tpu.memory_space<hbm>>
        %dma_start3A_56 = arith.constant 0 : i32
        %dma_start3A_57 = tpu.memref_slice %arg11[%add3A_44, %dma_start3A_56] : memref<10240x128xf32, #tpu.memory_space<vmem_shared>> -> memref<128x128xf32, #tpu.memory_space<vmem_shared>>
        tpu.enqueue_dma source(%dma_start3A_57 : memref<128x128xf32, #tpu.memory_space<vmem_shared>>) target(%dma_start3A_55 : memref<128x128xf32, #tpu.memory_space<hbm>>) target_semaphore(%run_scoped3A : memref<!tpu.dma_semaphore, #tpu.memory_space<semaphore_mem>>)
        %dma_wait3A = arith.constant 0 : i32
        %dma_wait3A_58 = tpu.memref_slice %arg5[%add3A_46, %dma_wait3A] : memref<10240x128xf32, #tpu.memory_space<hbm>> -> memref<128x128xf32, #tpu.memory_space<hbm>>
        %dma_wait3A_59 = arith.constant 0 : i32
        %dma_wait3A_60 = tpu.memref_slice %arg11[%add3A_44, %dma_wait3A_59] : memref<10240x128xf32, #tpu.memory_space<vmem_shared>> -> memref<128x128xf32, #tpu.memory_space<vmem_shared>>
        tpu.wait_dma2 semaphore(%run_scoped3A : memref<!tpu.dma_semaphore, #tpu.memory_space<semaphore_mem>>) src(%dma_wait3A_60 : memref<128x128xf32, #tpu.memory_space<vmem_shared>>) dst(%dma_wait3A_58 : memref<128x128xf32, #tpu.memory_space<hbm>>)
        tpu.yield
      }) : () -> ()
      %add3A_47 = arith.constant 384 : i32
      %add3A_48 = arith.addi %mul3A_6, %add3A_47 : i32
      %add3A_49 = arith.constant 384 : i32
      %add3A_50 = arith.addi %mul3A_6, %add3A_49 : i32
      "tpu.region"() ({
        %run_scoped3A = tpu.sem_alloc : memref<!tpu.dma_semaphore, #tpu.memory_space<semaphore_mem>>
        %dma_start3A = arith.constant 0 : i32
        %dma_start3A_55 = tpu.memref_slice %arg5[%add3A_50, %dma_start3A] : memref<10240x128xf32, #tpu.memory_space<hbm>> -> memref<128x128xf32, #tpu.memory_space<hbm>>
        %dma_start3A_56 = arith.constant 0 : i32
        %dma_start3A_57 = tpu.memref_slice %arg11[%add3A_48, %dma_start3A_56] : memref<10240x128xf32, #tpu.memory_space<vmem_shared>> -> memref<128x128xf32, #tpu.memory_space<vmem_shared>>
        tpu.enqueue_dma source(%dma_start3A_57 : memref<128x128xf32, #tpu.memory_space<vmem_shared>>) target(%dma_start3A_55 : memref<128x128xf32, #tpu.memory_space<hbm>>) target_semaphore(%run_scoped3A : memref<!tpu.dma_semaphore, #tpu.memory_space<semaphore_mem>>)
        %dma_wait3A = arith.constant 0 : i32
        %dma_wait3A_58 = tpu.memref_slice %arg5[%add3A_50, %dma_wait3A] : memref<10240x128xf32, #tpu.memory_space<hbm>> -> memref<128x128xf32, #tpu.memory_space<hbm>>
        %dma_wait3A_59 = arith.constant 0 : i32
        %dma_wait3A_60 = tpu.memref_slice %arg11[%add3A_48, %dma_wait3A_59] : memref<10240x128xf32, #tpu.memory_space<vmem_shared>> -> memref<128x128xf32, #tpu.memory_space<vmem_shared>>
        tpu.wait_dma2 semaphore(%run_scoped3A : memref<!tpu.dma_semaphore, #tpu.memory_space<semaphore_mem>>) src(%dma_wait3A_60 : memref<128x128xf32, #tpu.memory_space<vmem_shared>>) dst(%dma_wait3A_58 : memref<128x128xf32, #tpu.memory_space<hbm>>)
        tpu.yield
      }) : () -> ()
      %add3A_51 = arith.constant 512 : i32
      %add3A_52 = arith.addi %mul3A_6, %add3A_51 : i32
      %add3A_53 = arith.constant 512 : i32
      %add3A_54 = arith.addi %mul3A_6, %add3A_53 : i32
      "tpu.region"() ({
        %run_scoped3A = tpu.sem_alloc : memref<!tpu.dma_semaphore, #tpu.memory_space<semaphore_mem>>
        %dma_start3A = arith.constant 0 : i32
        %dma_start3A_55 = tpu.memref_slice %arg5[%add3A_54, %dma_start3A] : memref<10240x128xf32, #tpu.memory_space<hbm>> -> memref<128x128xf32, #tpu.memory_space<hbm>>
        %dma_start3A_56 = arith.constant 0 : i32
        %dma_start3A_57 = tpu.memref_slice %arg11[%add3A_52, %dma_start3A_56] : memref<10240x128xf32, #tpu.memory_space<vmem_shared>> -> memref<128x128xf32, #tpu.memory_space<vmem_shared>>
        tpu.enqueue_dma source(%dma_start3A_57 : memref<128x128xf32, #tpu.memory_space<vmem_shared>>) target(%dma_start3A_55 : memref<128x128xf32, #tpu.memory_space<hbm>>) target_semaphore(%run_scoped3A : memref<!tpu.dma_semaphore, #tpu.memory_space<semaphore_mem>>)
        %dma_wait3A = arith.constant 0 : i32
        %dma_wait3A_58 = tpu.memref_slice %arg5[%add3A_54, %dma_wait3A] : memref<10240x128xf32, #tpu.memory_space<hbm>> -> memref<128x128xf32, #tpu.memory_space<hbm>>
        %dma_wait3A_59 = arith.constant 0 : i32
        %dma_wait3A_60 = tpu.memref_slice %arg11[%add3A_52, %dma_wait3A_59] : memref<10240x128xf32, #tpu.memory_space<vmem_shared>> -> memref<128x128xf32, #tpu.memory_space<vmem_shared>>
        tpu.wait_dma2 semaphore(%run_scoped3A : memref<!tpu.dma_semaphore, #tpu.memory_space<semaphore_mem>>) src(%dma_wait3A_60 : memref<128x128xf32, #tpu.memory_space<vmem_shared>>) dst(%dma_wait3A_58 : memref<128x128xf32, #tpu.memory_space<hbm>>)
        tpu.yield
      }) : () -> ()
    } else {
    }
    %eq3A_30 = arith.constant 1 : i32
    %eq3A_31 = arith.cmpi eq, %arg0, %eq3A_30 : i32
    %convert_element_type3A_32 = arith.extui %eq3A_31 : i1 to i32
    %cond3A_33 = arith.constant 0 : i32
    %cond3A_34 = arith.cmpi ne, %convert_element_type3A_32, %cond3A_33 : i32
    scf.if %cond3A_34 {
      %add3A_35 = arith.constant 0 : i32
      %add3A_36 = arith.addi %mul3A_6, %add3A_35 : i32
      %add3A_37 = arith.constant 0 : i32
      %add3A_38 = arith.addi %mul3A_6, %add3A_37 : i32
      "tpu.region"() ({
        %run_scoped3A = tpu.sem_alloc : memref<!tpu.dma_semaphore, #tpu.memory_space<semaphore_mem>>
        %dma_start3A = arith.constant 0 : i32
        %dma_start3A_55 = tpu.memref_slice %arg6[%add3A_38, %dma_start3A] : memref<10240x128xf32, #tpu.memory_space<hbm>> -> memref<128x128xf32, #tpu.memory_space<hbm>>
        %dma_start3A_56 = arith.constant 0 : i32
        %dma_start3A_57 = tpu.memref_slice %arg11[%add3A_36, %dma_start3A_56] : memref<10240x128xf32, #tpu.memory_space<vmem_shared>> -> memref<128x128xf32, #tpu.memory_space<vmem_shared>>
        tpu.enqueue_dma source(%dma_start3A_57 : memref<128x128xf32, #tpu.memory_space<vmem_shared>>) target(%dma_start3A_55 : memref<128x128xf32, #tpu.memory_space<hbm>>) target_semaphore(%run_scoped3A : memref<!tpu.dma_semaphore, #tpu.memory_space<semaphore_mem>>)
        %dma_wait3A = arith.constant 0 : i32
        %dma_wait3A_58 = tpu.memref_slice %arg6[%add3A_38, %dma_wait3A] : memref<10240x128xf32, #tpu.memory_space<hbm>> -> memref<128x128xf32, #tpu.memory_space<hbm>>
        %dma_wait3A_59 = arith.constant 0 : i32
        %dma_wait3A_60 = tpu.memref_slice %arg11[%add3A_36, %dma_wait3A_59] : memref<10240x128xf32, #tpu.memory_space<vmem_shared>> -> memref<128x128xf32, #tpu.memory_space<vmem_shared>>
        tpu.wait_dma2 semaphore(%run_scoped3A : memref<!tpu.dma_semaphore, #tpu.memory_space<semaphore_mem>>) src(%dma_wait3A_60 : memref<128x128xf32, #tpu.memory_space<vmem_shared>>) dst(%dma_wait3A_58 : memref<128x128xf32, #tpu.memory_space<hbm>>)
        tpu.yield
      }) : () -> ()
      %add3A_39 = arith.constant 128 : i32
      %add3A_40 = arith.addi %mul3A_6, %add3A_39 : i32
      %add3A_41 = arith.constant 128 : i32
      %add3A_42 = arith.addi %mul3A_6, %add3A_41 : i32
      "tpu.region"() ({
        %run_scoped3A = tpu.sem_alloc : memref<!tpu.dma_semaphore, #tpu.memory_space<semaphore_mem>>
        %dma_start3A = arith.constant 0 : i32
        %dma_start3A_55 = tpu.memref_slice %arg6[%add3A_42, %dma_start3A] : memref<10240x128xf32, #tpu.memory_space<hbm>> -> memref<128x128xf32, #tpu.memory_space<hbm>>
        %dma_start3A_56 = arith.constant 0 : i32
        %dma_start3A_57 = tpu.memref_slice %arg11[%add3A_40, %dma_start3A_56] : memref<10240x128xf32, #tpu.memory_space<vmem_shared>> -> memref<128x128xf32, #tpu.memory_space<vmem_shared>>
        tpu.enqueue_dma source(%dma_start3A_57 : memref<128x128xf32, #tpu.memory_space<vmem_shared>>) target(%dma_start3A_55 : memref<128x128xf32, #tpu.memory_space<hbm>>) target_semaphore(%run_scoped3A : memref<!tpu.dma_semaphore, #tpu.memory_space<semaphore_mem>>)
        %dma_wait3A = arith.constant 0 : i32
        %dma_wait3A_58 = tpu.memref_slice %arg6[%add3A_42, %dma_wait3A] : memref<10240x128xf32, #tpu.memory_space<hbm>> -> memref<128x128xf32, #tpu.memory_space<hbm>>
        %dma_wait3A_59 = arith.constant 0 : i32
        %dma_wait3A_60 = tpu.memref_slice %arg11[%add3A_40, %dma_wait3A_59] : memref<10240x128xf32, #tpu.memory_space<vmem_shared>> -> memref<128x128xf32, #tpu.memory_space<vmem_shared>>
        tpu.wait_dma2 semaphore(%run_scoped3A : memref<!tpu.dma_semaphore, #tpu.memory_space<semaphore_mem>>) src(%dma_wait3A_60 : memref<128x128xf32, #tpu.memory_space<vmem_shared>>) dst(%dma_wait3A_58 : memref<128x128xf32, #tpu.memory_space<hbm>>)
        tpu.yield
      }) : () -> ()
      %add3A_43 = arith.constant 256 : i32
      %add3A_44 = arith.addi %mul3A_6, %add3A_43 : i32
      %add3A_45 = arith.constant 256 : i32
      %add3A_46 = arith.addi %mul3A_6, %add3A_45 : i32
      "tpu.region"() ({
        %run_scoped3A = tpu.sem_alloc : memref<!tpu.dma_semaphore, #tpu.memory_space<semaphore_mem>>
        %dma_start3A = arith.constant 0 : i32
        %dma_start3A_55 = tpu.memref_slice %arg6[%add3A_46, %dma_start3A] : memref<10240x128xf32, #tpu.memory_space<hbm>> -> memref<128x128xf32, #tpu.memory_space<hbm>>
        %dma_start3A_56 = arith.constant 0 : i32
        %dma_start3A_57 = tpu.memref_slice %arg11[%add3A_44, %dma_start3A_56] : memref<10240x128xf32, #tpu.memory_space<vmem_shared>> -> memref<128x128xf32, #tpu.memory_space<vmem_shared>>
        tpu.enqueue_dma source(%dma_start3A_57 : memref<128x128xf32, #tpu.memory_space<vmem_shared>>) target(%dma_start3A_55 : memref<128x128xf32, #tpu.memory_space<hbm>>) target_semaphore(%run_scoped3A : memref<!tpu.dma_semaphore, #tpu.memory_space<semaphore_mem>>)
        %dma_wait3A = arith.constant 0 : i32
        %dma_wait3A_58 = tpu.memref_slice %arg6[%add3A_46, %dma_wait3A] : memref<10240x128xf32, #tpu.memory_space<hbm>> -> memref<128x128xf32, #tpu.memory_space<hbm>>
        %dma_wait3A_59 = arith.constant 0 : i32
        %dma_wait3A_60 = tpu.memref_slice %arg11[%add3A_44, %dma_wait3A_59] : memref<10240x128xf32, #tpu.memory_space<vmem_shared>> -> memref<128x128xf32, #tpu.memory_space<vmem_shared>>
        tpu.wait_dma2 semaphore(%run_scoped3A : memref<!tpu.dma_semaphore, #tpu.memory_space<semaphore_mem>>) src(%dma_wait3A_60 : memref<128x128xf32, #tpu.memory_space<vmem_shared>>) dst(%dma_wait3A_58 : memref<128x128xf32, #tpu.memory_space<hbm>>)
        tpu.yield
      }) : () -> ()
      %add3A_47 = arith.constant 384 : i32
      %add3A_48 = arith.addi %mul3A_6, %add3A_47 : i32
      %add3A_49 = arith.constant 384 : i32
      %add3A_50 = arith.addi %mul3A_6, %add3A_49 : i32
      "tpu.region"() ({
        %run_scoped3A = tpu.sem_alloc : memref<!tpu.dma_semaphore, #tpu.memory_space<semaphore_mem>>
        %dma_start3A = arith.constant 0 : i32
        %dma_start3A_55 = tpu.memref_slice %arg6[%add3A_50, %dma_start3A] : memref<10240x128xf32, #tpu.memory_space<hbm>> -> memref<128x128xf32, #tpu.memory_space<hbm>>
        %dma_start3A_56 = arith.constant 0 : i32
        %dma_start3A_57 = tpu.memref_slice %arg11[%add3A_48, %dma_start3A_56] : memref<10240x128xf32, #tpu.memory_space<vmem_shared>> -> memref<128x128xf32, #tpu.memory_space<vmem_shared>>
        tpu.enqueue_dma source(%dma_start3A_57 : memref<128x128xf32, #tpu.memory_space<vmem_shared>>) target(%dma_start3A_55 : memref<128x128xf32, #tpu.memory_space<hbm>>) target_semaphore(%run_scoped3A : memref<!tpu.dma_semaphore, #tpu.memory_space<semaphore_mem>>)
        %dma_wait3A = arith.constant 0 : i32
        %dma_wait3A_58 = tpu.memref_slice %arg6[%add3A_50, %dma_wait3A] : memref<10240x128xf32, #tpu.memory_space<hbm>> -> memref<128x128xf32, #tpu.memory_space<hbm>>
        %dma_wait3A_59 = arith.constant 0 : i32
        %dma_wait3A_60 = tpu.memref_slice %arg11[%add3A_48, %dma_wait3A_59] : memref<10240x128xf32, #tpu.memory_space<vmem_shared>> -> memref<128x128xf32, #tpu.memory_space<vmem_shared>>
        tpu.wait_dma2 semaphore(%run_scoped3A : memref<!tpu.dma_semaphore, #tpu.memory_space<semaphore_mem>>) src(%dma_wait3A_60 : memref<128x128xf32, #tpu.memory_space<vmem_shared>>) dst(%dma_wait3A_58 : memref<128x128xf32, #tpu.memory_space<hbm>>)
        tpu.yield
      }) : () -> ()
      %add3A_51 = arith.constant 512 : i32
      %add3A_52 = arith.addi %mul3A_6, %add3A_51 : i32
      %add3A_53 = arith.constant 512 : i32
      %add3A_54 = arith.addi %mul3A_6, %add3A_53 : i32
      "tpu.region"() ({
        %run_scoped3A = tpu.sem_alloc : memref<!tpu.dma_semaphore, #tpu.memory_space<semaphore_mem>>
        %dma_start3A = arith.constant 0 : i32
        %dma_start3A_55 = tpu.memref_slice %arg6[%add3A_54, %dma_start3A] : memref<10240x128xf32, #tpu.memory_space<hbm>> -> memref<128x128xf32, #tpu.memory_space<hbm>>
        %dma_start3A_56 = arith.constant 0 : i32
        %dma_start3A_57 = tpu.memref_slice %arg11[%add3A_52, %dma_start3A_56] : memref<10240x128xf32, #tpu.memory_space<vmem_shared>> -> memref<128x128xf32, #tpu.memory_space<vmem_shared>>
        tpu.enqueue_dma source(%dma_start3A_57 : memref<128x128xf32, #tpu.memory_space<vmem_shared>>) target(%dma_start3A_55 : memref<128x128xf32, #tpu.memory_space<hbm>>) target_semaphore(%run_scoped3A : memref<!tpu.dma_semaphore, #tpu.memory_space<semaphore_mem>>)
        %dma_wait3A = arith.constant 0 : i32
        %dma_wait3A_58 = tpu.memref_slice %arg6[%add3A_54, %dma_wait3A] : memref<10240x128xf32, #tpu.memory_space<hbm>> -> memref<128x128xf32, #tpu.memory_space<hbm>>
        %dma_wait3A_59 = arith.constant 0 : i32
        %dma_wait3A_60 = tpu.memref_slice %arg11[%add3A_52, %dma_wait3A_59] : memref<10240x128xf32, #tpu.memory_space<vmem_shared>> -> memref<128x128xf32, #tpu.memory_space<vmem_shared>>
        tpu.wait_dma2 semaphore(%run_scoped3A : memref<!tpu.dma_semaphore, #tpu.memory_space<semaphore_mem>>) src(%dma_wait3A_60 : memref<128x128xf32, #tpu.memory_space<vmem_shared>>) dst(%dma_wait3A_58 : memref<128x128xf32, #tpu.memory_space<hbm>>)
        tpu.yield
      }) : () -> ()
    } else {
    }
    return
  }
}

#map = affine_map<(d0, d1) -> (0, 0)>
#map1 = affine_map<(d0, d1) -> (0)>
module attributes {stable_mosaic.version = 14 : i64} {
  func.func @_prop_kernel(%arg0: i32, %arg1: i32, %arg2: memref<10000x128xf32, #tpu.memory_space<hbm>>, %arg3: memref<320000xi32, #tpu.memory_space<hbm>>, %arg4: memref<320000xi32, #tpu.memory_space<hbm>>, %arg5: memref<10240x128xf32, #tpu.memory_space<hbm>>, %arg6: memref<10240x128xf32, #tpu.memory_space<hbm>>, %arg7: memref<80xi32, #tpu.memory_space<vmem>>, %arg8: memref<80xi32, #tpu.memory_space<vmem>>, %arg9: memref<80x128xf32, #tpu.memory_space<vmem>>, %arg10: memref<128x128xf32, #tpu.memory_space<vmem>>, %arg11: memref<10240x128xf32, #tpu.memory_space<vmem_shared>>, %arg12: memref<!tpu.dma_semaphore, #tpu.memory_space<semaphore_mem>>) attributes {dimension_semantics = [#tpu.dimension_semantics<core_parallel>, #tpu.dimension_semantics<subcore_parallel>], iteration_bounds = array<i64: 2, 16>, scalar_prefetch = 0 : i64, scratch_operands = 6 : i64, tpu.core_type = #tpu.core_type<sc_vector_subcore>, window_params = [{transform_indices = #map}, {transform_indices = #map1}, {transform_indices = #map1}, {transform_indices = #map}, {transform_indices = #map}]} {
    %broadcast_in_dim3A = arith.constant 0.000000e+00 : f32
    %broadcast_in_dim3A_0 = vector.broadcast %broadcast_in_dim3A : f32 to vector<16xf32>
    %scan3A = arith.constant 0 : i32
    %scan3A_1 = arith.constant 0 : i32
    %scan3A_2 = arith.constant 128 : i32
    %scan3A_3 = arith.addi %scan3A_1, %scan3A_2 : i32
    %scan3A_4 = arith.constant 1 : i32
    scf.for %scan3A_35 = %scan3A_1 to %scan3A_3 step %scan3A_4  : i32 {
      %swap3A = arith.index_cast %scan3A_35 : i32 to index
      %swap3A_36 = arith.constant 0 : index
      %swap3A_37 = tpu.vector_load %arg10[%swap3A, %swap3A_36] {strides = array<i32>} : memref<128x128xf32, #tpu.memory_space<vmem>>, vector<16xf32>,
      tpu.vector_store %arg10[%swap3A, %swap3A_36], %broadcast_in_dim3A_0 {strides = array<i32>} : memref<128x128xf32, #tpu.memory_space<vmem>>, vector<16xf32>,
      %swap3A_38 = arith.index_cast %scan3A_35 : i32 to index
      %swap3A_39 = arith.constant 16 : index
      %swap3A_40 = tpu.vector_load %arg10[%swap3A_38, %swap3A_39] {strides = array<i32>} : memref<128x128xf32, #tpu.memory_space<vmem>>, vector<16xf32>,
      tpu.vector_store %arg10[%swap3A_38, %swap3A_39], %broadcast_in_dim3A_0 {strides = array<i32>} : memref<128x128xf32, #tpu.memory_space<vmem>>, vector<16xf32>,
      %swap3A_41 = arith.index_cast %scan3A_35 : i32 to index
      %swap3A_42 = arith.constant 32 : index
      %swap3A_43 = tpu.vector_load %arg10[%swap3A_41, %swap3A_42] {strides = array<i32>} : memref<128x128xf32, #tpu.memory_space<vmem>>, vector<16xf32>,
      tpu.vector_store %arg10[%swap3A_41, %swap3A_42], %broadcast_in_dim3A_0 {strides = array<i32>} : memref<128x128xf32, #tpu.memory_space<vmem>>, vector<16xf32>,
      %swap3A_44 = arith.index_cast %scan3A_35 : i32 to index
      %swap3A_45 = arith.constant 48 : index
      %swap3A_46 = tpu.vector_load %arg10[%swap3A_44, %swap3A_45] {strides = array<i32>} : memref<128x128xf32, #tpu.memory_space<vmem>>, vector<16xf32>,
      tpu.vector_store %arg10[%swap3A_44, %swap3A_45], %broadcast_in_dim3A_0 {strides = array<i32>} : memref<128x128xf32, #tpu.memory_space<vmem>>, vector<16xf32>,
      %swap3A_47 = arith.index_cast %scan3A_35 : i32 to index
      %swap3A_48 = arith.constant 64 : index
      %swap3A_49 = tpu.vector_load %arg10[%swap3A_47, %swap3A_48] {strides = array<i32>} : memref<128x128xf32, #tpu.memory_space<vmem>>, vector<16xf32>,
      tpu.vector_store %arg10[%swap3A_47, %swap3A_48], %broadcast_in_dim3A_0 {strides = array<i32>} : memref<128x128xf32, #tpu.memory_space<vmem>>, vector<16xf32>,
      %swap3A_50 = arith.index_cast %scan3A_35 : i32 to index
      %swap3A_51 = arith.constant 80 : index
      %swap3A_52 = tpu.vector_load %arg10[%swap3A_50, %swap3A_51] {strides = array<i32>} : memref<128x128xf32, #tpu.memory_space<vmem>>, vector<16xf32>,
      tpu.vector_store %arg10[%swap3A_50, %swap3A_51], %broadcast_in_dim3A_0 {strides = array<i32>} : memref<128x128xf32, #tpu.memory_space<vmem>>, vector<16xf32>,
      %swap3A_53 = arith.index_cast %scan3A_35 : i32 to index
      %swap3A_54 = arith.constant 96 : index
      %swap3A_55 = tpu.vector_load %arg10[%swap3A_53, %swap3A_54] {strides = array<i32>} : memref<128x128xf32, #tpu.memory_space<vmem>>, vector<16xf32>,
      tpu.vector_store %arg10[%swap3A_53, %swap3A_54], %broadcast_in_dim3A_0 {strides = array<i32>} : memref<128x128xf32, #tpu.memory_space<vmem>>, vector<16xf32>,
      %swap3A_56 = arith.index_cast %scan3A_35 : i32 to index
      %swap3A_57 = arith.constant 112 : index
      %swap3A_58 = tpu.vector_load %arg10[%swap3A_56, %swap3A_57] {strides = array<i32>} : memref<128x128xf32, #tpu.memory_space<vmem>>, vector<16xf32>,
      tpu.vector_store %arg10[%swap3A_56, %swap3A_57], %broadcast_in_dim3A_0 {strides = array<i32>} : memref<128x128xf32, #tpu.memory_space<vmem>>, vector<16xf32>,
    }
    %scan3A_5 = arith.constant 128 : i32
    %mul3A = arith.constant 640 : i32
    %mul3A_6 = arith.muli %arg1, %mul3A : i32
    %add3A = arith.constant 0 : i32
    %add3A_7 = arith.addi %mul3A_6, %add3A : i32
    "tpu.region"() ({
      %run_scoped3A = tpu.sem_alloc : memref<!tpu.dma_semaphore, #tpu.memory_space<semaphore_mem>>
      %dma_start3A = arith.constant 0 : i32
      %dma_start3A_35 = tpu.memref_slice %arg11[%add3A_7, %dma_start3A] : memref<10240x128xf32, #tpu.memory_space<vmem_shared>> -> memref<128x128xf32, #tpu.memory_space<vmem_shared>>
      %dma_start3A_36 = arith.constant 0 : i32
      %dma_start3A_37 = tpu.memref_slice %arg11[%add3A_7, %dma_start3A_36] : memref<10240x128xf32, #tpu.memory_space<vmem_shared>> -> memref<128x128xf32, #tpu.memory_space<vmem_shared>>
      tpu.enqueue_dma source(%arg10 : memref<128x128xf32, #tpu.memory_space<vmem>>) target(%dma_start3A_37 : memref<128x128xf32, #tpu.memory_space<vmem_shared>>) target_semaphore(%run_scoped3A : memref<!tpu.dma_semaphore, #tpu.memory_space<semaphore_mem>>)
      %dma_wait3A = arith.constant 0 : i32
      %dma_wait3A_38 = tpu.memref_slice %arg11[%add3A_7, %dma_wait3A] : memref<10240x128xf32, #tpu.memory_space<vmem_shared>> -> memref<128x128xf32, #tpu.memory_space<vmem_shared>>
      %dma_wait3A_39 = arith.constant 0 : i32
      %dma_wait3A_40 = tpu.memref_slice %arg11[%add3A_7, %dma_wait3A_39] : memref<10240x128xf32, #tpu.memory_space<vmem_shared>> -> memref<128x128xf32, #tpu.memory_space<vmem_shared>>
      tpu.wait_dma2 semaphore(%run_scoped3A : memref<!tpu.dma_semaphore, #tpu.memory_space<semaphore_mem>>) src(%arg10 : memref<128x128xf32, #tpu.memory_space<vmem>>) dst(%dma_wait3A_40 : memref<128x128xf32, #tpu.memory_space<vmem_shared>>)
      tpu.yield
    }) : () -> ()
    %add3A_8 = arith.constant 128 : i32
    %add3A_9 = arith.addi %mul3A_6, %add3A_8 : i32
    "tpu.region"() ({
      %run_scoped3A = tpu.sem_alloc : memref<!tpu.dma_semaphore, #tpu.memory_space<semaphore_mem>>
      %dma_start3A = arith.constant 0 : i32
      %dma_start3A_35 = tpu.memref_slice %arg11[%add3A_9, %dma_start3A] : memref<10240x128xf32, #tpu.memory_space<vmem_shared>> -> memref<128x128xf32, #tpu.memory_space<vmem_shared>>
      %dma_start3A_36 = arith.constant 0 : i32
      %dma_start3A_37 = tpu.memref_slice %arg11[%add3A_9, %dma_start3A_36] : memref<10240x128xf32, #tpu.memory_space<vmem_shared>> -> memref<128x128xf32, #tpu.memory_space<vmem_shared>>
      tpu.enqueue_dma source(%arg10 : memref<128x128xf32, #tpu.memory_space<vmem>>) target(%dma_start3A_37 : memref<128x128xf32, #tpu.memory_space<vmem_shared>>) target_semaphore(%run_scoped3A : memref<!tpu.dma_semaphore, #tpu.memory_space<semaphore_mem>>)
      %dma_wait3A = arith.constant 0 : i32
      %dma_wait3A_38 = tpu.memref_slice %arg11[%add3A_9, %dma_wait3A] : memref<10240x128xf32, #tpu.memory_space<vmem_shared>> -> memref<128x128xf32, #tpu.memory_space<vmem_shared>>
      %dma_wait3A_39 = arith.constant 0 : i32
      %dma_wait3A_40 = tpu.memref_slice %arg11[%add3A_9, %dma_wait3A_39] : memref<10240x128xf32, #tpu.memory_space<vmem_shared>> -> memref<128x128xf32, #tpu.memory_space<vmem_shared>>
      tpu.wait_dma2 semaphore(%run_scoped3A : memref<!tpu.dma_semaphore, #tpu.memory_space<semaphore_mem>>) src(%arg10 : memref<128x128xf32, #tpu.memory_space<vmem>>) dst(%dma_wait3A_40 : memref<128x128xf32, #tpu.memory_space<vmem_shared>>)
      tpu.yield
    }) : () -> ()
    %add3A_10 = arith.constant 256 : i32
    %add3A_11 = arith.addi %mul3A_6, %add3A_10 : i32
    "tpu.region"() ({
      %run_scoped3A = tpu.sem_alloc : memref<!tpu.dma_semaphore, #tpu.memory_space<semaphore_mem>>
      %dma_start3A = arith.constant 0 : i32
      %dma_start3A_35 = tpu.memref_slice %arg11[%add3A_11, %dma_start3A] : memref<10240x128xf32, #tpu.memory_space<vmem_shared>> -> memref<128x128xf32, #tpu.memory_space<vmem_shared>>
      %dma_start3A_36 = arith.constant 0 : i32
      %dma_start3A_37 = tpu.memref_slice %arg11[%add3A_11, %dma_start3A_36] : memref<10240x128xf32, #tpu.memory_space<vmem_shared>> -> memref<128x128xf32, #tpu.memory_space<vmem_shared>>
      tpu.enqueue_dma source(%arg10 : memref<128x128xf32, #tpu.memory_space<vmem>>) target(%dma_start3A_37 : memref<128x128xf32, #tpu.memory_space<vmem_shared>>) target_semaphore(%run_scoped3A : memref<!tpu.dma_semaphore, #tpu.memory_space<semaphore_mem>>)
      %dma_wait3A = arith.constant 0 : i32
      %dma_wait3A_38 = tpu.memref_slice %arg11[%add3A_11, %dma_wait3A] : memref<10240x128xf32, #tpu.memory_space<vmem_shared>> -> memref<128x128xf32, #tpu.memory_space<vmem_shared>>
      %dma_wait3A_39 = arith.constant 0 : i32
      %dma_wait3A_40 = tpu.memref_slice %arg11[%add3A_11, %dma_wait3A_39] : memref<10240x128xf32, #tpu.memory_space<vmem_shared>> -> memref<128x128xf32, #tpu.memory_space<vmem_shared>>
      tpu.wait_dma2 semaphore(%run_scoped3A : memref<!tpu.dma_semaphore, #tpu.memory_space<semaphore_mem>>) src(%arg10 : memref<128x128xf32, #tpu.memory_space<vmem>>) dst(%dma_wait3A_40 : memref<128x128xf32, #tpu.memory_space<vmem_shared>>)
      tpu.yield
    }) : () -> ()
    %add3A_12 = arith.constant 384 : i32
    %add3A_13 = arith.addi %mul3A_6, %add3A_12 : i32
    "tpu.region"() ({
      %run_scoped3A = tpu.sem_alloc : memref<!tpu.dma_semaphore, #tpu.memory_space<semaphore_mem>>
      %dma_start3A = arith.constant 0 : i32
      %dma_start3A_35 = tpu.memref_slice %arg11[%add3A_13, %dma_start3A] : memref<10240x128xf32, #tpu.memory_space<vmem_shared>> -> memref<128x128xf32, #tpu.memory_space<vmem_shared>>
      %dma_start3A_36 = arith.constant 0 : i32
      %dma_start3A_37 = tpu.memref_slice %arg11[%add3A_13, %dma_start3A_36] : memref<10240x128xf32, #tpu.memory_space<vmem_shared>> -> memref<128x128xf32, #tpu.memory_space<vmem_shared>>
      tpu.enqueue_dma source(%arg10 : memref<128x128xf32, #tpu.memory_space<vmem>>) target(%dma_start3A_37 : memref<128x128xf32, #tpu.memory_space<vmem_shared>>) target_semaphore(%run_scoped3A : memref<!tpu.dma_semaphore, #tpu.memory_space<semaphore_mem>>)
      %dma_wait3A = arith.constant 0 : i32
      %dma_wait3A_38 = tpu.memref_slice %arg11[%add3A_13, %dma_wait3A] : memref<10240x128xf32, #tpu.memory_space<vmem_shared>> -> memref<128x128xf32, #tpu.memory_space<vmem_shared>>
      %dma_wait3A_39 = arith.constant 0 : i32
      %dma_wait3A_40 = tpu.memref_slice %arg11[%add3A_13, %dma_wait3A_39] : memref<10240x128xf32, #tpu.memory_space<vmem_shared>> -> memref<128x128xf32, #tpu.memory_space<vmem_shared>>
      tpu.wait_dma2 semaphore(%run_scoped3A : memref<!tpu.dma_semaphore, #tpu.memory_space<semaphore_mem>>) src(%arg10 : memref<128x128xf32, #tpu.memory_space<vmem>>) dst(%dma_wait3A_40 : memref<128x128xf32, #tpu.memory_space<vmem_shared>>)
      tpu.yield
    }) : () -> ()
    %add3A_14 = arith.constant 512 : i32
    %add3A_15 = arith.addi %mul3A_6, %add3A_14 : i32
    "tpu.region"() ({
      %run_scoped3A = tpu.sem_alloc : memref<!tpu.dma_semaphore, #tpu.memory_space<semaphore_mem>>
      %dma_start3A = arith.constant 0 : i32
      %dma_start3A_35 = tpu.memref_slice %arg11[%add3A_15, %dma_start3A] : memref<10240x128xf32, #tpu.memory_space<vmem_shared>> -> memref<128x128xf32, #tpu.memory_space<vmem_shared>>
      %dma_start3A_36 = arith.constant 0 : i32
      %dma_start3A_37 = tpu.memref_slice %arg11[%add3A_15, %dma_start3A_36] : memref<10240x128xf32, #tpu.memory_space<vmem_shared>> -> memref<128x128xf32, #tpu.memory_space<vmem_shared>>
      tpu.enqueue_dma source(%arg10 : memref<128x128xf32, #tpu.memory_space<vmem>>) target(%dma_start3A_37 : memref<128x128xf32, #tpu.memory_space<vmem_shared>>) target_semaphore(%run_scoped3A : memref<!tpu.dma_semaphore, #tpu.memory_space<semaphore_mem>>)
      %dma_wait3A = arith.constant 0 : i32
      %dma_wait3A_38 = tpu.memref_slice %arg11[%add3A_15, %dma_wait3A] : memref<10240x128xf32, #tpu.memory_space<vmem_shared>> -> memref<128x128xf32, #tpu.memory_space<vmem_shared>>
      %dma_wait3A_39 = arith.constant 0 : i32
      %dma_wait3A_40 = tpu.memref_slice %arg11[%add3A_15, %dma_wait3A_39] : memref<10240x128xf32, #tpu.memory_space<vmem_shared>> -> memref<128x128xf32, #tpu.memory_space<vmem_shared>>
      tpu.wait_dma2 semaphore(%run_scoped3A : memref<!tpu.dma_semaphore, #tpu.memory_space<semaphore_mem>>) src(%arg10 : memref<128x128xf32, #tpu.memory_space<vmem>>) dst(%dma_wait3A_40 : memref<128x128xf32, #tpu.memory_space<vmem_shared>>)
      tpu.yield
    }) : () -> ()
    %barrier3A = arith.constant 0 : index
    tpu.barrier barrier_id(%barrier3A)
    %mul3A_16 = arith.constant 160000 : i32
    %mul3A_17 = arith.muli %arg0, %mul3A_16 : i32
    %mul3A_18 = arith.constant 10000 : i32
    %mul3A_19 = arith.muli %arg1, %mul3A_18 : i32
    %add3A_20 = arith.addi %mul3A_17, %mul3A_19 : i32
    %scan3A_21 = arith.constant 0 : i32
    %scan3A_22 = arith.constant 0 : i32
    %scan3A_23 = arith.constant 125 : i32
    %scan3A_24 = arith.addi %scan3A_22, %scan3A_23 : i32
    %scan3A_25 = arith.constant 1 : i32
    scf.for %scan3A_35 = %scan3A_22 to %scan3A_24 step %scan3A_25  : i32 {
      %mul3A_36 = arith.constant 80 : i32
      %mul3A_37 = arith.muli %scan3A_35, %mul3A_36 : i32
      %add3A_38 = arith.addi %add3A_20, %mul3A_37 : i32
      "tpu.region"() ({
        %run_scoped3A = tpu.sem_alloc : memref<!tpu.dma_semaphore, #tpu.memory_space<semaphore_mem>>
        %dma_start3A_43 = tpu.memref_slice %arg3[%add3A_38] : memref<320000xi32, #tpu.memory_space<hbm>> -> memref<80xi32, #tpu.memory_space<hbm>>
        %dma_start3A_44 = tpu.memref_slice %arg3[%add3A_38] : memref<320000xi32, #tpu.memory_space<hbm>> -> memref<80xi32, #tpu.memory_space<hbm>>
        tpu.enqueue_dma source(%dma_start3A_44 : memref<80xi32, #tpu.memory_space<hbm>>) target(%arg7 : memref<80xi32, #tpu.memory_space<vmem>>) target_semaphore(%run_scoped3A : memref<!tpu.dma_semaphore, #tpu.memory_space<semaphore_mem>>)
        %dma_wait3A_45 = tpu.memref_slice %arg3[%add3A_38] : memref<320000xi32, #tpu.memory_space<hbm>> -> memref<80xi32, #tpu.memory_space<hbm>>
        %dma_wait3A_46 = tpu.memref_slice %arg3[%add3A_38] : memref<320000xi32, #tpu.memory_space<hbm>> -> memref<80xi32, #tpu.memory_space<hbm>>
        tpu.wait_dma2 semaphore(%run_scoped3A : memref<!tpu.dma_semaphore, #tpu.memory_space<semaphore_mem>>) src(%dma_wait3A_46 : memref<80xi32, #tpu.memory_space<hbm>>) dst(%arg7 : memref<80xi32, #tpu.memory_space<vmem>>)
        tpu.yield
      }) : () -> ()
      %dma_start3A = arith.constant 0 : i32
      %dma_start3A_39 = arith.constant 0 : i32
      %dma_start3A_40 = tpu.memref_slice %arg2[%dma_start3A, %dma_start3A_39] : memref<10000x128xf32, #tpu.memory_space<hbm>> -> memref<10000x128xf32, #tpu.memory_space<hbm>>
      tpu.enqueue_indirect_dma source(%dma_start3A_40 : memref<10000x128xf32, #tpu.memory_space<hbm>>) target(%arg9 : memref<80x128xf32, #tpu.memory_space<vmem>>) offsets(%arg7 : memref<80xi32, #tpu.memory_space<vmem>>) semaphore(%arg12 : memref<!tpu.dma_semaphore, #tpu.memory_space<semaphore_mem>>)
      %dma_wait3A = arith.constant 0 : i32
      %dma_wait3A_41 = arith.constant 0 : i32
      %dma_wait3A_42 = tpu.memref_slice %arg2[%dma_wait3A, %dma_wait3A_41] : memref<10000x128xf32, #tpu.memory_space<hbm>> -> memref<10000x128xf32, #tpu.memory_space<hbm>>
      tpu.wait_indirect_dma semaphore(%arg12 : memref<!tpu.dma_semaphore, #tpu.memory_space<semaphore_mem>>) src(%dma_wait3A_42 : memref<10000x128xf32, #tpu.memory_space<hbm>>) dst(%arg9 : memref<80x128xf32, #tpu.memory_space<vmem>>)
      "tpu.region"() ({
        %run_scoped3A = tpu.sem_alloc : memref<!tpu.dma_semaphore, #tpu.memory_space<semaphore_mem>>
        %dma_start3A_43 = tpu.memref_slice %arg4[%add3A_38] : memref<320000xi32, #tpu.memory_space<hbm>> -> memref<80xi32, #tpu.memory_space<hbm>>
        %dma_start3A_44 = tpu.memref_slice %arg4[%add3A_38] : memref<320000xi32, #tpu.memory_space<hbm>> -> memref<80xi32, #tpu.memory_space<hbm>>
        tpu.enqueue_dma source(%dma_start3A_44 : memref<80xi32, #tpu.memory_space<hbm>>) target(%arg8 : memref<80xi32, #tpu.memory_space<vmem>>) target_semaphore(%run_scoped3A : memref<!tpu.dma_semaphore, #tpu.memory_space<semaphore_mem>>)
        %dma_wait3A_45 = tpu.memref_slice %arg4[%add3A_38] : memref<320000xi32, #tpu.memory_space<hbm>> -> memref<80xi32, #tpu.memory_space<hbm>>
        %dma_wait3A_46 = tpu.memref_slice %arg4[%add3A_38] : memref<320000xi32, #tpu.memory_space<hbm>> -> memref<80xi32, #tpu.memory_space<hbm>>
        tpu.wait_dma2 semaphore(%run_scoped3A : memref<!tpu.dma_semaphore, #tpu.memory_space<semaphore_mem>>) src(%dma_wait3A_46 : memref<80xi32, #tpu.memory_space<hbm>>) dst(%arg8 : memref<80xi32, #tpu.memory_space<vmem>>)
        tpu.yield
      }) : () -> ()
      "tpu.region"() ({
        %run_scoped3A = tpu.sem_alloc : memref<!tpu.dma_semaphore, #tpu.memory_space<semaphore_mem>>
        %dma_start3A_43 = arith.constant 0 : i32
        %dma_start3A_44 = arith.constant 0 : i32
        %dma_start3A_45 = tpu.memref_slice %arg11[%dma_start3A_43, %dma_start3A_44] : memref<10240x128xf32, #tpu.memory_space<vmem_shared>> -> memref<10240x128xf32, #tpu.memory_space<vmem_shared>>
        tpu.enqueue_indirect_dma source(%arg9 : memref<80x128xf32, #tpu.memory_space<vmem>>) target(%dma_start3A_45 : memref<10240x128xf32, #tpu.memory_space<vmem_shared>>) offsets(%arg8 : memref<80xi32, #tpu.memory_space<vmem>>) semaphore(%run_scoped3A : memref<!tpu.dma_semaphore, #tpu.memory_space<semaphore_mem>>) {add = true}
        %dma_wait3A_46 = arith.constant 0 : i32
        %dma_wait3A_47 = arith.constant 0 : i32
        %dma_wait3A_48 = tpu.memref_slice %arg11[%dma_wait3A_46, %dma_wait3A_47] : memref<10240x128xf32, #tpu.memory_space<vmem_shared>> -> memref<10240x128xf32, #tpu.memory_space<vmem_shared>>
        tpu.wait_indirect_dma semaphore(%run_scoped3A : memref<!tpu.dma_semaphore, #tpu.memory_space<semaphore_mem>>) src(%arg9 : memref<80x128xf32, #tpu.memory_space<vmem>>) dst(%dma_wait3A_48 : memref<10240x128xf32, #tpu.memory_space<vmem_shared>>)
        tpu.yield
      }) : () -> ()
    }
    %scan3A_26 = arith.constant 125 : i32
    %barrier3A_27 = arith.constant 0 : index
    tpu.barrier barrier_id(%barrier3A_27)
    %eq3A = arith.constant 0 : i32
    %eq3A_28 = arith.cmpi eq, %arg0, %eq3A : i32
    %convert_element_type3A = arith.extui %eq3A_28 : i1 to i32
    %cond3A = arith.constant 0 : i32
    %cond3A_29 = arith.cmpi ne, %convert_element_type3A, %cond3A : i32
    scf.if %cond3A_29 {
      %add3A_35 = arith.constant 0 : i32
      %add3A_36 = arith.addi %mul3A_6, %add3A_35 : i32
      %add3A_37 = arith.constant 0 : i32
      %add3A_38 = arith.addi %mul3A_6, %add3A_37 : i32
      "tpu.region"() ({
        %run_scoped3A = tpu.sem_alloc : memref<!tpu.dma_semaphore, #tpu.memory_space<semaphore_mem>>
        %dma_start3A = arith.constant 0 : i32
        %dma_start3A_55 = tpu.memref_slice %arg5[%add3A_38, %dma_start3A] : memref<10240x128xf32, #tpu.memory_space<hbm>> -> memref<128x128xf32, #tpu.memory_space<hbm>>
        %dma_start3A_56 = arith.constant 0 : i32
        %dma_start3A_57 = tpu.memref_slice %arg11[%add3A_36, %dma_start3A_56] : memref<10240x128xf32, #tpu.memory_space<vmem_shared>> -> memref<128x128xf32, #tpu.memory_space<vmem_shared>>
        tpu.enqueue_dma source(%dma_start3A_57 : memref<128x128xf32, #tpu.memory_space<vmem_shared>>) target(%dma_start3A_55 : memref<128x128xf32, #tpu.memory_space<hbm>>) target_semaphore(%run_scoped3A : memref<!tpu.dma_semaphore, #tpu.memory_space<semaphore_mem>>)
        %dma_wait3A = arith.constant 0 : i32
        %dma_wait3A_58 = tpu.memref_slice %arg5[%add3A_38, %dma_wait3A] : memref<10240x128xf32, #tpu.memory_space<hbm>> -> memref<128x128xf32, #tpu.memory_space<hbm>>
        %dma_wait3A_59 = arith.constant 0 : i32
        %dma_wait3A_60 = tpu.memref_slice %arg11[%add3A_36, %dma_wait3A_59] : memref<10240x128xf32, #tpu.memory_space<vmem_shared>> -> memref<128x128xf32, #tpu.memory_space<vmem_shared>>
        tpu.wait_dma2 semaphore(%run_scoped3A : memref<!tpu.dma_semaphore, #tpu.memory_space<semaphore_mem>>) src(%dma_wait3A_60 : memref<128x128xf32, #tpu.memory_space<vmem_shared>>) dst(%dma_wait3A_58 : memref<128x128xf32, #tpu.memory_space<hbm>>)
        tpu.yield
      }) : () -> ()
      %add3A_39 = arith.constant 128 : i32
      %add3A_40 = arith.addi %mul3A_6, %add3A_39 : i32
      %add3A_41 = arith.constant 128 : i32
      %add3A_42 = arith.addi %mul3A_6, %add3A_41 : i32
      "tpu.region"() ({
        %run_scoped3A = tpu.sem_alloc : memref<!tpu.dma_semaphore, #tpu.memory_space<semaphore_mem>>
        %dma_start3A = arith.constant 0 : i32
        %dma_start3A_55 = tpu.memref_slice %arg5[%add3A_42, %dma_start3A] : memref<10240x128xf32, #tpu.memory_space<hbm>> -> memref<128x128xf32, #tpu.memory_space<hbm>>
        %dma_start3A_56 = arith.constant 0 : i32
        %dma_start3A_57 = tpu.memref_slice %arg11[%add3A_40, %dma_start3A_56] : memref<10240x128xf32, #tpu.memory_space<vmem_shared>> -> memref<128x128xf32, #tpu.memory_space<vmem_shared>>
        tpu.enqueue_dma source(%dma_start3A_57 : memref<128x128xf32, #tpu.memory_space<vmem_shared>>) target(%dma_start3A_55 : memref<128x128xf32, #tpu.memory_space<hbm>>) target_semaphore(%run_scoped3A : memref<!tpu.dma_semaphore, #tpu.memory_space<semaphore_mem>>)
        %dma_wait3A = arith.constant 0 : i32
        %dma_wait3A_58 = tpu.memref_slice %arg5[%add3A_42, %dma_wait3A] : memref<10240x128xf32, #tpu.memory_space<hbm>> -> memref<128x128xf32, #tpu.memory_space<hbm>>
        %dma_wait3A_59 = arith.constant 0 : i32
        %dma_wait3A_60 = tpu.memref_slice %arg11[%add3A_40, %dma_wait3A_59] : memref<10240x128xf32, #tpu.memory_space<vmem_shared>> -> memref<128x128xf32, #tpu.memory_space<vmem_shared>>
        tpu.wait_dma2 semaphore(%run_scoped3A : memref<!tpu.dma_semaphore, #tpu.memory_space<semaphore_mem>>) src(%dma_wait3A_60 : memref<128x128xf32, #tpu.memory_space<vmem_shared>>) dst(%dma_wait3A_58 : memref<128x128xf32, #tpu.memory_space<hbm>>)
        tpu.yield
      }) : () -> ()
      %add3A_43 = arith.constant 256 : i32
      %add3A_44 = arith.addi %mul3A_6, %add3A_43 : i32
      %add3A_45 = arith.constant 256 : i32
      %add3A_46 = arith.addi %mul3A_6, %add3A_45 : i32
      "tpu.region"() ({
        %run_scoped3A = tpu.sem_alloc : memref<!tpu.dma_semaphore, #tpu.memory_space<semaphore_mem>>
        %dma_start3A = arith.constant 0 : i32
        %dma_start3A_55 = tpu.memref_slice %arg5[%add3A_46, %dma_start3A] : memref<10240x128xf32, #tpu.memory_space<hbm>> -> memref<128x128xf32, #tpu.memory_space<hbm>>
        %dma_start3A_56 = arith.constant 0 : i32
        %dma_start3A_57 = tpu.memref_slice %arg11[%add3A_44, %dma_start3A_56] : memref<10240x128xf32, #tpu.memory_space<vmem_shared>> -> memref<128x128xf32, #tpu.memory_space<vmem_shared>>
        tpu.enqueue_dma source(%dma_start3A_57 : memref<128x128xf32, #tpu.memory_space<vmem_shared>>) target(%dma_start3A_55 : memref<128x128xf32, #tpu.memory_space<hbm>>) target_semaphore(%run_scoped3A : memref<!tpu.dma_semaphore, #tpu.memory_space<semaphore_mem>>)
        %dma_wait3A = arith.constant 0 : i32
        %dma_wait3A_58 = tpu.memref_slice %arg5[%add3A_46, %dma_wait3A] : memref<10240x128xf32, #tpu.memory_space<hbm>> -> memref<128x128xf32, #tpu.memory_space<hbm>>
        %dma_wait3A_59 = arith.constant 0 : i32
        %dma_wait3A_60 = tpu.memref_slice %arg11[%add3A_44, %dma_wait3A_59] : memref<10240x128xf32, #tpu.memory_space<vmem_shared>> -> memref<128x128xf32, #tpu.memory_space<vmem_shared>>
        tpu.wait_dma2 semaphore(%run_scoped3A : memref<!tpu.dma_semaphore, #tpu.memory_space<semaphore_mem>>) src(%dma_wait3A_60 : memref<128x128xf32, #tpu.memory_space<vmem_shared>>) dst(%dma_wait3A_58 : memref<128x128xf32, #tpu.memory_space<hbm>>)
        tpu.yield
      }) : () -> ()
      %add3A_47 = arith.constant 384 : i32
      %add3A_48 = arith.addi %mul3A_6, %add3A_47 : i32
      %add3A_49 = arith.constant 384 : i32
      %add3A_50 = arith.addi %mul3A_6, %add3A_49 : i32
      "tpu.region"() ({
        %run_scoped3A = tpu.sem_alloc : memref<!tpu.dma_semaphore, #tpu.memory_space<semaphore_mem>>
        %dma_start3A = arith.constant 0 : i32
        %dma_start3A_55 = tpu.memref_slice %arg5[%add3A_50, %dma_start3A] : memref<10240x128xf32, #tpu.memory_space<hbm>> -> memref<128x128xf32, #tpu.memory_space<hbm>>
        %dma_start3A_56 = arith.constant 0 : i32
        %dma_start3A_57 = tpu.memref_slice %arg11[%add3A_48, %dma_start3A_56] : memref<10240x128xf32, #tpu.memory_space<vmem_shared>> -> memref<128x128xf32, #tpu.memory_space<vmem_shared>>
        tpu.enqueue_dma source(%dma_start3A_57 : memref<128x128xf32, #tpu.memory_space<vmem_shared>>) target(%dma_start3A_55 : memref<128x128xf32, #tpu.memory_space<hbm>>) target_semaphore(%run_scoped3A : memref<!tpu.dma_semaphore, #tpu.memory_space<semaphore_mem>>)
        %dma_wait3A = arith.constant 0 : i32
        %dma_wait3A_58 = tpu.memref_slice %arg5[%add3A_50, %dma_wait3A] : memref<10240x128xf32, #tpu.memory_space<hbm>> -> memref<128x128xf32, #tpu.memory_space<hbm>>
        %dma_wait3A_59 = arith.constant 0 : i32
        %dma_wait3A_60 = tpu.memref_slice %arg11[%add3A_48, %dma_wait3A_59] : memref<10240x128xf32, #tpu.memory_space<vmem_shared>> -> memref<128x128xf32, #tpu.memory_space<vmem_shared>>
        tpu.wait_dma2 semaphore(%run_scoped3A : memref<!tpu.dma_semaphore, #tpu.memory_space<semaphore_mem>>) src(%dma_wait3A_60 : memref<128x128xf32, #tpu.memory_space<vmem_shared>>) dst(%dma_wait3A_58 : memref<128x128xf32, #tpu.memory_space<hbm>>)
        tpu.yield
      }) : () -> ()
      %add3A_51 = arith.constant 512 : i32
      %add3A_52 = arith.addi %mul3A_6, %add3A_51 : i32
      %add3A_53 = arith.constant 512 : i32
      %add3A_54 = arith.addi %mul3A_6, %add3A_53 : i32
      "tpu.region"() ({
        %run_scoped3A = tpu.sem_alloc : memref<!tpu.dma_semaphore, #tpu.memory_space<semaphore_mem>>
        %dma_start3A = arith.constant 0 : i32
        %dma_start3A_55 = tpu.memref_slice %arg5[%add3A_54, %dma_start3A] : memref<10240x128xf32, #tpu.memory_space<hbm>> -> memref<128x128xf32, #tpu.memory_space<hbm>>
        %dma_start3A_56 = arith.constant 0 : i32
        %dma_start3A_57 = tpu.memref_slice %arg11[%add3A_52, %dma_start3A_56] : memref<10240x128xf32, #tpu.memory_space<vmem_shared>> -> memref<128x128xf32, #tpu.memory_space<vmem_shared>>
        tpu.enqueue_dma source(%dma_start3A_57 : memref<128x128xf32, #tpu.memory_space<vmem_shared>>) target(%dma_start3A_55 : memref<128x128xf32, #tpu.memory_space<hbm>>) target_semaphore(%run_scoped3A : memref<!tpu.dma_semaphore, #tpu.memory_space<semaphore_mem>>)
        %dma_wait3A = arith.constant 0 : i32
        %dma_wait3A_58 = tpu.memref_slice %arg5[%add3A_54, %dma_wait3A] : memref<10240x128xf32, #tpu.memory_space<hbm>> -> memref<128x128xf32, #tpu.memory_space<hbm>>
        %dma_wait3A_59 = arith.constant 0 : i32
        %dma_wait3A_60 = tpu.memref_slice %arg11[%add3A_52, %dma_wait3A_59] : memref<10240x128xf32, #tpu.memory_space<vmem_shared>> -> memref<128x128xf32, #tpu.memory_space<vmem_shared>>
        tpu.wait_dma2 semaphore(%run_scoped3A : memref<!tpu.dma_semaphore, #tpu.memory_space<semaphore_mem>>) src(%dma_wait3A_60 : memref<128x128xf32, #tpu.memory_space<vmem_shared>>) dst(%dma_wait3A_58 : memref<128x128xf32, #tpu.memory_space<hbm>>)
        tpu.yield
      }) : () -> ()
    } else {
    }
    %eq3A_30 = arith.constant 1 : i32
    %eq3A_31 = arith.cmpi eq, %arg0, %eq3A_30 : i32
    %convert_element_type3A_32 = arith.extui %eq3A_31 : i1 to i32
    %cond3A_33 = arith.constant 0 : i32
    %cond3A_34 = arith.cmpi ne, %convert_element_type3A_32, %cond3A_33 : i32
    scf.if %cond3A_34 {
      %add3A_35 = arith.constant 0 : i32
      %add3A_36 = arith.addi %mul3A_6, %add3A_35 : i32
      %add3A_37 = arith.constant 0 : i32
      %add3A_38 = arith.addi %mul3A_6, %add3A_37 : i32
      "tpu.region"() ({
        %run_scoped3A = tpu.sem_alloc : memref<!tpu.dma_semaphore, #tpu.memory_space<semaphore_mem>>
        %dma_start3A = arith.constant 0 : i32
        %dma_start3A_55 = tpu.memref_slice %arg6[%add3A_38, %dma_start3A] : memref<10240x128xf32, #tpu.memory_space<hbm>> -> memref<128x128xf32, #tpu.memory_space<hbm>>
        %dma_start3A_56 = arith.constant 0 : i32
        %dma_start3A_57 = tpu.memref_slice %arg11[%add3A_36, %dma_start3A_56] : memref<10240x128xf32, #tpu.memory_space<vmem_shared>> -> memref<128x128xf32, #tpu.memory_space<vmem_shared>>
        tpu.enqueue_dma source(%dma_start3A_57 : memref<128x128xf32, #tpu.memory_space<vmem_shared>>) target(%dma_start3A_55 : memref<128x128xf32, #tpu.memory_space<hbm>>) target_semaphore(%run_scoped3A : memref<!tpu.dma_semaphore, #tpu.memory_space<semaphore_mem>>)
        %dma_wait3A = arith.constant 0 : i32
        %dma_wait3A_58 = tpu.memref_slice %arg6[%add3A_38, %dma_wait3A] : memref<10240x128xf32, #tpu.memory_space<hbm>> -> memref<128x128xf32, #tpu.memory_space<hbm>>
        %dma_wait3A_59 = arith.constant 0 : i32
        %dma_wait3A_60 = tpu.memref_slice %arg11[%add3A_36, %dma_wait3A_59] : memref<10240x128xf32, #tpu.memory_space<vmem_shared>> -> memref<128x128xf32, #tpu.memory_space<vmem_shared>>
        tpu.wait_dma2 semaphore(%run_scoped3A : memref<!tpu.dma_semaphore, #tpu.memory_space<semaphore_mem>>) src(%dma_wait3A_60 : memref<128x128xf32, #tpu.memory_space<vmem_shared>>) dst(%dma_wait3A_58 : memref<128x128xf32, #tpu.memory_space<hbm>>)
        tpu.yield
      }) : () -> ()
      %add3A_39 = arith.constant 128 : i32
      %add3A_40 = arith.addi %mul3A_6, %add3A_39 : i32
      %add3A_41 = arith.constant 128 : i32
      %add3A_42 = arith.addi %mul3A_6, %add3A_41 : i32
      "tpu.region"() ({
        %run_scoped3A = tpu.sem_alloc : memref<!tpu.dma_semaphore, #tpu.memory_space<semaphore_mem>>
        %dma_start3A = arith.constant 0 : i32
        %dma_start3A_55 = tpu.memref_slice %arg6[%add3A_42, %dma_start3A] : memref<10240x128xf32, #tpu.memory_space<hbm>> -> memref<128x128xf32, #tpu.memory_space<hbm>>
        %dma_start3A_56 = arith.constant 0 : i32
        %dma_start3A_57 = tpu.memref_slice %arg11[%add3A_40, %dma_start3A_56] : memref<10240x128xf32, #tpu.memory_space<vmem_shared>> -> memref<128x128xf32, #tpu.memory_space<vmem_shared>>
        tpu.enqueue_dma source(%dma_start3A_57 : memref<128x128xf32, #tpu.memory_space<vmem_shared>>) target(%dma_start3A_55 : memref<128x128xf32, #tpu.memory_space<hbm>>) target_semaphore(%run_scoped3A : memref<!tpu.dma_semaphore, #tpu.memory_space<semaphore_mem>>)
        %dma_wait3A = arith.constant 0 : i32
        %dma_wait3A_58 = tpu.memref_slice %arg6[%add3A_42, %dma_wait3A] : memref<10240x128xf32, #tpu.memory_space<hbm>> -> memref<128x128xf32, #tpu.memory_space<hbm>>
        %dma_wait3A_59 = arith.constant 0 : i32
        %dma_wait3A_60 = tpu.memref_slice %arg11[%add3A_40, %dma_wait3A_59] : memref<10240x128xf32, #tpu.memory_space<vmem_shared>> -> memref<128x128xf32, #tpu.memory_space<vmem_shared>>
        tpu.wait_dma2 semaphore(%run_scoped3A : memref<!tpu.dma_semaphore, #tpu.memory_space<semaphore_mem>>) src(%dma_wait3A_60 : memref<128x128xf32, #tpu.memory_space<vmem_shared>>) dst(%dma_wait3A_58 : memref<128x128xf32, #tpu.memory_space<hbm>>)
        tpu.yield
      }) : () -> ()
      %add3A_43 = arith.constant 256 : i32
      %add3A_44 = arith.addi %mul3A_6, %add3A_43 : i32
      %add3A_45 = arith.constant 256 : i32
      %add3A_46 = arith.addi %mul3A_6, %add3A_45 : i32
      "tpu.region"() ({
        %run_scoped3A = tpu.sem_alloc : memref<!tpu.dma_semaphore, #tpu.memory_space<semaphore_mem>>
        %dma_start3A = arith.constant 0 : i32
        %dma_start3A_55 = tpu.memref_slice %arg6[%add3A_46, %dma_start3A] : memref<10240x128xf32, #tpu.memory_space<hbm>> -> memref<128x128xf32, #tpu.memory_space<hbm>>
        %dma_start3A_56 = arith.constant 0 : i32
        %dma_start3A_57 = tpu.memref_slice %arg11[%add3A_44, %dma_start3A_56] : memref<10240x128xf32, #tpu.memory_space<vmem_shared>> -> memref<128x128xf32, #tpu.memory_space<vmem_shared>>
        tpu.enqueue_dma source(%dma_start3A_57 : memref<128x128xf32, #tpu.memory_space<vmem_shared>>) target(%dma_start3A_55 : memref<128x128xf32, #tpu.memory_space<hbm>>) target_semaphore(%run_scoped3A : memref<!tpu.dma_semaphore, #tpu.memory_space<semaphore_mem>>)
        %dma_wait3A = arith.constant 0 : i32
        %dma_wait3A_58 = tpu.memref_slice %arg6[%add3A_46, %dma_wait3A] : memref<10240x128xf32, #tpu.memory_space<hbm>> -> memref<128x128xf32, #tpu.memory_space<hbm>>
        %dma_wait3A_59 = arith.constant 0 : i32
        %dma_wait3A_60 = tpu.memref_slice %arg11[%add3A_44, %dma_wait3A_59] : memref<10240x128xf32, #tpu.memory_space<vmem_shared>> -> memref<128x128xf32, #tpu.memory_space<vmem_shared>>
        tpu.wait_dma2 semaphore(%run_scoped3A : memref<!tpu.dma_semaphore, #tpu.memory_space<semaphore_mem>>) src(%dma_wait3A_60 : memref<128x128xf32, #tpu.memory_space<vmem_shared>>) dst(%dma_wait3A_58 : memref<128x128xf32, #tpu.memory_space<hbm>>)
        tpu.yield
      }) : () -> ()
      %add3A_47 = arith.constant 384 : i32
      %add3A_48 = arith.addi %mul3A_6, %add3A_47 : i32
      %add3A_49 = arith.constant 384 : i32
      %add3A_50 = arith.addi %mul3A_6, %add3A_49 : i32
      "tpu.region"() ({
        %run_scoped3A = tpu.sem_alloc : memref<!tpu.dma_semaphore, #tpu.memory_space<semaphore_mem>>
        %dma_start3A = arith.constant 0 : i32
        %dma_start3A_55 = tpu.memref_slice %arg6[%add3A_50, %dma_start3A] : memref<10240x128xf32, #tpu.memory_space<hbm>> -> memref<128x128xf32, #tpu.memory_space<hbm>>
        %dma_start3A_56 = arith.constant 0 : i32
        %dma_start3A_57 = tpu.memref_slice %arg11[%add3A_48, %dma_start3A_56] : memref<10240x128xf32, #tpu.memory_space<vmem_shared>> -> memref<128x128xf32, #tpu.memory_space<vmem_shared>>
        tpu.enqueue_dma source(%dma_start3A_57 : memref<128x128xf32, #tpu.memory_space<vmem_shared>>) target(%dma_start3A_55 : memref<128x128xf32, #tpu.memory_space<hbm>>) target_semaphore(%run_scoped3A : memref<!tpu.dma_semaphore, #tpu.memory_space<semaphore_mem>>)
        %dma_wait3A = arith.constant 0 : i32
        %dma_wait3A_58 = tpu.memref_slice %arg6[%add3A_50, %dma_wait3A] : memref<10240x128xf32, #tpu.memory_space<hbm>> -> memref<128x128xf32, #tpu.memory_space<hbm>>
        %dma_wait3A_59 = arith.constant 0 : i32
        %dma_wait3A_60 = tpu.memref_slice %arg11[%add3A_48, %dma_wait3A_59] : memref<10240x128xf32, #tpu.memory_space<vmem_shared>> -> memref<128x128xf32, #tpu.memory_space<vmem_shared>>
        tpu.wait_dma2 semaphore(%run_scoped3A : memref<!tpu.dma_semaphore, #tpu.memory_space<semaphore_mem>>) src(%dma_wait3A_60 : memref<128x128xf32, #tpu.memory_space<vmem_shared>>) dst(%dma_wait3A_58 : memref<128x128xf32, #tpu.memory_space<hbm>>)
        tpu.yield
      }) : () -> ()
      %add3A_51 = arith.constant 512 : i32
      %add3A_52 = arith.addi %mul3A_6, %add3A_51 : i32
      %add3A_53 = arith.constant 512 : i32
      %add3A_54 = arith.addi %mul3A_6, %add3A_53 : i32
      "tpu.region"() ({
        %run_scoped3A = tpu.sem_alloc : memref<!tpu.dma_semaphore, #tpu.memory_space<semaphore_mem>>
        %dma_start3A = arith.constant 0 : i32
        %dma_start3A_55 = tpu.memref_slice %arg6[%add3A_54, %dma_start3A] : memref<10240x128xf32, #tpu.memory_space<hbm>> -> memref<128x128xf32, #tpu.memory_space<hbm>>
        %dma_start3A_56 = arith.constant 0 : i32
        %dma_start3A_57 = tpu.memref_slice %arg11[%add3A_52, %dma_start3A_56] : memref<10240x128xf32, #tpu.memory_space<vmem_shared>> -> memref<128x128xf32, #tpu.memory_space<vmem_shared>>
        tpu.enqueue_dma source(%dma_start3A_57 : memref<128x128xf32, #tpu.memory_space<vmem_shared>>) target(%dma_start3A_55 : memref<128x128xf32, #tpu.memory_space<hbm>>) target_semaphore(%run_scoped3A : memref<!tpu.dma_semaphore, #tpu.memory_space<semaphore_mem>>)
        %dma_wait3A = arith.constant 0 : i32
        %dma_wait3A_58 = tpu.memref_slice %arg6[%add3A_54, %dma_wait3A] : memref<10240x128xf32, #tpu.memory_space<hbm>> -> memref<128x128xf32, #tpu.memory_space<hbm>>
        %dma_wait3A_59 = arith.constant 0 : i32
        %dma_wait3A_60 = tpu.memref_slice %arg11[%add3A_52, %dma_wait3A_59] : memref<10240x128xf32, #tpu.memory_space<vmem_shared>> -> memref<128x128xf32, #tpu.memory_space<vmem_shared>>
        tpu.wait_dma2 semaphore(%run_scoped3A : memref<!tpu.dma_semaphore, #tpu.memory_space<semaphore_mem>>) src(%dma_wait3A_60 : memref<128x128xf32, #tpu.memory_space<vmem_shared>>) dst(%dma_wait3A_58 : memref<128x128xf32, #tpu.memory_space<hbm>>)
        tpu.yield
      }) : () -> ()
    } else {
    }
    return
  }
}

#map = affine_map<(d0, d1) -> (0)>
module attributes {stable_mosaic.version = 14 : i64} {
  func.func @_deg_kernel(%arg0: i32, %arg1: i32, %arg2: memref<320000xi32, #tpu.memory_space<hbm>>, %arg3: memref<10240xf32, #tpu.memory_space<hbm>>, %arg4: memref<20000xi32, #tpu.memory_space<vmem>>, %arg5: memref<10240xf32, #tpu.memory_space<vmem>>, %arg6: memref<16x640xf32, #tpu.memory_space<vmem>>, %arg7: memref<640xf32, #tpu.memory_space<vmem>>, %arg8: memref<16x10240xf32, #tpu.memory_space<vmem_shared>>) attributes {dimension_semantics = [#tpu.dimension_semantics<core_parallel>, #tpu.dimension_semantics<subcore_parallel>], iteration_bounds = array<i64: 2, 16>, scalar_prefetch = 0 : i64, scratch_operands = 5 : i64, tpu.core_type = #tpu.core_type<sc_vector_subcore>, window_params = [{transform_indices = #map}, {transform_indices = #map}]} {
    %broadcast_in_dim3A = arith.constant 0.000000e+00 : f32
    %broadcast_in_dim3A_0 = vector.broadcast %broadcast_in_dim3A : f32 to vector<16xf32>
    %scan3A = arith.constant 0 : i32
    %scan3A_1 = arith.constant 0 : i32
    %scan3A_2 = arith.constant 640 : i32
    %scan3A_3 = arith.addi %scan3A_1, %scan3A_2 : i32
    %scan3A_4 = arith.constant 1 : i32
    scf.for %scan3A_92 = %scan3A_1 to %scan3A_3 step %scan3A_4  : i32 {
      %mul3A_93 = arith.constant 16 : i32
      %mul3A_94 = arith.muli %scan3A_92, %mul3A_93 : i32
      %swap3A = arith.index_cast %mul3A_94 : i32 to index
      %swap3A_95 = tpu.vector_load %arg5[%swap3A] {strides = array<i32>} : memref<10240xf32, #tpu.memory_space<vmem>>, vector<16xf32>,
      tpu.vector_store %arg5[%swap3A], %broadcast_in_dim3A_0 {strides = array<i32>} : memref<10240xf32, #tpu.memory_space<vmem>>, vector<16xf32>,
    }
    %scan3A_5 = arith.constant 640 : i32
    %mul3A = arith.constant 20000 : i32
    %mul3A_6 = arith.muli %arg1, %mul3A : i32
    "tpu.region"() ({
      %run_scoped3A_92 = tpu.sem_alloc : memref<!tpu.dma_semaphore, #tpu.memory_space<semaphore_mem>>
      %dma_start3A = tpu.memref_slice %arg2[%mul3A_6] : memref<320000xi32, #tpu.memory_space<hbm>> -> memref<20000xi32, #tpu.memory_space<hbm>>
      %dma_start3A_93 = tpu.memref_slice %arg2[%mul3A_6] : memref<320000xi32, #tpu.memory_space<hbm>> -> memref<20000xi32, #tpu.memory_space<hbm>>
      tpu.enqueue_dma source(%dma_start3A_93 : memref<20000xi32, #tpu.memory_space<hbm>>) target(%arg4 : memref<20000xi32, #tpu.memory_space<vmem>>) target_semaphore(%run_scoped3A_92 : memref<!tpu.dma_semaphore, #tpu.memory_space<semaphore_mem>>)
      %dma_wait3A = tpu.memref_slice %arg2[%mul3A_6] : memref<320000xi32, #tpu.memory_space<hbm>> -> memref<20000xi32, #tpu.memory_space<hbm>>
      %dma_wait3A_94 = tpu.memref_slice %arg2[%mul3A_6] : memref<320000xi32, #tpu.memory_space<hbm>> -> memref<20000xi32, #tpu.memory_space<hbm>>
      tpu.wait_dma2 semaphore(%run_scoped3A_92 : memref<!tpu.dma_semaphore, #tpu.memory_space<semaphore_mem>>) src(%dma_wait3A_94 : memref<20000xi32, #tpu.memory_space<hbm>>) dst(%arg4 : memref<20000xi32, #tpu.memory_space<vmem>>)
      tpu.yield
    }) : () -> ()
    %broadcast_in_dim3A_7 = arith.constant 1.000000e+00 : f32
    %broadcast_in_dim3A_8 = vector.broadcast %broadcast_in_dim3A_7 : f32 to vector<16xf32>
    %scan3A_9 = arith.constant 0 : i32
    %scan3A_10 = arith.constant 0 : i32
    %scan3A_11 = arith.constant 1250 : i32
    %scan3A_12 = arith.addi %scan3A_10, %scan3A_11 : i32
    %scan3A_13 = arith.constant 1 : i32
    scf.for %scan3A_92 = %scan3A_10 to %scan3A_12 step %scan3A_13  : i32 {
      %mul3A_93 = arith.constant 16 : i32
      %mul3A_94 = arith.muli %scan3A_92, %mul3A_93 : i32
      %get3A = arith.index_cast %mul3A_94 : i32 to index
      %get3A_95 = tpu.vector_load %arg4[%get3A] {strides = array<i32>} : memref<20000xi32, #tpu.memory_space<vmem>>, vector<16xi32>,
      tpu.vector_store_idx %arg5[%get3A_95], %broadcast_in_dim3A_8 {add = true} : memref<10240xf32, #tpu.memory_space<vmem>>[vector<16xi32>], vector<16xf32>,
    }
    %scan3A_14 = arith.constant 1250 : i32
    "tpu.region"() ({
      %run_scoped3A_92 = tpu.sem_alloc : memref<!tpu.dma_semaphore, #tpu.memory_space<semaphore_mem>>
      %dma_start3A = arith.constant 0 : i32
      %dma_start3A_93 = tpu.memref_slice %arg8[%arg1, %dma_start3A] : memref<16x10240xf32, #tpu.memory_space<vmem_shared>> -> memref<1x10240xf32, #tpu.memory_space<vmem_shared>>
      %dma_start3A_94 = tpu.memref_squeeze %dma_start3A_93 : memref<1x10240xf32, #tpu.memory_space<vmem_shared>> -> memref<10240xf32, #tpu.memory_space<vmem_shared>>
      %dma_start3A_95 = arith.constant 0 : i32
      %dma_start3A_96 = tpu.memref_slice %arg8[%arg1, %dma_start3A_95] : memref<16x10240xf32, #tpu.memory_space<vmem_shared>> -> memref<1x10240xf32, #tpu.memory_space<vmem_shared>>
      %dma_start3A_97 = tpu.memref_squeeze %dma_start3A_96 : memref<1x10240xf32, #tpu.memory_space<vmem_shared>> -> memref<10240xf32, #tpu.memory_space<vmem_shared>>
      tpu.enqueue_dma source(%arg5 : memref<10240xf32, #tpu.memory_space<vmem>>) target(%dma_start3A_97 : memref<10240xf32, #tpu.memory_space<vmem_shared>>) target_semaphore(%run_scoped3A_92 : memref<!tpu.dma_semaphore, #tpu.memory_space<semaphore_mem>>)
      %dma_wait3A = arith.constant 0 : i32
      %dma_wait3A_98 = tpu.memref_slice %arg8[%arg1, %dma_wait3A] : memref<16x10240xf32, #tpu.memory_space<vmem_shared>> -> memref<1x10240xf32, #tpu.memory_space<vmem_shared>>
      %dma_wait3A_99 = tpu.memref_squeeze %dma_wait3A_98 : memref<1x10240xf32, #tpu.memory_space<vmem_shared>> -> memref<10240xf32, #tpu.memory_space<vmem_shared>>
      %dma_wait3A_100 = arith.constant 0 : i32
      %dma_wait3A_101 = tpu.memref_slice %arg8[%arg1, %dma_wait3A_100] : memref<16x10240xf32, #tpu.memory_space<vmem_shared>> -> memref<1x10240xf32, #tpu.memory_space<vmem_shared>>
      %dma_wait3A_102 = tpu.memref_squeeze %dma_wait3A_101 : memref<1x10240xf32, #tpu.memory_space<vmem_shared>> -> memref<10240xf32, #tpu.memory_space<vmem_shared>>
      tpu.wait_dma2 semaphore(%run_scoped3A_92 : memref<!tpu.dma_semaphore, #tpu.memory_space<semaphore_mem>>) src(%arg5 : memref<10240xf32, #tpu.memory_space<vmem>>) dst(%dma_wait3A_102 : memref<10240xf32, #tpu.memory_space<vmem_shared>>)
      tpu.yield
    }) : () -> ()
    %barrier3A = arith.constant 0 : index
    tpu.barrier barrier_id(%barrier3A)
    %mul3A_15 = arith.constant 640 : i32
    %mul3A_16 = arith.muli %arg1, %mul3A_15 : i32
    %run_scoped3A = arith.constant 0 : i32
    %run_scoped3A_17 = arith.constant 0 : i32
    "tpu.region"() ({
      %run_scoped3A_92 = tpu.sem_alloc : memref<!tpu.dma_semaphore, #tpu.memory_space<semaphore_mem>>
      %dma_start3A = arith.constant 0 : i32
      %dma_start3A_93 = tpu.memref_slice %arg6[%run_scoped3A_17, %dma_start3A] : memref<16x640xf32, #tpu.memory_space<vmem>> -> memref<1x640xf32, #tpu.memory_space<vmem>>
      %dma_start3A_94 = tpu.memref_squeeze %dma_start3A_93 : memref<1x640xf32, #tpu.memory_space<vmem>> -> memref<640xf32, #tpu.memory_space<vmem>>
      %dma_start3A_95 = tpu.memref_slice %arg8[%run_scoped3A, %mul3A_16] : memref<16x10240xf32, #tpu.memory_space<vmem_shared>> -> memref<1x640xf32, #tpu.memory_space<vmem_shared>>
      %dma_start3A_96 = tpu.memref_squeeze %dma_start3A_95 : memref<1x640xf32, #tpu.memory_space<vmem_shared>> -> memref<640xf32, #tpu.memory_space<vmem_shared>>
      %dma_start3A_97 = arith.constant 0 : i32
      %dma_start3A_98 = tpu.memref_slice %arg6[%run_scoped3A_17, %dma_start3A_97] : memref<16x640xf32, #tpu.memory_space<vmem>> -> memref<1x640xf32, #tpu.memory_space<vmem>>
      %dma_start3A_99 = tpu.memref_squeeze %dma_start3A_98 : memref<1x640xf32, #tpu.memory_space<vmem>> -> memref<640xf32, #tpu.memory_space<vmem>>
      %dma_start3A_100 = tpu.memref_slice %arg8[%run_scoped3A, %mul3A_16] : memref<16x10240xf32, #tpu.memory_space<vmem_shared>> -> memref<1x640xf32, #tpu.memory_space<vmem_shared>>
      %dma_start3A_101 = tpu.memref_squeeze %dma_start3A_100 : memref<1x640xf32, #tpu.memory_space<vmem_shared>> -> memref<640xf32, #tpu.memory_space<vmem_shared>>
      tpu.enqueue_dma source(%dma_start3A_101 : memref<640xf32, #tpu.memory_space<vmem_shared>>) target(%dma_start3A_99 : memref<640xf32, #tpu.memory_space<vmem>>) target_semaphore(%run_scoped3A_92 : memref<!tpu.dma_semaphore, #tpu.memory_space<semaphore_mem>>)
      %dma_wait3A = arith.constant 0 : i32
      %dma_wait3A_102 = tpu.memref_slice %arg6[%run_scoped3A_17, %dma_wait3A] : memref<16x640xf32, #tpu.memory_space<vmem>> -> memref<1x640xf32, #tpu.memory_space<vmem>>
      %dma_wait3A_103 = tpu.memref_squeeze %dma_wait3A_102 : memref<1x640xf32, #tpu.memory_space<vmem>> -> memref<640xf32, #tpu.memory_space<vmem>>
      %dma_wait3A_104 = tpu.memref_slice %arg8[%run_scoped3A, %mul3A_16] : memref<16x10240xf32, #tpu.memory_space<vmem_shared>> -> memref<1x640xf32, #tpu.memory_space<vmem_shared>>
      %dma_wait3A_105 = tpu.memref_squeeze %dma_wait3A_104 : memref<1x640xf32, #tpu.memory_space<vmem_shared>> -> memref<640xf32, #tpu.memory_space<vmem_shared>>
      %dma_wait3A_106 = arith.constant 0 : i32
      %dma_wait3A_107 = tpu.memref_slice %arg6[%run_scoped3A_17, %dma_wait3A_106] : memref<16x640xf32, #tpu.memory_space<vmem>> -> memref<1x640xf32, #tpu.memory_space<vmem>>
      %dma_wait3A_108 = tpu.memref_squeeze %dma_wait3A_107 : memref<1x640xf32, #tpu.memory_space<vmem>> -> memref<640xf32, #tpu.memory_space<vmem>>
      %dma_wait3A_109 = tpu.memref_slice %arg8[%run_scoped3A, %mul3A_16] : memref<16x10240xf32, #tpu.memory_space<vmem_shared>> -> memref<1x640xf32, #tpu.memory_space<vmem_shared>>
      %dma_wait3A_110 = tpu.memref_squeeze %dma_wait3A_109 : memref<1x640xf32, #tpu.memory_space<vmem_shared>> -> memref<640xf32, #tpu.memory_space<vmem_shared>>
      tpu.wait_dma2 semaphore(%run_scoped3A_92 : memref<!tpu.dma_semaphore, #tpu.memory_space<semaphore_mem>>) src(%dma_wait3A_110 : memref<640xf32, #tpu.memory_space<vmem_shared>>) dst(%dma_wait3A_108 : memref<640xf32, #tpu.memory_space<vmem>>)
      tpu.yield
    }) : () -> ()
    %mul3A_18 = arith.constant 640 : i32
    %mul3A_19 = arith.muli %arg1, %mul3A_18 : i32
    %run_scoped3A_20 = arith.constant 1 : i32
    %run_scoped3A_21 = arith.constant 1 : i32
    "tpu.region"() ({
      %run_scoped3A_92 = tpu.sem_alloc : memref<!tpu.dma_semaphore, #tpu.memory_space<semaphore_mem>>
      %dma_start3A = arith.constant 0 : i32
      %dma_start3A_93 = tpu.memref_slice %arg6[%run_scoped3A_21, %dma_start3A] : memref<16x640xf32, #tpu.memory_space<vmem>> -> memref<1x640xf32, #tpu.memory_space<vmem>>
      %dma_start3A_94 = tpu.memref_squeeze %dma_start3A_93 : memref<1x640xf32, #tpu.memory_space<vmem>> -> memref<640xf32, #tpu.memory_space<vmem>>
      %dma_start3A_95 = tpu.memref_slice %arg8[%run_scoped3A_20, %mul3A_19] : memref<16x10240xf32, #tpu.memory_space<vmem_shared>> -> memref<1x640xf32, #tpu.memory_space<vmem_shared>>
      %dma_start3A_96 = tpu.memref_squeeze %dma_start3A_95 : memref<1x640xf32, #tpu.memory_space<vmem_shared>> -> memref<640xf32, #tpu.memory_space<vmem_shared>>
      %dma_start3A_97 = arith.constant 0 : i32
      %dma_start3A_98 = tpu.memref_slice %arg6[%run_scoped3A_21, %dma_start3A_97] : memref<16x640xf32, #tpu.memory_space<vmem>> -> memref<1x640xf32, #tpu.memory_space<vmem>>
      %dma_start3A_99 = tpu.memref_squeeze %dma_start3A_98 : memref<1x640xf32, #tpu.memory_space<vmem>> -> memref<640xf32, #tpu.memory_space<vmem>>
      %dma_start3A_100 = tpu.memref_slice %arg8[%run_scoped3A_20, %mul3A_19] : memref<16x10240xf32, #tpu.memory_space<vmem_shared>> -> memref<1x640xf32, #tpu.memory_space<vmem_shared>>
      %dma_start3A_101 = tpu.memref_squeeze %dma_start3A_100 : memref<1x640xf32, #tpu.memory_space<vmem_shared>> -> memref<640xf32, #tpu.memory_space<vmem_shared>>
      tpu.enqueue_dma source(%dma_start3A_101 : memref<640xf32, #tpu.memory_space<vmem_shared>>) target(%dma_start3A_99 : memref<640xf32, #tpu.memory_space<vmem>>) target_semaphore(%run_scoped3A_92 : memref<!tpu.dma_semaphore, #tpu.memory_space<semaphore_mem>>)
      %dma_wait3A = arith.constant 0 : i32
      %dma_wait3A_102 = tpu.memref_slice %arg6[%run_scoped3A_21, %dma_wait3A] : memref<16x640xf32, #tpu.memory_space<vmem>> -> memref<1x640xf32, #tpu.memory_space<vmem>>
      %dma_wait3A_103 = tpu.memref_squeeze %dma_wait3A_102 : memref<1x640xf32, #tpu.memory_space<vmem>> -> memref<640xf32, #tpu.memory_space<vmem>>
      %dma_wait3A_104 = tpu.memref_slice %arg8[%run_scoped3A_20, %mul3A_19] : memref<16x10240xf32, #tpu.memory_space<vmem_shared>> -> memref<1x640xf32, #tpu.memory_space<vmem_shared>>
      %dma_wait3A_105 = tpu.memref_squeeze %dma_wait3A_104 : memref<1x640xf32, #tpu.memory_space<vmem_shared>> -> memref<640xf32, #tpu.memory_space<vmem_shared>>
      %dma_wait3A_106 = arith.constant 0 : i32
      %dma_wait3A_107 = tpu.memref_slice %arg6[%run_scoped3A_21, %dma_wait3A_106] : memref<16x640xf32, #tpu.memory_space<vmem>> -> memref<1x640xf32, #tpu.memory_space<vmem>>
      %dma_wait3A_108 = tpu.memref_squeeze %dma_wait3A_107 : memref<1x640xf32, #tpu.memory_space<vmem>> -> memref<640xf32, #tpu.memory_space<vmem>>
      %dma_wait3A_109 = tpu.memref_slice %arg8[%run_scoped3A_20, %mul3A_19] : memref<16x10240xf32, #tpu.memory_space<vmem_shared>> -> memref<1x640xf32, #tpu.memory_space<vmem_shared>>
      %dma_wait3A_110 = tpu.memref_squeeze %dma_wait3A_109 : memref<1x640xf32, #tpu.memory_space<vmem_shared>> -> memref<640xf32, #tpu.memory_space<vmem_shared>>
      tpu.wait_dma2 semaphore(%run_scoped3A_92 : memref<!tpu.dma_semaphore, #tpu.memory_space<semaphore_mem>>) src(%dma_wait3A_110 : memref<640xf32, #tpu.memory_space<vmem_shared>>) dst(%dma_wait3A_108 : memref<640xf32, #tpu.memory_space<vmem>>)
      tpu.yield
    }) : () -> ()
    %mul3A_22 = arith.constant 640 : i32
    %mul3A_23 = arith.muli %arg1, %mul3A_22 : i32
    %run_scoped3A_24 = arith.constant 2 : i32
    %run_scoped3A_25 = arith.constant 2 : i32
    "tpu.region"() ({
      %run_scoped3A_92 = tpu.sem_alloc : memref<!tpu.dma_semaphore, #tpu.memory_space<semaphore_mem>>
      %dma_start3A = arith.constant 0 : i32
      %dma_start3A_93 = tpu.memref_slice %arg6[%run_scoped3A_25, %dma_start3A] : memref<16x640xf32, #tpu.memory_space<vmem>> -> memref<1x640xf32, #tpu.memory_space<vmem>>
      %dma_start3A_94 = tpu.memref_squeeze %dma_start3A_93 : memref<1x640xf32, #tpu.memory_space<vmem>> -> memref<640xf32, #tpu.memory_space<vmem>>
      %dma_start3A_95 = tpu.memref_slice %arg8[%run_scoped3A_24, %mul3A_23] : memref<16x10240xf32, #tpu.memory_space<vmem_shared>> -> memref<1x640xf32, #tpu.memory_space<vmem_shared>>
      %dma_start3A_96 = tpu.memref_squeeze %dma_start3A_95 : memref<1x640xf32, #tpu.memory_space<vmem_shared>> -> memref<640xf32, #tpu.memory_space<vmem_shared>>
      %dma_start3A_97 = arith.constant 0 : i32
      %dma_start3A_98 = tpu.memref_slice %arg6[%run_scoped3A_25, %dma_start3A_97] : memref<16x640xf32, #tpu.memory_space<vmem>> -> memref<1x640xf32, #tpu.memory_space<vmem>>
      %dma_start3A_99 = tpu.memref_squeeze %dma_start3A_98 : memref<1x640xf32, #tpu.memory_space<vmem>> -> memref<640xf32, #tpu.memory_space<vmem>>
      %dma_start3A_100 = tpu.memref_slice %arg8[%run_scoped3A_24, %mul3A_23] : memref<16x10240xf32, #tpu.memory_space<vmem_shared>> -> memref<1x640xf32, #tpu.memory_space<vmem_shared>>
      %dma_start3A_101 = tpu.memref_squeeze %dma_start3A_100 : memref<1x640xf32, #tpu.memory_space<vmem_shared>> -> memref<640xf32, #tpu.memory_space<vmem_shared>>
      tpu.enqueue_dma source(%dma_start3A_101 : memref<640xf32, #tpu.memory_space<vmem_shared>>) target(%dma_start3A_99 : memref<640xf32, #tpu.memory_space<vmem>>) target_semaphore(%run_scoped3A_92 : memref<!tpu.dma_semaphore, #tpu.memory_space<semaphore_mem>>)
      %dma_wait3A = arith.constant 0 : i32
      %dma_wait3A_102 = tpu.memref_slice %arg6[%run_scoped3A_25, %dma_wait3A] : memref<16x640xf32, #tpu.memory_space<vmem>> -> memref<1x640xf32, #tpu.memory_space<vmem>>
      %dma_wait3A_103 = tpu.memref_squeeze %dma_wait3A_102 : memref<1x640xf32, #tpu.memory_space<vmem>> -> memref<640xf32, #tpu.memory_space<vmem>>
      %dma_wait3A_104 = tpu.memref_slice %arg8[%run_scoped3A_24, %mul3A_23] : memref<16x10240xf32, #tpu.memory_space<vmem_shared>> -> memref<1x640xf32, #tpu.memory_space<vmem_shared>>
      %dma_wait3A_105 = tpu.memref_squeeze %dma_wait3A_104 : memref<1x640xf32, #tpu.memory_space<vmem_shared>> -> memref<640xf32, #tpu.memory_space<vmem_shared>>
      %dma_wait3A_106 = arith.constant 0 : i32
      %dma_wait3A_107 = tpu.memref_slice %arg6[%run_scoped3A_25, %dma_wait3A_106] : memref<16x640xf32, #tpu.memory_space<vmem>> -> memref<1x640xf32, #tpu.memory_space<vmem>>
      %dma_wait3A_108 = tpu.memref_squeeze %dma_wait3A_107 : memref<1x640xf32, #tpu.memory_space<vmem>> -> memref<640xf32, #tpu.memory_space<vmem>>
      %dma_wait3A_109 = tpu.memref_slice %arg8[%run_scoped3A_24, %mul3A_23] : memref<16x10240xf32, #tpu.memory_space<vmem_shared>> -> memref<1x640xf32, #tpu.memory_space<vmem_shared>>
      %dma_wait3A_110 = tpu.memref_squeeze %dma_wait3A_109 : memref<1x640xf32, #tpu.memory_space<vmem_shared>> -> memref<640xf32, #tpu.memory_space<vmem_shared>>
      tpu.wait_dma2 semaphore(%run_scoped3A_92 : memref<!tpu.dma_semaphore, #tpu.memory_space<semaphore_mem>>) src(%dma_wait3A_110 : memref<640xf32, #tpu.memory_space<vmem_shared>>) dst(%dma_wait3A_108 : memref<640xf32, #tpu.memory_space<vmem>>)
      tpu.yield
    }) : () -> ()
    %mul3A_26 = arith.constant 640 : i32
    %mul3A_27 = arith.muli %arg1, %mul3A_26 : i32
    %run_scoped3A_28 = arith.constant 3 : i32
    %run_scoped3A_29 = arith.constant 3 : i32
    "tpu.region"() ({
      %run_scoped3A_92 = tpu.sem_alloc : memref<!tpu.dma_semaphore, #tpu.memory_space<semaphore_mem>>
      %dma_start3A = arith.constant 0 : i32
      %dma_start3A_93 = tpu.memref_slice %arg6[%run_scoped3A_29, %dma_start3A] : memref<16x640xf32, #tpu.memory_space<vmem>> -> memref<1x640xf32, #tpu.memory_space<vmem>>
      %dma_start3A_94 = tpu.memref_squeeze %dma_start3A_93 : memref<1x640xf32, #tpu.memory_space<vmem>> -> memref<640xf32, #tpu.memory_space<vmem>>
      %dma_start3A_95 = tpu.memref_slice %arg8[%run_scoped3A_28, %mul3A_27] : memref<16x10240xf32, #tpu.memory_space<vmem_shared>> -> memref<1x640xf32, #tpu.memory_space<vmem_shared>>
      %dma_start3A_96 = tpu.memref_squeeze %dma_start3A_95 : memref<1x640xf32, #tpu.memory_space<vmem_shared>> -> memref<640xf32, #tpu.memory_space<vmem_shared>>
      %dma_start3A_97 = arith.constant 0 : i32
      %dma_start3A_98 = tpu.memref_slice %arg6[%run_scoped3A_29, %dma_start3A_97] : memref<16x640xf32, #tpu.memory_space<vmem>> -> memref<1x640xf32, #tpu.memory_space<vmem>>
      %dma_start3A_99 = tpu.memref_squeeze %dma_start3A_98 : memref<1x640xf32, #tpu.memory_space<vmem>> -> memref<640xf32, #tpu.memory_space<vmem>>
      %dma_start3A_100 = tpu.memref_slice %arg8[%run_scoped3A_28, %mul3A_27] : memref<16x10240xf32, #tpu.memory_space<vmem_shared>> -> memref<1x640xf32, #tpu.memory_space<vmem_shared>>
      %dma_start3A_101 = tpu.memref_squeeze %dma_start3A_100 : memref<1x640xf32, #tpu.memory_space<vmem_shared>> -> memref<640xf32, #tpu.memory_space<vmem_shared>>
      tpu.enqueue_dma source(%dma_start3A_101 : memref<640xf32, #tpu.memory_space<vmem_shared>>) target(%dma_start3A_99 : memref<640xf32, #tpu.memory_space<vmem>>) target_semaphore(%run_scoped3A_92 : memref<!tpu.dma_semaphore, #tpu.memory_space<semaphore_mem>>)
      %dma_wait3A = arith.constant 0 : i32
      %dma_wait3A_102 = tpu.memref_slice %arg6[%run_scoped3A_29, %dma_wait3A] : memref<16x640xf32, #tpu.memory_space<vmem>> -> memref<1x640xf32, #tpu.memory_space<vmem>>
      %dma_wait3A_103 = tpu.memref_squeeze %dma_wait3A_102 : memref<1x640xf32, #tpu.memory_space<vmem>> -> memref<640xf32, #tpu.memory_space<vmem>>
      %dma_wait3A_104 = tpu.memref_slice %arg8[%run_scoped3A_28, %mul3A_27] : memref<16x10240xf32, #tpu.memory_space<vmem_shared>> -> memref<1x640xf32, #tpu.memory_space<vmem_shared>>
      %dma_wait3A_105 = tpu.memref_squeeze %dma_wait3A_104 : memref<1x640xf32, #tpu.memory_space<vmem_shared>> -> memref<640xf32, #tpu.memory_space<vmem_shared>>
      %dma_wait3A_106 = arith.constant 0 : i32
      %dma_wait3A_107 = tpu.memref_slice %arg6[%run_scoped3A_29, %dma_wait3A_106] : memref<16x640xf32, #tpu.memory_space<vmem>> -> memref<1x640xf32, #tpu.memory_space<vmem>>
      %dma_wait3A_108 = tpu.memref_squeeze %dma_wait3A_107 : memref<1x640xf32, #tpu.memory_space<vmem>> -> memref<640xf32, #tpu.memory_space<vmem>>
      %dma_wait3A_109 = tpu.memref_slice %arg8[%run_scoped3A_28, %mul3A_27] : memref<16x10240xf32, #tpu.memory_space<vmem_shared>> -> memref<1x640xf32, #tpu.memory_space<vmem_shared>>
      %dma_wait3A_110 = tpu.memref_squeeze %dma_wait3A_109 : memref<1x640xf32, #tpu.memory_space<vmem_shared>> -> memref<640xf32, #tpu.memory_space<vmem_shared>>
      tpu.wait_dma2 semaphore(%run_scoped3A_92 : memref<!tpu.dma_semaphore, #tpu.memory_space<semaphore_mem>>) src(%dma_wait3A_110 : memref<640xf32, #tpu.memory_space<vmem_shared>>) dst(%dma_wait3A_108 : memref<640xf32, #tpu.memory_space<vmem>>)
      tpu.yield
    }) : () -> ()
    %mul3A_30 = arith.constant 640 : i32
    %mul3A_31 = arith.muli %arg1, %mul3A_30 : i32
    %run_scoped3A_32 = arith.constant 4 : i32
    %run_scoped3A_33 = arith.constant 4 : i32
    "tpu.region"() ({
      %run_scoped3A_92 = tpu.sem_alloc : memref<!tpu.dma_semaphore, #tpu.memory_space<semaphore_mem>>
      %dma_start3A = arith.constant 0 : i32
      %dma_start3A_93 = tpu.memref_slice %arg6[%run_scoped3A_33, %dma_start3A] : memref<16x640xf32, #tpu.memory_space<vmem>> -> memref<1x640xf32, #tpu.memory_space<vmem>>
      %dma_start3A_94 = tpu.memref_squeeze %dma_start3A_93 : memref<1x640xf32, #tpu.memory_space<vmem>> -> memref<640xf32, #tpu.memory_space<vmem>>
      %dma_start3A_95 = tpu.memref_slice %arg8[%run_scoped3A_32, %mul3A_31] : memref<16x10240xf32, #tpu.memory_space<vmem_shared>> -> memref<1x640xf32, #tpu.memory_space<vmem_shared>>
      %dma_start3A_96 = tpu.memref_squeeze %dma_start3A_95 : memref<1x640xf32, #tpu.memory_space<vmem_shared>> -> memref<640xf32, #tpu.memory_space<vmem_shared>>
      %dma_start3A_97 = arith.constant 0 : i32
      %dma_start3A_98 = tpu.memref_slice %arg6[%run_scoped3A_33, %dma_start3A_97] : memref<16x640xf32, #tpu.memory_space<vmem>> -> memref<1x640xf32, #tpu.memory_space<vmem>>
      %dma_start3A_99 = tpu.memref_squeeze %dma_start3A_98 : memref<1x640xf32, #tpu.memory_space<vmem>> -> memref<640xf32, #tpu.memory_space<vmem>>
      %dma_start3A_100 = tpu.memref_slice %arg8[%run_scoped3A_32, %mul3A_31] : memref<16x10240xf32, #tpu.memory_space<vmem_shared>> -> memref<1x640xf32, #tpu.memory_space<vmem_shared>>
      %dma_start3A_101 = tpu.memref_squeeze %dma_start3A_100 : memref<1x640xf32, #tpu.memory_space<vmem_shared>> -> memref<640xf32, #tpu.memory_space<vmem_shared>>
      tpu.enqueue_dma source(%dma_start3A_101 : memref<640xf32, #tpu.memory_space<vmem_shared>>) target(%dma_start3A_99 : memref<640xf32, #tpu.memory_space<vmem>>) target_semaphore(%run_scoped3A_92 : memref<!tpu.dma_semaphore, #tpu.memory_space<semaphore_mem>>)
      %dma_wait3A = arith.constant 0 : i32
      %dma_wait3A_102 = tpu.memref_slice %arg6[%run_scoped3A_33, %dma_wait3A] : memref<16x640xf32, #tpu.memory_space<vmem>> -> memref<1x640xf32, #tpu.memory_space<vmem>>
      %dma_wait3A_103 = tpu.memref_squeeze %dma_wait3A_102 : memref<1x640xf32, #tpu.memory_space<vmem>> -> memref<640xf32, #tpu.memory_space<vmem>>
      %dma_wait3A_104 = tpu.memref_slice %arg8[%run_scoped3A_32, %mul3A_31] : memref<16x10240xf32, #tpu.memory_space<vmem_shared>> -> memref<1x640xf32, #tpu.memory_space<vmem_shared>>
      %dma_wait3A_105 = tpu.memref_squeeze %dma_wait3A_104 : memref<1x640xf32, #tpu.memory_space<vmem_shared>> -> memref<640xf32, #tpu.memory_space<vmem_shared>>
      %dma_wait3A_106 = arith.constant 0 : i32
      %dma_wait3A_107 = tpu.memref_slice %arg6[%run_scoped3A_33, %dma_wait3A_106] : memref<16x640xf32, #tpu.memory_space<vmem>> -> memref<1x640xf32, #tpu.memory_space<vmem>>
      %dma_wait3A_108 = tpu.memref_squeeze %dma_wait3A_107 : memref<1x640xf32, #tpu.memory_space<vmem>> -> memref<640xf32, #tpu.memory_space<vmem>>
      %dma_wait3A_109 = tpu.memref_slice %arg8[%run_scoped3A_32, %mul3A_31] : memref<16x10240xf32, #tpu.memory_space<vmem_shared>> -> memref<1x640xf32, #tpu.memory_space<vmem_shared>>
      %dma_wait3A_110 = tpu.memref_squeeze %dma_wait3A_109 : memref<1x640xf32, #tpu.memory_space<vmem_shared>> -> memref<640xf32, #tpu.memory_space<vmem_shared>>
      tpu.wait_dma2 semaphore(%run_scoped3A_92 : memref<!tpu.dma_semaphore, #tpu.memory_space<semaphore_mem>>) src(%dma_wait3A_110 : memref<640xf32, #tpu.memory_space<vmem_shared>>) dst(%dma_wait3A_108 : memref<640xf32, #tpu.memory_space<vmem>>)
      tpu.yield
    }) : () -> ()
    %mul3A_34 = arith.constant 640 : i32
    %mul3A_35 = arith.muli %arg1, %mul3A_34 : i32
    %run_scoped3A_36 = arith.constant 5 : i32
    %run_scoped3A_37 = arith.constant 5 : i32
    "tpu.region"() ({
      %run_scoped3A_92 = tpu.sem_alloc : memref<!tpu.dma_semaphore, #tpu.memory_space<semaphore_mem>>
      %dma_start3A = arith.constant 0 : i32
      %dma_start3A_93 = tpu.memref_slice %arg6[%run_scoped3A_37, %dma_start3A] : memref<16x640xf32, #tpu.memory_space<vmem>> -> memref<1x640xf32, #tpu.memory_space<vmem>>
      %dma_start3A_94 = tpu.memref_squeeze %dma_start3A_93 : memref<1x640xf32, #tpu.memory_space<vmem>> -> memref<640xf32, #tpu.memory_space<vmem>>
      %dma_start3A_95 = tpu.memref_slice %arg8[%run_scoped3A_36, %mul3A_35] : memref<16x10240xf32, #tpu.memory_space<vmem_shared>> -> memref<1x640xf32, #tpu.memory_space<vmem_shared>>
      %dma_start3A_96 = tpu.memref_squeeze %dma_start3A_95 : memref<1x640xf32, #tpu.memory_space<vmem_shared>> -> memref<640xf32, #tpu.memory_space<vmem_shared>>
      %dma_start3A_97 = arith.constant 0 : i32
      %dma_start3A_98 = tpu.memref_slice %arg6[%run_scoped3A_37, %dma_start3A_97] : memref<16x640xf32, #tpu.memory_space<vmem>> -> memref<1x640xf32, #tpu.memory_space<vmem>>
      %dma_start3A_99 = tpu.memref_squeeze %dma_start3A_98 : memref<1x640xf32, #tpu.memory_space<vmem>> -> memref<640xf32, #tpu.memory_space<vmem>>
      %dma_start3A_100 = tpu.memref_slice %arg8[%run_scoped3A_36, %mul3A_35] : memref<16x10240xf32, #tpu.memory_space<vmem_shared>> -> memref<1x640xf32, #tpu.memory_space<vmem_shared>>
      %dma_start3A_101 = tpu.memref_squeeze %dma_start3A_100 : memref<1x640xf32, #tpu.memory_space<vmem_shared>> -> memref<640xf32, #tpu.memory_space<vmem_shared>>
      tpu.enqueue_dma source(%dma_start3A_101 : memref<640xf32, #tpu.memory_space<vmem_shared>>) target(%dma_start3A_99 : memref<640xf32, #tpu.memory_space<vmem>>) target_semaphore(%run_scoped3A_92 : memref<!tpu.dma_semaphore, #tpu.memory_space<semaphore_mem>>)
      %dma_wait3A = arith.constant 0 : i32
      %dma_wait3A_102 = tpu.memref_slice %arg6[%run_scoped3A_37, %dma_wait3A] : memref<16x640xf32, #tpu.memory_space<vmem>> -> memref<1x640xf32, #tpu.memory_space<vmem>>
      %dma_wait3A_103 = tpu.memref_squeeze %dma_wait3A_102 : memref<1x640xf32, #tpu.memory_space<vmem>> -> memref<640xf32, #tpu.memory_space<vmem>>
      %dma_wait3A_104 = tpu.memref_slice %arg8[%run_scoped3A_36, %mul3A_35] : memref<16x10240xf32, #tpu.memory_space<vmem_shared>> -> memref<1x640xf32, #tpu.memory_space<vmem_shared>>
      %dma_wait3A_105 = tpu.memref_squeeze %dma_wait3A_104 : memref<1x640xf32, #tpu.memory_space<vmem_shared>> -> memref<640xf32, #tpu.memory_space<vmem_shared>>
      %dma_wait3A_106 = arith.constant 0 : i32
      %dma_wait3A_107 = tpu.memref_slice %arg6[%run_scoped3A_37, %dma_wait3A_106] : memref<16x640xf32, #tpu.memory_space<vmem>> -> memref<1x640xf32, #tpu.memory_space<vmem>>
      %dma_wait3A_108 = tpu.memref_squeeze %dma_wait3A_107 : memref<1x640xf32, #tpu.memory_space<vmem>> -> memref<640xf32, #tpu.memory_space<vmem>>
      %dma_wait3A_109 = tpu.memref_slice %arg8[%run_scoped3A_36, %mul3A_35] : memref<16x10240xf32, #tpu.memory_space<vmem_shared>> -> memref<1x640xf32, #tpu.memory_space<vmem_shared>>
      %dma_wait3A_110 = tpu.memref_squeeze %dma_wait3A_109 : memref<1x640xf32, #tpu.memory_space<vmem_shared>> -> memref<640xf32, #tpu.memory_space<vmem_shared>>
      tpu.wait_dma2 semaphore(%run_scoped3A_92 : memref<!tpu.dma_semaphore, #tpu.memory_space<semaphore_mem>>) src(%dma_wait3A_110 : memref<640xf32, #tpu.memory_space<vmem_shared>>) dst(%dma_wait3A_108 : memref<640xf32, #tpu.memory_space<vmem>>)
      tpu.yield
    }) : () -> ()
    %mul3A_38 = arith.constant 640 : i32
    %mul3A_39 = arith.muli %arg1, %mul3A_38 : i32
    %run_scoped3A_40 = arith.constant 6 : i32
    %run_scoped3A_41 = arith.constant 6 : i32
    "tpu.region"() ({
      %run_scoped3A_92 = tpu.sem_alloc : memref<!tpu.dma_semaphore, #tpu.memory_space<semaphore_mem>>
      %dma_start3A = arith.constant 0 : i32
      %dma_start3A_93 = tpu.memref_slice %arg6[%run_scoped3A_41, %dma_start3A] : memref<16x640xf32, #tpu.memory_space<vmem>> -> memref<1x640xf32, #tpu.memory_space<vmem>>
      %dma_start3A_94 = tpu.memref_squeeze %dma_start3A_93 : memref<1x640xf32, #tpu.memory_space<vmem>> -> memref<640xf32, #tpu.memory_space<vmem>>
      %dma_start3A_95 = tpu.memref_slice %arg8[%run_scoped3A_40, %mul3A_39] : memref<16x10240xf32, #tpu.memory_space<vmem_shared>> -> memref<1x640xf32, #tpu.memory_space<vmem_shared>>
      %dma_start3A_96 = tpu.memref_squeeze %dma_start3A_95 : memref<1x640xf32, #tpu.memory_space<vmem_shared>> -> memref<640xf32, #tpu.memory_space<vmem_shared>>
      %dma_start3A_97 = arith.constant 0 : i32
      %dma_start3A_98 = tpu.memref_slice %arg6[%run_scoped3A_41, %dma_start3A_97] : memref<16x640xf32, #tpu.memory_space<vmem>> -> memref<1x640xf32, #tpu.memory_space<vmem>>
      %dma_start3A_99 = tpu.memref_squeeze %dma_start3A_98 : memref<1x640xf32, #tpu.memory_space<vmem>> -> memref<640xf32, #tpu.memory_space<vmem>>
      %dma_start3A_100 = tpu.memref_slice %arg8[%run_scoped3A_40, %mul3A_39] : memref<16x10240xf32, #tpu.memory_space<vmem_shared>> -> memref<1x640xf32, #tpu.memory_space<vmem_shared>>
      %dma_start3A_101 = tpu.memref_squeeze %dma_start3A_100 : memref<1x640xf32, #tpu.memory_space<vmem_shared>> -> memref<640xf32, #tpu.memory_space<vmem_shared>>
      tpu.enqueue_dma source(%dma_start3A_101 : memref<640xf32, #tpu.memory_space<vmem_shared>>) target(%dma_start3A_99 : memref<640xf32, #tpu.memory_space<vmem>>) target_semaphore(%run_scoped3A_92 : memref<!tpu.dma_semaphore, #tpu.memory_space<semaphore_mem>>)
      %dma_wait3A = arith.constant 0 : i32
      %dma_wait3A_102 = tpu.memref_slice %arg6[%run_scoped3A_41, %dma_wait3A] : memref<16x640xf32, #tpu.memory_space<vmem>> -> memref<1x640xf32, #tpu.memory_space<vmem>>
      %dma_wait3A_103 = tpu.memref_squeeze %dma_wait3A_102 : memref<1x640xf32, #tpu.memory_space<vmem>> -> memref<640xf32, #tpu.memory_space<vmem>>
      %dma_wait3A_104 = tpu.memref_slice %arg8[%run_scoped3A_40, %mul3A_39] : memref<16x10240xf32, #tpu.memory_space<vmem_shared>> -> memref<1x640xf32, #tpu.memory_space<vmem_shared>>
      %dma_wait3A_105 = tpu.memref_squeeze %dma_wait3A_104 : memref<1x640xf32, #tpu.memory_space<vmem_shared>> -> memref<640xf32, #tpu.memory_space<vmem_shared>>
      %dma_wait3A_106 = arith.constant 0 : i32
      %dma_wait3A_107 = tpu.memref_slice %arg6[%run_scoped3A_41, %dma_wait3A_106] : memref<16x640xf32, #tpu.memory_space<vmem>> -> memref<1x640xf32, #tpu.memory_space<vmem>>
      %dma_wait3A_108 = tpu.memref_squeeze %dma_wait3A_107 : memref<1x640xf32, #tpu.memory_space<vmem>> -> memref<640xf32, #tpu.memory_space<vmem>>
      %dma_wait3A_109 = tpu.memref_slice %arg8[%run_scoped3A_40, %mul3A_39] : memref<16x10240xf32, #tpu.memory_space<vmem_shared>> -> memref<1x640xf32, #tpu.memory_space<vmem_shared>>
      %dma_wait3A_110 = tpu.memref_squeeze %dma_wait3A_109 : memref<1x640xf32, #tpu.memory_space<vmem_shared>> -> memref<640xf32, #tpu.memory_space<vmem_shared>>
      tpu.wait_dma2 semaphore(%run_scoped3A_92 : memref<!tpu.dma_semaphore, #tpu.memory_space<semaphore_mem>>) src(%dma_wait3A_110 : memref<640xf32, #tpu.memory_space<vmem_shared>>) dst(%dma_wait3A_108 : memref<640xf32, #tpu.memory_space<vmem>>)
      tpu.yield
    }) : () -> ()
    %mul3A_42 = arith.constant 640 : i32
    %mul3A_43 = arith.muli %arg1, %mul3A_42 : i32
    %run_scoped3A_44 = arith.constant 7 : i32
    %run_scoped3A_45 = arith.constant 7 : i32
    "tpu.region"() ({
      %run_scoped3A_92 = tpu.sem_alloc : memref<!tpu.dma_semaphore, #tpu.memory_space<semaphore_mem>>
      %dma_start3A = arith.constant 0 : i32
      %dma_start3A_93 = tpu.memref_slice %arg6[%run_scoped3A_45, %dma_start3A] : memref<16x640xf32, #tpu.memory_space<vmem>> -> memref<1x640xf32, #tpu.memory_space<vmem>>
      %dma_start3A_94 = tpu.memref_squeeze %dma_start3A_93 : memref<1x640xf32, #tpu.memory_space<vmem>> -> memref<640xf32, #tpu.memory_space<vmem>>
      %dma_start3A_95 = tpu.memref_slice %arg8[%run_scoped3A_44, %mul3A_43] : memref<16x10240xf32, #tpu.memory_space<vmem_shared>> -> memref<1x640xf32, #tpu.memory_space<vmem_shared>>
      %dma_start3A_96 = tpu.memref_squeeze %dma_start3A_95 : memref<1x640xf32, #tpu.memory_space<vmem_shared>> -> memref<640xf32, #tpu.memory_space<vmem_shared>>
      %dma_start3A_97 = arith.constant 0 : i32
      %dma_start3A_98 = tpu.memref_slice %arg6[%run_scoped3A_45, %dma_start3A_97] : memref<16x640xf32, #tpu.memory_space<vmem>> -> memref<1x640xf32, #tpu.memory_space<vmem>>
      %dma_start3A_99 = tpu.memref_squeeze %dma_start3A_98 : memref<1x640xf32, #tpu.memory_space<vmem>> -> memref<640xf32, #tpu.memory_space<vmem>>
      %dma_start3A_100 = tpu.memref_slice %arg8[%run_scoped3A_44, %mul3A_43] : memref<16x10240xf32, #tpu.memory_space<vmem_shared>> -> memref<1x640xf32, #tpu.memory_space<vmem_shared>>
      %dma_start3A_101 = tpu.memref_squeeze %dma_start3A_100 : memref<1x640xf32, #tpu.memory_space<vmem_shared>> -> memref<640xf32, #tpu.memory_space<vmem_shared>>
      tpu.enqueue_dma source(%dma_start3A_101 : memref<640xf32, #tpu.memory_space<vmem_shared>>) target(%dma_start3A_99 : memref<640xf32, #tpu.memory_space<vmem>>) target_semaphore(%run_scoped3A_92 : memref<!tpu.dma_semaphore, #tpu.memory_space<semaphore_mem>>)
      %dma_wait3A = arith.constant 0 : i32
      %dma_wait3A_102 = tpu.memref_slice %arg6[%run_scoped3A_45, %dma_wait3A] : memref<16x640xf32, #tpu.memory_space<vmem>> -> memref<1x640xf32, #tpu.memory_space<vmem>>
      %dma_wait3A_103 = tpu.memref_squeeze %dma_wait3A_102 : memref<1x640xf32, #tpu.memory_space<vmem>> -> memref<640xf32, #tpu.memory_space<vmem>>
      %dma_wait3A_104 = tpu.memref_slice %arg8[%run_scoped3A_44, %mul3A_43] : memref<16x10240xf32, #tpu.memory_space<vmem_shared>> -> memref<1x640xf32, #tpu.memory_space<vmem_shared>>
      %dma_wait3A_105 = tpu.memref_squeeze %dma_wait3A_104 : memref<1x640xf32, #tpu.memory_space<vmem_shared>> -> memref<640xf32, #tpu.memory_space<vmem_shared>>
      %dma_wait3A_106 = arith.constant 0 : i32
      %dma_wait3A_107 = tpu.memref_slice %arg6[%run_scoped3A_45, %dma_wait3A_106] : memref<16x640xf32, #tpu.memory_space<vmem>> -> memref<1x640xf32, #tpu.memory_space<vmem>>
      %dma_wait3A_108 = tpu.memref_squeeze %dma_wait3A_107 : memref<1x640xf32, #tpu.memory_space<vmem>> -> memref<640xf32, #tpu.memory_space<vmem>>
      %dma_wait3A_109 = tpu.memref_slice %arg8[%run_scoped3A_44, %mul3A_43] : memref<16x10240xf32, #tpu.memory_space<vmem_shared>> -> memref<1x640xf32, #tpu.memory_space<vmem_shared>>
      %dma_wait3A_110 = tpu.memref_squeeze %dma_wait3A_109 : memref<1x640xf32, #tpu.memory_space<vmem_shared>> -> memref<640xf32, #tpu.memory_space<vmem_shared>>
      tpu.wait_dma2 semaphore(%run_scoped3A_92 : memref<!tpu.dma_semaphore, #tpu.memory_space<semaphore_mem>>) src(%dma_wait3A_110 : memref<640xf32, #tpu.memory_space<vmem_shared>>) dst(%dma_wait3A_108 : memref<640xf32, #tpu.memory_space<vmem>>)
      tpu.yield
    }) : () -> ()
    %mul3A_46 = arith.constant 640 : i32
    %mul3A_47 = arith.muli %arg1, %mul3A_46 : i32
    %run_scoped3A_48 = arith.constant 8 : i32
    %run_scoped3A_49 = arith.constant 8 : i32
    "tpu.region"() ({
      %run_scoped3A_92 = tpu.sem_alloc : memref<!tpu.dma_semaphore, #tpu.memory_space<semaphore_mem>>
      %dma_start3A = arith.constant 0 : i32
      %dma_start3A_93 = tpu.memref_slice %arg6[%run_scoped3A_49, %dma_start3A] : memref<16x640xf32, #tpu.memory_space<vmem>> -> memref<1x640xf32, #tpu.memory_space<vmem>>
      %dma_start3A_94 = tpu.memref_squeeze %dma_start3A_93 : memref<1x640xf32, #tpu.memory_space<vmem>> -> memref<640xf32, #tpu.memory_space<vmem>>
      %dma_start3A_95 = tpu.memref_slice %arg8[%run_scoped3A_48, %mul3A_47] : memref<16x10240xf32, #tpu.memory_space<vmem_shared>> -> memref<1x640xf32, #tpu.memory_space<vmem_shared>>
      %dma_start3A_96 = tpu.memref_squeeze %dma_start3A_95 : memref<1x640xf32, #tpu.memory_space<vmem_shared>> -> memref<640xf32, #tpu.memory_space<vmem_shared>>
      %dma_start3A_97 = arith.constant 0 : i32
      %dma_start3A_98 = tpu.memref_slice %arg6[%run_scoped3A_49, %dma_start3A_97] : memref<16x640xf32, #tpu.memory_space<vmem>> -> memref<1x640xf32, #tpu.memory_space<vmem>>
      %dma_start3A_99 = tpu.memref_squeeze %dma_start3A_98 : memref<1x640xf32, #tpu.memory_space<vmem>> -> memref<640xf32, #tpu.memory_space<vmem>>
      %dma_start3A_100 = tpu.memref_slice %arg8[%run_scoped3A_48, %mul3A_47] : memref<16x10240xf32, #tpu.memory_space<vmem_shared>> -> memref<1x640xf32, #tpu.memory_space<vmem_shared>>
      %dma_start3A_101 = tpu.memref_squeeze %dma_start3A_100 : memref<1x640xf32, #tpu.memory_space<vmem_shared>> -> memref<640xf32, #tpu.memory_space<vmem_shared>>
      tpu.enqueue_dma source(%dma_start3A_101 : memref<640xf32, #tpu.memory_space<vmem_shared>>) target(%dma_start3A_99 : memref<640xf32, #tpu.memory_space<vmem>>) target_semaphore(%run_scoped3A_92 : memref<!tpu.dma_semaphore, #tpu.memory_space<semaphore_mem>>)
      %dma_wait3A = arith.constant 0 : i32
      %dma_wait3A_102 = tpu.memref_slice %arg6[%run_scoped3A_49, %dma_wait3A] : memref<16x640xf32, #tpu.memory_space<vmem>> -> memref<1x640xf32, #tpu.memory_space<vmem>>
      %dma_wait3A_103 = tpu.memref_squeeze %dma_wait3A_102 : memref<1x640xf32, #tpu.memory_space<vmem>> -> memref<640xf32, #tpu.memory_space<vmem>>
      %dma_wait3A_104 = tpu.memref_slice %arg8[%run_scoped3A_48, %mul3A_47] : memref<16x10240xf32, #tpu.memory_space<vmem_shared>> -> memref<1x640xf32, #tpu.memory_space<vmem_shared>>
      %dma_wait3A_105 = tpu.memref_squeeze %dma_wait3A_104 : memref<1x640xf32, #tpu.memory_space<vmem_shared>> -> memref<640xf32, #tpu.memory_space<vmem_shared>>
      %dma_wait3A_106 = arith.constant 0 : i32
      %dma_wait3A_107 = tpu.memref_slice %arg6[%run_scoped3A_49, %dma_wait3A_106] : memref<16x640xf32, #tpu.memory_space<vmem>> -> memref<1x640xf32, #tpu.memory_space<vmem>>
      %dma_wait3A_108 = tpu.memref_squeeze %dma_wait3A_107 : memref<1x640xf32, #tpu.memory_space<vmem>> -> memref<640xf32, #tpu.memory_space<vmem>>
      %dma_wait3A_109 = tpu.memref_slice %arg8[%run_scoped3A_48, %mul3A_47] : memref<16x10240xf32, #tpu.memory_space<vmem_shared>> -> memref<1x640xf32, #tpu.memory_space<vmem_shared>>
      %dma_wait3A_110 = tpu.memref_squeeze %dma_wait3A_109 : memref<1x640xf32, #tpu.memory_space<vmem_shared>> -> memref<640xf32, #tpu.memory_space<vmem_shared>>
      tpu.wait_dma2 semaphore(%run_scoped3A_92 : memref<!tpu.dma_semaphore, #tpu.memory_space<semaphore_mem>>) src(%dma_wait3A_110 : memref<640xf32, #tpu.memory_space<vmem_shared>>) dst(%dma_wait3A_108 : memref<640xf32, #tpu.memory_space<vmem>>)
      tpu.yield
    }) : () -> ()
    %mul3A_50 = arith.constant 640 : i32
    %mul3A_51 = arith.muli %arg1, %mul3A_50 : i32
    %run_scoped3A_52 = arith.constant 9 : i32
    %run_scoped3A_53 = arith.constant 9 : i32
    "tpu.region"() ({
      %run_scoped3A_92 = tpu.sem_alloc : memref<!tpu.dma_semaphore, #tpu.memory_space<semaphore_mem>>
      %dma_start3A = arith.constant 0 : i32
      %dma_start3A_93 = tpu.memref_slice %arg6[%run_scoped3A_53, %dma_start3A] : memref<16x640xf32, #tpu.memory_space<vmem>> -> memref<1x640xf32, #tpu.memory_space<vmem>>
      %dma_start3A_94 = tpu.memref_squeeze %dma_start3A_93 : memref<1x640xf32, #tpu.memory_space<vmem>> -> memref<640xf32, #tpu.memory_space<vmem>>
      %dma_start3A_95 = tpu.memref_slice %arg8[%run_scoped3A_52, %mul3A_51] : memref<16x10240xf32, #tpu.memory_space<vmem_shared>> -> memref<1x640xf32, #tpu.memory_space<vmem_shared>>
      %dma_start3A_96 = tpu.memref_squeeze %dma_start3A_95 : memref<1x640xf32, #tpu.memory_space<vmem_shared>> -> memref<640xf32, #tpu.memory_space<vmem_shared>>
      %dma_start3A_97 = arith.constant 0 : i32
      %dma_start3A_98 = tpu.memref_slice %arg6[%run_scoped3A_53, %dma_start3A_97] : memref<16x640xf32, #tpu.memory_space<vmem>> -> memref<1x640xf32, #tpu.memory_space<vmem>>
      %dma_start3A_99 = tpu.memref_squeeze %dma_start3A_98 : memref<1x640xf32, #tpu.memory_space<vmem>> -> memref<640xf32, #tpu.memory_space<vmem>>
      %dma_start3A_100 = tpu.memref_slice %arg8[%run_scoped3A_52, %mul3A_51] : memref<16x10240xf32, #tpu.memory_space<vmem_shared>> -> memref<1x640xf32, #tpu.memory_space<vmem_shared>>
      %dma_start3A_101 = tpu.memref_squeeze %dma_start3A_100 : memref<1x640xf32, #tpu.memory_space<vmem_shared>> -> memref<640xf32, #tpu.memory_space<vmem_shared>>
      tpu.enqueue_dma source(%dma_start3A_101 : memref<640xf32, #tpu.memory_space<vmem_shared>>) target(%dma_start3A_99 : memref<640xf32, #tpu.memory_space<vmem>>) target_semaphore(%run_scoped3A_92 : memref<!tpu.dma_semaphore, #tpu.memory_space<semaphore_mem>>)
      %dma_wait3A = arith.constant 0 : i32
      %dma_wait3A_102 = tpu.memref_slice %arg6[%run_scoped3A_53, %dma_wait3A] : memref<16x640xf32, #tpu.memory_space<vmem>> -> memref<1x640xf32, #tpu.memory_space<vmem>>
      %dma_wait3A_103 = tpu.memref_squeeze %dma_wait3A_102 : memref<1x640xf32, #tpu.memory_space<vmem>> -> memref<640xf32, #tpu.memory_space<vmem>>
      %dma_wait3A_104 = tpu.memref_slice %arg8[%run_scoped3A_52, %mul3A_51] : memref<16x10240xf32, #tpu.memory_space<vmem_shared>> -> memref<1x640xf32, #tpu.memory_space<vmem_shared>>
      %dma_wait3A_105 = tpu.memref_squeeze %dma_wait3A_104 : memref<1x640xf32, #tpu.memory_space<vmem_shared>> -> memref<640xf32, #tpu.memory_space<vmem_shared>>
      %dma_wait3A_106 = arith.constant 0 : i32
      %dma_wait3A_107 = tpu.memref_slice %arg6[%run_scoped3A_53, %dma_wait3A_106] : memref<16x640xf32, #tpu.memory_space<vmem>> -> memref<1x640xf32, #tpu.memory_space<vmem>>
      %dma_wait3A_108 = tpu.memref_squeeze %dma_wait3A_107 : memref<1x640xf32, #tpu.memory_space<vmem>> -> memref<640xf32, #tpu.memory_space<vmem>>
      %dma_wait3A_109 = tpu.memref_slice %arg8[%run_scoped3A_52, %mul3A_51] : memref<16x10240xf32, #tpu.memory_space<vmem_shared>> -> memref<1x640xf32, #tpu.memory_space<vmem_shared>>
      %dma_wait3A_110 = tpu.memref_squeeze %dma_wait3A_109 : memref<1x640xf32, #tpu.memory_space<vmem_shared>> -> memref<640xf32, #tpu.memory_space<vmem_shared>>
      tpu.wait_dma2 semaphore(%run_scoped3A_92 : memref<!tpu.dma_semaphore, #tpu.memory_space<semaphore_mem>>) src(%dma_wait3A_110 : memref<640xf32, #tpu.memory_space<vmem_shared>>) dst(%dma_wait3A_108 : memref<640xf32, #tpu.memory_space<vmem>>)
      tpu.yield
    }) : () -> ()
    %mul3A_54 = arith.constant 640 : i32
    %mul3A_55 = arith.muli %arg1, %mul3A_54 : i32
    %run_scoped3A_56 = arith.constant 10 : i32
    %run_scoped3A_57 = arith.constant 10 : i32
    "tpu.region"() ({
      %run_scoped3A_92 = tpu.sem_alloc : memref<!tpu.dma_semaphore, #tpu.memory_space<semaphore_mem>>
      %dma_start3A = arith.constant 0 : i32
      %dma_start3A_93 = tpu.memref_slice %arg6[%run_scoped3A_57, %dma_start3A] : memref<16x640xf32, #tpu.memory_space<vmem>> -> memref<1x640xf32, #tpu.memory_space<vmem>>
      %dma_start3A_94 = tpu.memref_squeeze %dma_start3A_93 : memref<1x640xf32, #tpu.memory_space<vmem>> -> memref<640xf32, #tpu.memory_space<vmem>>
      %dma_start3A_95 = tpu.memref_slice %arg8[%run_scoped3A_56, %mul3A_55] : memref<16x10240xf32, #tpu.memory_space<vmem_shared>> -> memref<1x640xf32, #tpu.memory_space<vmem_shared>>
      %dma_start3A_96 = tpu.memref_squeeze %dma_start3A_95 : memref<1x640xf32, #tpu.memory_space<vmem_shared>> -> memref<640xf32, #tpu.memory_space<vmem_shared>>
      %dma_start3A_97 = arith.constant 0 : i32
      %dma_start3A_98 = tpu.memref_slice %arg6[%run_scoped3A_57, %dma_start3A_97] : memref<16x640xf32, #tpu.memory_space<vmem>> -> memref<1x640xf32, #tpu.memory_space<vmem>>
      %dma_start3A_99 = tpu.memref_squeeze %dma_start3A_98 : memref<1x640xf32, #tpu.memory_space<vmem>> -> memref<640xf32, #tpu.memory_space<vmem>>
      %dma_start3A_100 = tpu.memref_slice %arg8[%run_scoped3A_56, %mul3A_55] : memref<16x10240xf32, #tpu.memory_space<vmem_shared>> -> memref<1x640xf32, #tpu.memory_space<vmem_shared>>
      %dma_start3A_101 = tpu.memref_squeeze %dma_start3A_100 : memref<1x640xf32, #tpu.memory_space<vmem_shared>> -> memref<640xf32, #tpu.memory_space<vmem_shared>>
      tpu.enqueue_dma source(%dma_start3A_101 : memref<640xf32, #tpu.memory_space<vmem_shared>>) target(%dma_start3A_99 : memref<640xf32, #tpu.memory_space<vmem>>) target_semaphore(%run_scoped3A_92 : memref<!tpu.dma_semaphore, #tpu.memory_space<semaphore_mem>>)
      %dma_wait3A = arith.constant 0 : i32
      %dma_wait3A_102 = tpu.memref_slice %arg6[%run_scoped3A_57, %dma_wait3A] : memref<16x640xf32, #tpu.memory_space<vmem>> -> memref<1x640xf32, #tpu.memory_space<vmem>>
      %dma_wait3A_103 = tpu.memref_squeeze %dma_wait3A_102 : memref<1x640xf32, #tpu.memory_space<vmem>> -> memref<640xf32, #tpu.memory_space<vmem>>
      %dma_wait3A_104 = tpu.memref_slice %arg8[%run_scoped3A_56, %mul3A_55] : memref<16x10240xf32, #tpu.memory_space<vmem_shared>> -> memref<1x640xf32, #tpu.memory_space<vmem_shared>>
      %dma_wait3A_105 = tpu.memref_squeeze %dma_wait3A_104 : memref<1x640xf32, #tpu.memory_space<vmem_shared>> -> memref<640xf32, #tpu.memory_space<vmem_shared>>
      %dma_wait3A_106 = arith.constant 0 : i32
      %dma_wait3A_107 = tpu.memref_slice %arg6[%run_scoped3A_57, %dma_wait3A_106] : memref<16x640xf32, #tpu.memory_space<vmem>> -> memref<1x640xf32, #tpu.memory_space<vmem>>
      %dma_wait3A_108 = tpu.memref_squeeze %dma_wait3A_107 : memref<1x640xf32, #tpu.memory_space<vmem>> -> memref<640xf32, #tpu.memory_space<vmem>>
      %dma_wait3A_109 = tpu.memref_slice %arg8[%run_scoped3A_56, %mul3A_55] : memref<16x10240xf32, #tpu.memory_space<vmem_shared>> -> memref<1x640xf32, #tpu.memory_space<vmem_shared>>
      %dma_wait3A_110 = tpu.memref_squeeze %dma_wait3A_109 : memref<1x640xf32, #tpu.memory_space<vmem_shared>> -> memref<640xf32, #tpu.memory_space<vmem_shared>>
      tpu.wait_dma2 semaphore(%run_scoped3A_92 : memref<!tpu.dma_semaphore, #tpu.memory_space<semaphore_mem>>) src(%dma_wait3A_110 : memref<640xf32, #tpu.memory_space<vmem_shared>>) dst(%dma_wait3A_108 : memref<640xf32, #tpu.memory_space<vmem>>)
      tpu.yield
    }) : () -> ()
    %mul3A_58 = arith.constant 640 : i32
    %mul3A_59 = arith.muli %arg1, %mul3A_58 : i32
    %run_scoped3A_60 = arith.constant 11 : i32
    %run_scoped3A_61 = arith.constant 11 : i32
    "tpu.region"() ({
      %run_scoped3A_92 = tpu.sem_alloc : memref<!tpu.dma_semaphore, #tpu.memory_space<semaphore_mem>>
      %dma_start3A = arith.constant 0 : i32
      %dma_start3A_93 = tpu.memref_slice %arg6[%run_scoped3A_61, %dma_start3A] : memref<16x640xf32, #tpu.memory_space<vmem>> -> memref<1x640xf32, #tpu.memory_space<vmem>>
      %dma_start3A_94 = tpu.memref_squeeze %dma_start3A_93 : memref<1x640xf32, #tpu.memory_space<vmem>> -> memref<640xf32, #tpu.memory_space<vmem>>
      %dma_start3A_95 = tpu.memref_slice %arg8[%run_scoped3A_60, %mul3A_59] : memref<16x10240xf32, #tpu.memory_space<vmem_shared>> -> memref<1x640xf32, #tpu.memory_space<vmem_shared>>
      %dma_start3A_96 = tpu.memref_squeeze %dma_start3A_95 : memref<1x640xf32, #tpu.memory_space<vmem_shared>> -> memref<640xf32, #tpu.memory_space<vmem_shared>>
      %dma_start3A_97 = arith.constant 0 : i32
      %dma_start3A_98 = tpu.memref_slice %arg6[%run_scoped3A_61, %dma_start3A_97] : memref<16x640xf32, #tpu.memory_space<vmem>> -> memref<1x640xf32, #tpu.memory_space<vmem>>
      %dma_start3A_99 = tpu.memref_squeeze %dma_start3A_98 : memref<1x640xf32, #tpu.memory_space<vmem>> -> memref<640xf32, #tpu.memory_space<vmem>>
      %dma_start3A_100 = tpu.memref_slice %arg8[%run_scoped3A_60, %mul3A_59] : memref<16x10240xf32, #tpu.memory_space<vmem_shared>> -> memref<1x640xf32, #tpu.memory_space<vmem_shared>>
      %dma_start3A_101 = tpu.memref_squeeze %dma_start3A_100 : memref<1x640xf32, #tpu.memory_space<vmem_shared>> -> memref<640xf32, #tpu.memory_space<vmem_shared>>
      tpu.enqueue_dma source(%dma_start3A_101 : memref<640xf32, #tpu.memory_space<vmem_shared>>) target(%dma_start3A_99 : memref<640xf32, #tpu.memory_space<vmem>>) target_semaphore(%run_scoped3A_92 : memref<!tpu.dma_semaphore, #tpu.memory_space<semaphore_mem>>)
      %dma_wait3A = arith.constant 0 : i32
      %dma_wait3A_102 = tpu.memref_slice %arg6[%run_scoped3A_61, %dma_wait3A] : memref<16x640xf32, #tpu.memory_space<vmem>> -> memref<1x640xf32, #tpu.memory_space<vmem>>
      %dma_wait3A_103 = tpu.memref_squeeze %dma_wait3A_102 : memref<1x640xf32, #tpu.memory_space<vmem>> -> memref<640xf32, #tpu.memory_space<vmem>>
      %dma_wait3A_104 = tpu.memref_slice %arg8[%run_scoped3A_60, %mul3A_59] : memref<16x10240xf32, #tpu.memory_space<vmem_shared>> -> memref<1x640xf32, #tpu.memory_space<vmem_shared>>
      %dma_wait3A_105 = tpu.memref_squeeze %dma_wait3A_104 : memref<1x640xf32, #tpu.memory_space<vmem_shared>> -> memref<640xf32, #tpu.memory_space<vmem_shared>>
      %dma_wait3A_106 = arith.constant 0 : i32
      %dma_wait3A_107 = tpu.memref_slice %arg6[%run_scoped3A_61, %dma_wait3A_106] : memref<16x640xf32, #tpu.memory_space<vmem>> -> memref<1x640xf32, #tpu.memory_space<vmem>>
      %dma_wait3A_108 = tpu.memref_squeeze %dma_wait3A_107 : memref<1x640xf32, #tpu.memory_space<vmem>> -> memref<640xf32, #tpu.memory_space<vmem>>
      %dma_wait3A_109 = tpu.memref_slice %arg8[%run_scoped3A_60, %mul3A_59] : memref<16x10240xf32, #tpu.memory_space<vmem_shared>> -> memref<1x640xf32, #tpu.memory_space<vmem_shared>>
      %dma_wait3A_110 = tpu.memref_squeeze %dma_wait3A_109 : memref<1x640xf32, #tpu.memory_space<vmem_shared>> -> memref<640xf32, #tpu.memory_space<vmem_shared>>
      tpu.wait_dma2 semaphore(%run_scoped3A_92 : memref<!tpu.dma_semaphore, #tpu.memory_space<semaphore_mem>>) src(%dma_wait3A_110 : memref<640xf32, #tpu.memory_space<vmem_shared>>) dst(%dma_wait3A_108 : memref<640xf32, #tpu.memory_space<vmem>>)
      tpu.yield
    }) : () -> ()
    %mul3A_62 = arith.constant 640 : i32
    %mul3A_63 = arith.muli %arg1, %mul3A_62 : i32
    %run_scoped3A_64 = arith.constant 12 : i32
    %run_scoped3A_65 = arith.constant 12 : i32
    "tpu.region"() ({
      %run_scoped3A_92 = tpu.sem_alloc : memref<!tpu.dma_semaphore, #tpu.memory_space<semaphore_mem>>
      %dma_start3A = arith.constant 0 : i32
      %dma_start3A_93 = tpu.memref_slice %arg6[%run_scoped3A_65, %dma_start3A] : memref<16x640xf32, #tpu.memory_space<vmem>> -> memref<1x640xf32, #tpu.memory_space<vmem>>
      %dma_start3A_94 = tpu.memref_squeeze %dma_start3A_93 : memref<1x640xf32, #tpu.memory_space<vmem>> -> memref<640xf32, #tpu.memory_space<vmem>>
      %dma_start3A_95 = tpu.memref_slice %arg8[%run_scoped3A_64, %mul3A_63] : memref<16x10240xf32, #tpu.memory_space<vmem_shared>> -> memref<1x640xf32, #tpu.memory_space<vmem_shared>>
      %dma_start3A_96 = tpu.memref_squeeze %dma_start3A_95 : memref<1x640xf32, #tpu.memory_space<vmem_shared>> -> memref<640xf32, #tpu.memory_space<vmem_shared>>
      %dma_start3A_97 = arith.constant 0 : i32
      %dma_start3A_98 = tpu.memref_slice %arg6[%run_scoped3A_65, %dma_start3A_97] : memref<16x640xf32, #tpu.memory_space<vmem>> -> memref<1x640xf32, #tpu.memory_space<vmem>>
      %dma_start3A_99 = tpu.memref_squeeze %dma_start3A_98 : memref<1x640xf32, #tpu.memory_space<vmem>> -> memref<640xf32, #tpu.memory_space<vmem>>
      %dma_start3A_100 = tpu.memref_slice %arg8[%run_scoped3A_64, %mul3A_63] : memref<16x10240xf32, #tpu.memory_space<vmem_shared>> -> memref<1x640xf32, #tpu.memory_space<vmem_shared>>
      %dma_start3A_101 = tpu.memref_squeeze %dma_start3A_100 : memref<1x640xf32, #tpu.memory_space<vmem_shared>> -> memref<640xf32, #tpu.memory_space<vmem_shared>>
      tpu.enqueue_dma source(%dma_start3A_101 : memref<640xf32, #tpu.memory_space<vmem_shared>>) target(%dma_start3A_99 : memref<640xf32, #tpu.memory_space<vmem>>) target_semaphore(%run_scoped3A_92 : memref<!tpu.dma_semaphore, #tpu.memory_space<semaphore_mem>>)
      %dma_wait3A = arith.constant 0 : i32
      %dma_wait3A_102 = tpu.memref_slice %arg6[%run_scoped3A_65, %dma_wait3A] : memref<16x640xf32, #tpu.memory_space<vmem>> -> memref<1x640xf32, #tpu.memory_space<vmem>>
      %dma_wait3A_103 = tpu.memref_squeeze %dma_wait3A_102 : memref<1x640xf32, #tpu.memory_space<vmem>> -> memref<640xf32, #tpu.memory_space<vmem>>
      %dma_wait3A_104 = tpu.memref_slice %arg8[%run_scoped3A_64, %mul3A_63] : memref<16x10240xf32, #tpu.memory_space<vmem_shared>> -> memref<1x640xf32, #tpu.memory_space<vmem_shared>>
      %dma_wait3A_105 = tpu.memref_squeeze %dma_wait3A_104 : memref<1x640xf32, #tpu.memory_space<vmem_shared>> -> memref<640xf32, #tpu.memory_space<vmem_shared>>
      %dma_wait3A_106 = arith.constant 0 : i32
      %dma_wait3A_107 = tpu.memref_slice %arg6[%run_scoped3A_65, %dma_wait3A_106] : memref<16x640xf32, #tpu.memory_space<vmem>> -> memref<1x640xf32, #tpu.memory_space<vmem>>
      %dma_wait3A_108 = tpu.memref_squeeze %dma_wait3A_107 : memref<1x640xf32, #tpu.memory_space<vmem>> -> memref<640xf32, #tpu.memory_space<vmem>>
      %dma_wait3A_109 = tpu.memref_slice %arg8[%run_scoped3A_64, %mul3A_63] : memref<16x10240xf32, #tpu.memory_space<vmem_shared>> -> memref<1x640xf32, #tpu.memory_space<vmem_shared>>
      %dma_wait3A_110 = tpu.memref_squeeze %dma_wait3A_109 : memref<1x640xf32, #tpu.memory_space<vmem_shared>> -> memref<640xf32, #tpu.memory_space<vmem_shared>>
      tpu.wait_dma2 semaphore(%run_scoped3A_92 : memref<!tpu.dma_semaphore, #tpu.memory_space<semaphore_mem>>) src(%dma_wait3A_110 : memref<640xf32, #tpu.memory_space<vmem_shared>>) dst(%dma_wait3A_108 : memref<640xf32, #tpu.memory_space<vmem>>)
      tpu.yield
    }) : () -> ()
    %mul3A_66 = arith.constant 640 : i32
    %mul3A_67 = arith.muli %arg1, %mul3A_66 : i32
    %run_scoped3A_68 = arith.constant 13 : i32
    %run_scoped3A_69 = arith.constant 13 : i32
    "tpu.region"() ({
      %run_scoped3A_92 = tpu.sem_alloc : memref<!tpu.dma_semaphore, #tpu.memory_space<semaphore_mem>>
      %dma_start3A = arith.constant 0 : i32
      %dma_start3A_93 = tpu.memref_slice %arg6[%run_scoped3A_69, %dma_start3A] : memref<16x640xf32, #tpu.memory_space<vmem>> -> memref<1x640xf32, #tpu.memory_space<vmem>>
      %dma_start3A_94 = tpu.memref_squeeze %dma_start3A_93 : memref<1x640xf32, #tpu.memory_space<vmem>> -> memref<640xf32, #tpu.memory_space<vmem>>
      %dma_start3A_95 = tpu.memref_slice %arg8[%run_scoped3A_68, %mul3A_67] : memref<16x10240xf32, #tpu.memory_space<vmem_shared>> -> memref<1x640xf32, #tpu.memory_space<vmem_shared>>
      %dma_start3A_96 = tpu.memref_squeeze %dma_start3A_95 : memref<1x640xf32, #tpu.memory_space<vmem_shared>> -> memref<640xf32, #tpu.memory_space<vmem_shared>>
      %dma_start3A_97 = arith.constant 0 : i32
      %dma_start3A_98 = tpu.memref_slice %arg6[%run_scoped3A_69, %dma_start3A_97] : memref<16x640xf32, #tpu.memory_space<vmem>> -> memref<1x640xf32, #tpu.memory_space<vmem>>
      %dma_start3A_99 = tpu.memref_squeeze %dma_start3A_98 : memref<1x640xf32, #tpu.memory_space<vmem>> -> memref<640xf32, #tpu.memory_space<vmem>>
      %dma_start3A_100 = tpu.memref_slice %arg8[%run_scoped3A_68, %mul3A_67] : memref<16x10240xf32, #tpu.memory_space<vmem_shared>> -> memref<1x640xf32, #tpu.memory_space<vmem_shared>>
      %dma_start3A_101 = tpu.memref_squeeze %dma_start3A_100 : memref<1x640xf32, #tpu.memory_space<vmem_shared>> -> memref<640xf32, #tpu.memory_space<vmem_shared>>
      tpu.enqueue_dma source(%dma_start3A_101 : memref<640xf32, #tpu.memory_space<vmem_shared>>) target(%dma_start3A_99 : memref<640xf32, #tpu.memory_space<vmem>>) target_semaphore(%run_scoped3A_92 : memref<!tpu.dma_semaphore, #tpu.memory_space<semaphore_mem>>)
      %dma_wait3A = arith.constant 0 : i32
      %dma_wait3A_102 = tpu.memref_slice %arg6[%run_scoped3A_69, %dma_wait3A] : memref<16x640xf32, #tpu.memory_space<vmem>> -> memref<1x640xf32, #tpu.memory_space<vmem>>
      %dma_wait3A_103 = tpu.memref_squeeze %dma_wait3A_102 : memref<1x640xf32, #tpu.memory_space<vmem>> -> memref<640xf32, #tpu.memory_space<vmem>>
      %dma_wait3A_104 = tpu.memref_slice %arg8[%run_scoped3A_68, %mul3A_67] : memref<16x10240xf32, #tpu.memory_space<vmem_shared>> -> memref<1x640xf32, #tpu.memory_space<vmem_shared>>
      %dma_wait3A_105 = tpu.memref_squeeze %dma_wait3A_104 : memref<1x640xf32, #tpu.memory_space<vmem_shared>> -> memref<640xf32, #tpu.memory_space<vmem_shared>>
      %dma_wait3A_106 = arith.constant 0 : i32
      %dma_wait3A_107 = tpu.memref_slice %arg6[%run_scoped3A_69, %dma_wait3A_106] : memref<16x640xf32, #tpu.memory_space<vmem>> -> memref<1x640xf32, #tpu.memory_space<vmem>>
      %dma_wait3A_108 = tpu.memref_squeeze %dma_wait3A_107 : memref<1x640xf32, #tpu.memory_space<vmem>> -> memref<640xf32, #tpu.memory_space<vmem>>
      %dma_wait3A_109 = tpu.memref_slice %arg8[%run_scoped3A_68, %mul3A_67] : memref<16x10240xf32, #tpu.memory_space<vmem_shared>> -> memref<1x640xf32, #tpu.memory_space<vmem_shared>>
      %dma_wait3A_110 = tpu.memref_squeeze %dma_wait3A_109 : memref<1x640xf32, #tpu.memory_space<vmem_shared>> -> memref<640xf32, #tpu.memory_space<vmem_shared>>
      tpu.wait_dma2 semaphore(%run_scoped3A_92 : memref<!tpu.dma_semaphore, #tpu.memory_space<semaphore_mem>>) src(%dma_wait3A_110 : memref<640xf32, #tpu.memory_space<vmem_shared>>) dst(%dma_wait3A_108 : memref<640xf32, #tpu.memory_space<vmem>>)
      tpu.yield
    }) : () -> ()
    %mul3A_70 = arith.constant 640 : i32
    %mul3A_71 = arith.muli %arg1, %mul3A_70 : i32
    %run_scoped3A_72 = arith.constant 14 : i32
    %run_scoped3A_73 = arith.constant 14 : i32
    "tpu.region"() ({
      %run_scoped3A_92 = tpu.sem_alloc : memref<!tpu.dma_semaphore, #tpu.memory_space<semaphore_mem>>
      %dma_start3A = arith.constant 0 : i32
      %dma_start3A_93 = tpu.memref_slice %arg6[%run_scoped3A_73, %dma_start3A] : memref<16x640xf32, #tpu.memory_space<vmem>> -> memref<1x640xf32, #tpu.memory_space<vmem>>
      %dma_start3A_94 = tpu.memref_squeeze %dma_start3A_93 : memref<1x640xf32, #tpu.memory_space<vmem>> -> memref<640xf32, #tpu.memory_space<vmem>>
      %dma_start3A_95 = tpu.memref_slice %arg8[%run_scoped3A_72, %mul3A_71] : memref<16x10240xf32, #tpu.memory_space<vmem_shared>> -> memref<1x640xf32, #tpu.memory_space<vmem_shared>>
      %dma_start3A_96 = tpu.memref_squeeze %dma_start3A_95 : memref<1x640xf32, #tpu.memory_space<vmem_shared>> -> memref<640xf32, #tpu.memory_space<vmem_shared>>
      %dma_start3A_97 = arith.constant 0 : i32
      %dma_start3A_98 = tpu.memref_slice %arg6[%run_scoped3A_73, %dma_start3A_97] : memref<16x640xf32, #tpu.memory_space<vmem>> -> memref<1x640xf32, #tpu.memory_space<vmem>>
      %dma_start3A_99 = tpu.memref_squeeze %dma_start3A_98 : memref<1x640xf32, #tpu.memory_space<vmem>> -> memref<640xf32, #tpu.memory_space<vmem>>
      %dma_start3A_100 = tpu.memref_slice %arg8[%run_scoped3A_72, %mul3A_71] : memref<16x10240xf32, #tpu.memory_space<vmem_shared>> -> memref<1x640xf32, #tpu.memory_space<vmem_shared>>
      %dma_start3A_101 = tpu.memref_squeeze %dma_start3A_100 : memref<1x640xf32, #tpu.memory_space<vmem_shared>> -> memref<640xf32, #tpu.memory_space<vmem_shared>>
      tpu.enqueue_dma source(%dma_start3A_101 : memref<640xf32, #tpu.memory_space<vmem_shared>>) target(%dma_start3A_99 : memref<640xf32, #tpu.memory_space<vmem>>) target_semaphore(%run_scoped3A_92 : memref<!tpu.dma_semaphore, #tpu.memory_space<semaphore_mem>>)
      %dma_wait3A = arith.constant 0 : i32
      %dma_wait3A_102 = tpu.memref_slice %arg6[%run_scoped3A_73, %dma_wait3A] : memref<16x640xf32, #tpu.memory_space<vmem>> -> memref<1x640xf32, #tpu.memory_space<vmem>>
      %dma_wait3A_103 = tpu.memref_squeeze %dma_wait3A_102 : memref<1x640xf32, #tpu.memory_space<vmem>> -> memref<640xf32, #tpu.memory_space<vmem>>
      %dma_wait3A_104 = tpu.memref_slice %arg8[%run_scoped3A_72, %mul3A_71] : memref<16x10240xf32, #tpu.memory_space<vmem_shared>> -> memref<1x640xf32, #tpu.memory_space<vmem_shared>>
      %dma_wait3A_105 = tpu.memref_squeeze %dma_wait3A_104 : memref<1x640xf32, #tpu.memory_space<vmem_shared>> -> memref<640xf32, #tpu.memory_space<vmem_shared>>
      %dma_wait3A_106 = arith.constant 0 : i32
      %dma_wait3A_107 = tpu.memref_slice %arg6[%run_scoped3A_73, %dma_wait3A_106] : memref<16x640xf32, #tpu.memory_space<vmem>> -> memref<1x640xf32, #tpu.memory_space<vmem>>
      %dma_wait3A_108 = tpu.memref_squeeze %dma_wait3A_107 : memref<1x640xf32, #tpu.memory_space<vmem>> -> memref<640xf32, #tpu.memory_space<vmem>>
      %dma_wait3A_109 = tpu.memref_slice %arg8[%run_scoped3A_72, %mul3A_71] : memref<16x10240xf32, #tpu.memory_space<vmem_shared>> -> memref<1x640xf32, #tpu.memory_space<vmem_shared>>
      %dma_wait3A_110 = tpu.memref_squeeze %dma_wait3A_109 : memref<1x640xf32, #tpu.memory_space<vmem_shared>> -> memref<640xf32, #tpu.memory_space<vmem_shared>>
      tpu.wait_dma2 semaphore(%run_scoped3A_92 : memref<!tpu.dma_semaphore, #tpu.memory_space<semaphore_mem>>) src(%dma_wait3A_110 : memref<640xf32, #tpu.memory_space<vmem_shared>>) dst(%dma_wait3A_108 : memref<640xf32, #tpu.memory_space<vmem>>)
      tpu.yield
    }) : () -> ()
    %mul3A_74 = arith.constant 640 : i32
    %mul3A_75 = arith.muli %arg1, %mul3A_74 : i32
    %run_scoped3A_76 = arith.constant 15 : i32
    %run_scoped3A_77 = arith.constant 15 : i32
    "tpu.region"() ({
      %run_scoped3A_92 = tpu.sem_alloc : memref<!tpu.dma_semaphore, #tpu.memory_space<semaphore_mem>>
      %dma_start3A = arith.constant 0 : i32
      %dma_start3A_93 = tpu.memref_slice %arg6[%run_scoped3A_77, %dma_start3A] : memref<16x640xf32, #tpu.memory_space<vmem>> -> memref<1x640xf32, #tpu.memory_space<vmem>>
      %dma_start3A_94 = tpu.memref_squeeze %dma_start3A_93 : memref<1x640xf32, #tpu.memory_space<vmem>> -> memref<640xf32, #tpu.memory_space<vmem>>
      %dma_start3A_95 = tpu.memref_slice %arg8[%run_scoped3A_76, %mul3A_75] : memref<16x10240xf32, #tpu.memory_space<vmem_shared>> -> memref<1x640xf32, #tpu.memory_space<vmem_shared>>
      %dma_start3A_96 = tpu.memref_squeeze %dma_start3A_95 : memref<1x640xf32, #tpu.memory_space<vmem_shared>> -> memref<640xf32, #tpu.memory_space<vmem_shared>>
      %dma_start3A_97 = arith.constant 0 : i32
      %dma_start3A_98 = tpu.memref_slice %arg6[%run_scoped3A_77, %dma_start3A_97] : memref<16x640xf32, #tpu.memory_space<vmem>> -> memref<1x640xf32, #tpu.memory_space<vmem>>
      %dma_start3A_99 = tpu.memref_squeeze %dma_start3A_98 : memref<1x640xf32, #tpu.memory_space<vmem>> -> memref<640xf32, #tpu.memory_space<vmem>>
      %dma_start3A_100 = tpu.memref_slice %arg8[%run_scoped3A_76, %mul3A_75] : memref<16x10240xf32, #tpu.memory_space<vmem_shared>> -> memref<1x640xf32, #tpu.memory_space<vmem_shared>>
      %dma_start3A_101 = tpu.memref_squeeze %dma_start3A_100 : memref<1x640xf32, #tpu.memory_space<vmem_shared>> -> memref<640xf32, #tpu.memory_space<vmem_shared>>
      tpu.enqueue_dma source(%dma_start3A_101 : memref<640xf32, #tpu.memory_space<vmem_shared>>) target(%dma_start3A_99 : memref<640xf32, #tpu.memory_space<vmem>>) target_semaphore(%run_scoped3A_92 : memref<!tpu.dma_semaphore, #tpu.memory_space<semaphore_mem>>)
      %dma_wait3A = arith.constant 0 : i32
      %dma_wait3A_102 = tpu.memref_slice %arg6[%run_scoped3A_77, %dma_wait3A] : memref<16x640xf32, #tpu.memory_space<vmem>> -> memref<1x640xf32, #tpu.memory_space<vmem>>
      %dma_wait3A_103 = tpu.memref_squeeze %dma_wait3A_102 : memref<1x640xf32, #tpu.memory_space<vmem>> -> memref<640xf32, #tpu.memory_space<vmem>>
      %dma_wait3A_104 = tpu.memref_slice %arg8[%run_scoped3A_76, %mul3A_75] : memref<16x10240xf32, #tpu.memory_space<vmem_shared>> -> memref<1x640xf32, #tpu.memory_space<vmem_shared>>
      %dma_wait3A_105 = tpu.memref_squeeze %dma_wait3A_104 : memref<1x640xf32, #tpu.memory_space<vmem_shared>> -> memref<640xf32, #tpu.memory_space<vmem_shared>>
      %dma_wait3A_106 = arith.constant 0 : i32
      %dma_wait3A_107 = tpu.memref_slice %arg6[%run_scoped3A_77, %dma_wait3A_106] : memref<16x640xf32, #tpu.memory_space<vmem>> -> memref<1x640xf32, #tpu.memory_space<vmem>>
      %dma_wait3A_108 = tpu.memref_squeeze %dma_wait3A_107 : memref<1x640xf32, #tpu.memory_space<vmem>> -> memref<640xf32, #tpu.memory_space<vmem>>
      %dma_wait3A_109 = tpu.memref_slice %arg8[%run_scoped3A_76, %mul3A_75] : memref<16x10240xf32, #tpu.memory_space<vmem_shared>> -> memref<1x640xf32, #tpu.memory_space<vmem_shared>>
      %dma_wait3A_110 = tpu.memref_squeeze %dma_wait3A_109 : memref<1x640xf32, #tpu.memory_space<vmem_shared>> -> memref<640xf32, #tpu.memory_space<vmem_shared>>
      tpu.wait_dma2 semaphore(%run_scoped3A_92 : memref<!tpu.dma_semaphore, #tpu.memory_space<semaphore_mem>>) src(%dma_wait3A_110 : memref<640xf32, #tpu.memory_space<vmem_shared>>) dst(%dma_wait3A_108 : memref<640xf32, #tpu.memory_space<vmem>>)
      tpu.yield
    }) : () -> ()
    %broadcast_in_dim3A_78 = arith.constant 5.000000e-01 : f32
    %broadcast_in_dim3A_79 = vector.broadcast %broadcast_in_dim3A_78 : f32 to vector<16xf32>
    %broadcast_in_dim3A_80 = arith.constant 1.500000e+00 : f32
    %broadcast_in_dim3A_81 = vector.broadcast %broadcast_in_dim3A_80 : f32 to vector<16xf32>
    %broadcast_in_dim3A_82 = arith.constant 1597463007 : i32
    %broadcast_in_dim3A_83 = vector.broadcast %broadcast_in_dim3A_82 : i32 to vector<16xi32>
    %scan3A_84 = arith.constant 0 : i32
    %scan3A_85 = arith.constant 0 : i32
    %scan3A_86 = arith.constant 40 : i32
    %scan3A_87 = arith.addi %scan3A_85, %scan3A_86 : i32
    %scan3A_88 = arith.constant 1 : i32
    scf.for %scan3A_92 = %scan3A_85 to %scan3A_87 step %scan3A_88  : i32 {
      %mul3A_93 = arith.constant 16 : i32
      %mul3A_94 = arith.muli %scan3A_92, %mul3A_93 : i32
      %get3A = arith.constant 0 : i32
      %get3A_95 = arith.index_cast %get3A : i32 to index
      %get3A_96 = arith.index_cast %mul3A_94 : i32 to index
      %get3A_97 = tpu.vector_load %arg6[%get3A_95, %get3A_96] {strides = array<i32>} : memref<16x640xf32, #tpu.memory_space<vmem>>, vector<16xf32>,
      %mul3A_98 = arith.constant 16 : i32
      %mul3A_99 = arith.muli %scan3A_92, %mul3A_98 : i32
      %get3A_100 = arith.constant 1 : i32
      %get3A_101 = arith.index_cast %get3A_100 : i32 to index
      %get3A_102 = arith.index_cast %mul3A_99 : i32 to index
      %get3A_103 = tpu.vector_load %arg6[%get3A_101, %get3A_102] {strides = array<i32>} : memref<16x640xf32, #tpu.memory_space<vmem>>, vector<16xf32>,
      %add3A = arith.addf %get3A_97, %get3A_103 : vector<16xf32>
      %mul3A_104 = arith.constant 16 : i32
      %mul3A_105 = arith.muli %scan3A_92, %mul3A_104 : i32
      %get3A_106 = arith.constant 2 : i32
      %get3A_107 = arith.index_cast %get3A_106 : i32 to index
      %get3A_108 = arith.index_cast %mul3A_105 : i32 to index
      %get3A_109 = tpu.vector_load %arg6[%get3A_107, %get3A_108] {strides = array<i32>} : memref<16x640xf32, #tpu.memory_space<vmem>>, vector<16xf32>,
      %add3A_110 = arith.addf %add3A, %get3A_109 : vector<16xf32>
      %mul3A_111 = arith.constant 16 : i32
      %mul3A_112 = arith.muli %scan3A_92, %mul3A_111 : i32
      %get3A_113 = arith.constant 3 : i32
      %get3A_114 = arith.index_cast %get3A_113 : i32 to index
      %get3A_115 = arith.index_cast %mul3A_112 : i32 to index
      %get3A_116 = tpu.vector_load %arg6[%get3A_114, %get3A_115] {strides = array<i32>} : memref<16x640xf32, #tpu.memory_space<vmem>>, vector<16xf32>,
      %add3A_117 = arith.addf %add3A_110, %get3A_116 : vector<16xf32>
      %mul3A_118 = arith.constant 16 : i32
      %mul3A_119 = arith.muli %scan3A_92, %mul3A_118 : i32
      %get3A_120 = arith.constant 4 : i32
      %get3A_121 = arith.index_cast %get3A_120 : i32 to index
      %get3A_122 = arith.index_cast %mul3A_119 : i32 to index
      %get3A_123 = tpu.vector_load %arg6[%get3A_121, %get3A_122] {strides = array<i32>} : memref<16x640xf32, #tpu.memory_space<vmem>>, vector<16xf32>,
      %add3A_124 = arith.addf %add3A_117, %get3A_123 : vector<16xf32>
      %mul3A_125 = arith.constant 16 : i32
      %mul3A_126 = arith.muli %scan3A_92, %mul3A_125 : i32
      %get3A_127 = arith.constant 5 : i32
      %get3A_128 = arith.index_cast %get3A_127 : i32 to index
      %get3A_129 = arith.index_cast %mul3A_126 : i32 to index
      %get3A_130 = tpu.vector_load %arg6[%get3A_128, %get3A_129] {strides = array<i32>} : memref<16x640xf32, #tpu.memory_space<vmem>>, vector<16xf32>,
      %add3A_131 = arith.addf %add3A_124, %get3A_130 : vector<16xf32>
      %mul3A_132 = arith.constant 16 : i32
      %mul3A_133 = arith.muli %scan3A_92, %mul3A_132 : i32
      %get3A_134 = arith.constant 6 : i32
      %get3A_135 = arith.index_cast %get3A_134 : i32 to index
      %get3A_136 = arith.index_cast %mul3A_133 : i32 to index
      %get3A_137 = tpu.vector_load %arg6[%get3A_135, %get3A_136] {strides = array<i32>} : memref<16x640xf32, #tpu.memory_space<vmem>>, vector<16xf32>,
      %add3A_138 = arith.addf %add3A_131, %get3A_137 : vector<16xf32>
      %mul3A_139 = arith.constant 16 : i32
      %mul3A_140 = arith.muli %scan3A_92, %mul3A_139 : i32
      %get3A_141 = arith.constant 7 : i32
      %get3A_142 = arith.index_cast %get3A_141 : i32 to index
      %get3A_143 = arith.index_cast %mul3A_140 : i32 to index
      %get3A_144 = tpu.vector_load %arg6[%get3A_142, %get3A_143] {strides = array<i32>} : memref<16x640xf32, #tpu.memory_space<vmem>>, vector<16xf32>,
      %add3A_145 = arith.addf %add3A_138, %get3A_144 : vector<16xf32>
      %mul3A_146 = arith.constant 16 : i32
      %mul3A_147 = arith.muli %scan3A_92, %mul3A_146 : i32
      %get3A_148 = arith.constant 8 : i32
      %get3A_149 = arith.index_cast %get3A_148 : i32 to index
      %get3A_150 = arith.index_cast %mul3A_147 : i32 to index
      %get3A_151 = tpu.vector_load %arg6[%get3A_149, %get3A_150] {strides = array<i32>} : memref<16x640xf32, #tpu.memory_space<vmem>>, vector<16xf32>,
      %add3A_152 = arith.addf %add3A_145, %get3A_151 : vector<16xf32>
      %mul3A_153 = arith.constant 16 : i32
      %mul3A_154 = arith.muli %scan3A_92, %mul3A_153 : i32
      %get3A_155 = arith.constant 9 : i32
      %get3A_156 = arith.index_cast %get3A_155 : i32 to index
      %get3A_157 = arith.index_cast %mul3A_154 : i32 to index
      %get3A_158 = tpu.vector_load %arg6[%get3A_156, %get3A_157] {strides = array<i32>} : memref<16x640xf32, #tpu.memory_space<vmem>>, vector<16xf32>,
      %add3A_159 = arith.addf %add3A_152, %get3A_158 : vector<16xf32>
      %mul3A_160 = arith.constant 16 : i32
      %mul3A_161 = arith.muli %scan3A_92, %mul3A_160 : i32
      %get3A_162 = arith.constant 10 : i32
      %get3A_163 = arith.index_cast %get3A_162 : i32 to index
      %get3A_164 = arith.index_cast %mul3A_161 : i32 to index
      %get3A_165 = tpu.vector_load %arg6[%get3A_163, %get3A_164] {strides = array<i32>} : memref<16x640xf32, #tpu.memory_space<vmem>>, vector<16xf32>,
      %add3A_166 = arith.addf %add3A_159, %get3A_165 : vector<16xf32>
      %mul3A_167 = arith.constant 16 : i32
      %mul3A_168 = arith.muli %scan3A_92, %mul3A_167 : i32
      %get3A_169 = arith.constant 11 : i32
      %get3A_170 = arith.index_cast %get3A_169 : i32 to index
      %get3A_171 = arith.index_cast %mul3A_168 : i32 to index
      %get3A_172 = tpu.vector_load %arg6[%get3A_170, %get3A_171] {strides = array<i32>} : memref<16x640xf32, #tpu.memory_space<vmem>>, vector<16xf32>,
      %add3A_173 = arith.addf %add3A_166, %get3A_172 : vector<16xf32>
      %mul3A_174 = arith.constant 16 : i32
      %mul3A_175 = arith.muli %scan3A_92, %mul3A_174 : i32
      %get3A_176 = arith.constant 12 : i32
      %get3A_177 = arith.index_cast %get3A_176 : i32 to index
      %get3A_178 = arith.index_cast %mul3A_175 : i32 to index
      %get3A_179 = tpu.vector_load %arg6[%get3A_177, %get3A_178] {strides = array<i32>} : memref<16x640xf32, #tpu.memory_space<vmem>>, vector<16xf32>,
      %add3A_180 = arith.addf %add3A_173, %get3A_179 : vector<16xf32>
      %mul3A_181 = arith.constant 16 : i32
      %mul3A_182 = arith.muli %scan3A_92, %mul3A_181 : i32
      %get3A_183 = arith.constant 13 : i32
      %get3A_184 = arith.index_cast %get3A_183 : i32 to index
      %get3A_185 = arith.index_cast %mul3A_182 : i32 to index
      %get3A_186 = tpu.vector_load %arg6[%get3A_184, %get3A_185] {strides = array<i32>} : memref<16x640xf32, #tpu.memory_space<vmem>>, vector<16xf32>,
      %add3A_187 = arith.addf %add3A_180, %get3A_186 : vector<16xf32>
      %mul3A_188 = arith.constant 16 : i32
      %mul3A_189 = arith.muli %scan3A_92, %mul3A_188 : i32
      %get3A_190 = arith.constant 14 : i32
      %get3A_191 = arith.index_cast %get3A_190 : i32 to index
      %get3A_192 = arith.index_cast %mul3A_189 : i32 to index
      %get3A_193 = tpu.vector_load %arg6[%get3A_191, %get3A_192] {strides = array<i32>} : memref<16x640xf32, #tpu.memory_space<vmem>>, vector<16xf32>,
      %add3A_194 = arith.addf %add3A_187, %get3A_193 : vector<16xf32>
      %mul3A_195 = arith.constant 16 : i32
      %mul3A_196 = arith.muli %scan3A_92, %mul3A_195 : i32
      %get3A_197 = arith.constant 15 : i32
      %get3A_198 = arith.index_cast %get3A_197 : i32 to index
      %get3A_199 = arith.index_cast %mul3A_196 : i32 to index
      %get3A_200 = tpu.vector_load %arg6[%get3A_198, %get3A_199] {strides = array<i32>} : memref<16x640xf32, #tpu.memory_space<vmem>>, vector<16xf32>,
      %add3A_201 = arith.addf %add3A_194, %get3A_200 : vector<16xf32>
      %add3A_202 = arith.constant 1.000000e+00 : f32
      %add3A_203 = vector.broadcast %add3A_202 : f32 to vector<16xf32>
      %add3A_204 = arith.addf %add3A_201, %add3A_203 : vector<16xf32>
      %bitcast3A = vector.bitcast %add3A_204 : vector<16xf32> to vector<16xi32>
      %shift_right_arithmetic3A = arith.constant 1 : i32
      %shift_right_arithmetic3A_205 = vector.broadcast %shift_right_arithmetic3A : i32 to vector<16xi32>
      %shift_right_arithmetic3A_206 = arith.shrsi %bitcast3A, %shift_right_arithmetic3A_205 : vector<16xi32>
      %sub3A = arith.subi %broadcast_in_dim3A_83, %shift_right_arithmetic3A_206 : vector<16xi32>
      %bitcast3A_207 = vector.bitcast %sub3A : vector<16xi32> to vector<16xf32>
      %mul3A_208 = arith.mulf %broadcast_in_dim3A_79, %add3A_204 : vector<16xf32>
      %mul3A_209 = arith.mulf %mul3A_208, %bitcast3A_207 : vector<16xf32>
      %mul3A_210 = arith.mulf %mul3A_209, %bitcast3A_207 : vector<16xf32>
      %sub3A_211 = arith.subf %broadcast_in_dim3A_81, %mul3A_210 : vector<16xf32>
      %mul3A_212 = arith.mulf %bitcast3A_207, %sub3A_211 : vector<16xf32>
      %mul3A_213 = arith.mulf %broadcast_in_dim3A_79, %add3A_204 : vector<16xf32>
      %mul3A_214 = arith.mulf %mul3A_213, %mul3A_212 : vector<16xf32>
      %mul3A_215 = arith.mulf %mul3A_214, %mul3A_212 : vector<16xf32>
      %sub3A_216 = arith.subf %broadcast_in_dim3A_81, %mul3A_215 : vector<16xf32>
      %mul3A_217 = arith.mulf %mul3A_212, %sub3A_216 : vector<16xf32>
      %mul3A_218 = arith.mulf %broadcast_in_dim3A_79, %add3A_204 : vector<16xf32>
      %mul3A_219 = arith.mulf %mul3A_218, %mul3A_217 : vector<16xf32>
      %mul3A_220 = arith.mulf %mul3A_219, %mul3A_217 : vector<16xf32>
      %sub3A_221 = arith.subf %broadcast_in_dim3A_81, %mul3A_220 : vector<16xf32>
      %mul3A_222 = arith.mulf %mul3A_217, %sub3A_221 : vector<16xf32>
      %mul3A_223 = arith.constant 16 : i32
      %mul3A_224 = arith.muli %scan3A_92, %mul3A_223 : i32
      %swap3A = arith.index_cast %mul3A_224 : i32 to index
      %swap3A_225 = tpu.vector_load %arg7[%swap3A] {strides = array<i32>} : memref<640xf32, #tpu.memory_space<vmem>>, vector<16xf32>,
      tpu.vector_store %arg7[%swap3A], %mul3A_222 {strides = array<i32>} : memref<640xf32, #tpu.memory_space<vmem>>, vector<16xf32>,
    }
    %scan3A_89 = arith.constant 40 : i32
    %eq3A = arith.constant 0 : i32
    %eq3A_90 = arith.cmpi eq, %arg0, %eq3A : i32
    %convert_element_type3A = arith.extui %eq3A_90 : i1 to i32
    %cond3A = arith.constant 0 : i32
    %cond3A_91 = arith.cmpi ne, %convert_element_type3A, %cond3A : i32
    scf.if %cond3A_91 {
      %mul3A_92 = arith.constant 640 : i32
      %mul3A_93 = arith.muli %arg1, %mul3A_92 : i32
      "tpu.region"() ({
        %run_scoped3A_94 = tpu.sem_alloc : memref<!tpu.dma_semaphore, #tpu.memory_space<semaphore_mem>>
        %dma_start3A = tpu.memref_slice %arg3[%mul3A_93] : memref<10240xf32, #tpu.memory_space<hbm>> -> memref<640xf32, #tpu.memory_space<hbm>>
        %dma_start3A_95 = tpu.memref_slice %arg3[%mul3A_93] : memref<10240xf32, #tpu.memory_space<hbm>> -> memref<640xf32, #tpu.memory_space<hbm>>
        tpu.enqueue_dma source(%arg7 : memref<640xf32, #tpu.memory_space<vmem>>) target(%dma_start3A_95 : memref<640xf32, #tpu.memory_space<hbm>>) target_semaphore(%run_scoped3A_94 : memref<!tpu.dma_semaphore, #tpu.memory_space<semaphore_mem>>)
        %dma_wait3A = tpu.memref_slice %arg3[%mul3A_93] : memref<10240xf32, #tpu.memory_space<hbm>> -> memref<640xf32, #tpu.memory_space<hbm>>
        %dma_wait3A_96 = tpu.memref_slice %arg3[%mul3A_93] : memref<10240xf32, #tpu.memory_space<hbm>> -> memref<640xf32, #tpu.memory_space<hbm>>
        tpu.wait_dma2 semaphore(%run_scoped3A_94 : memref<!tpu.dma_semaphore, #tpu.memory_space<semaphore_mem>>) src(%arg7 : memref<640xf32, #tpu.memory_space<vmem>>) dst(%dma_wait3A_96 : memref<640xf32, #tpu.memory_space<hbm>>)
        tpu.yield
      }) : () -> ()
    } else {
    }
    return
  }
}

module attributes {stable_mosaic.version = 14 : i64} {
  func.func @_tc1_body(%arg0: i32, %arg1: memref<1000x1xf32, #tpu.memory_space<vmem>>, %arg2: memref<1000x128xf32, #tpu.memory_space<vmem>>, %arg3: memref<128x128xf32, #tpu.memory_space<vmem>>, %arg4: memref<1000x128xf32, #tpu.memory_space<vmem>>) attributes {dimension_semantics = [#tpu.dimension_semantics<arbitrary>], iteration_bounds = array<i64: 10>, scalar_prefetch = 0 : i64, scratch_operands = 0 : i64, tpu.core_type = #tpu.core_type<tc>, window_params = [{transform_indices = @transform_0, window_bounds = array<i64: 1000, 1>}, {transform_indices = @transform_1, window_bounds = array<i64: 1000, 128>}, {pipeline_mode = #tpu.pipeline_mode<synchronous>, transform_indices = @transform_2, window_bounds = array<i64: 128, 128>}, {transform_indices = @transform_3, window_bounds = array<i64: 1000, 128>}]} {
    %get3A = arith.constant 0 : index
    %get3A_0 = arith.constant 0 : index
    %get3A_1 = vector.load %arg2[%get3A, %get3A_0] : memref<1000x128xf32, #tpu.memory_space<vmem>>, vector<1000x128xf32>
    %get3A_2 = arith.constant 0 : index
    %get3A_3 = arith.constant 0 : index
    %get3A_4 = vector.load %arg3[%get3A_2, %get3A_3] : memref<128x128xf32, #tpu.memory_space<vmem>>, vector<128x128xf32>
    %dot_general3A = arith.constant dense<0.000000e+00> : vector<1000x128xf32>
    %dot_general3A_5 = tpu.matmul %get3A_1, %get3A_4, %dot_general3A {dimension_numbers = #tpu.dot_dimension_numbers<[1], [0], [0], [1], [0, 0, 1, 1], [], []>, transpose_lhs_hint = false} : vector<1000x128xf32>, vector<128x128xf32>, vector<1000x128xf32> -> vector<1000x128xf32>
    %get3A_6 = arith.constant 0 : index
    %get3A_7 = arith.constant 0 : index
    %get3A_8 = vector.load %arg1[%get3A_6, %get3A_7] : memref<1000x1xf32, #tpu.memory_space<vmem>>, vector<1000x1xf32>
    %mul3A = vector.broadcast %get3A_8 : vector<1000x1xf32> to vector<1000x128xf32>
    %mul3A_9 = arith.mulf %mul3A, %dot_general3A_5 : vector<1000x128xf32>
    %swap3A = arith.constant 0 : index
    %swap3A_10 = arith.constant 0 : index
    %swap3A_11 = vector.load %arg4[%swap3A, %swap3A_10] : memref<1000x128xf32, #tpu.memory_space<vmem>>, vector<1000x128xf32>
    tpu.vector_store %arg4[%swap3A, %swap3A_10], %mul3A_9 {strides = array<i32>} : memref<1000x128xf32, #tpu.memory_space<vmem>>, vector<1000x128xf32>,
    return
  }
  func.func @transform_0(%arg0: i32) -> (i32, i32) {
    %c0_i32 = arith.constant 0 : i32
    %c0_i32_0 = arith.constant 0 : i32
    return %arg0, %c0_i32 : i32, i32
  }
  func.func @transform_1(%arg0: i32) -> (i32, i32) {
    %c0_i32 = arith.constant 0 : i32
    %c0_i32_0 = arith.constant 0 : i32
    return %arg0, %c0_i32 : i32, i32
  }
  func.func @transform_2(%arg0: i32) -> (i32, i32) {
    %c0_i32 = arith.constant 0 : i32
    %c0_i32_0 = arith.constant 0 : i32
    %c0_i32_1 = arith.constant 0 : i32
    return %c0_i32, %c0_i32_0 : i32, i32
  }
  func.func @transform_3(%arg0: i32) -> (i32, i32) {
    %c0_i32 = arith.constant 0 : i32
    %c0_i32_0 = arith.constant 0 : i32
    return %arg0, %c0_i32 : i32, i32
  }
}

module attributes {stable_mosaic.version = 14 : i64} {
  func.func @_tc2_body(%arg0: i32, %arg1: memref<1000x128xf32, #tpu.memory_space<vmem>>, %arg2: memref<1000x128xf32, #tpu.memory_space<vmem>>, %arg3: memref<1000x128xf32, #tpu.memory_space<vmem>>, %arg4: memref<1000x1xf32, #tpu.memory_space<vmem>>, %arg5: memref<1x128xf32, #tpu.memory_space<vmem>>, %arg6: memref<128x128xf32, #tpu.memory_space<vmem>>, %arg7: memref<1000x128xf32, #tpu.memory_space<vmem>>) attributes {dimension_semantics = [#tpu.dimension_semantics<arbitrary>], iteration_bounds = array<i64: 10>, scalar_prefetch = 0 : i64, scratch_operands = 0 : i64, tpu.core_type = #tpu.core_type<tc>, window_params = [{transform_indices = @transform_0, window_bounds = array<i64: 1000, 128>}, {transform_indices = @transform_1, window_bounds = array<i64: 1000, 128>}, {transform_indices = @transform_2, window_bounds = array<i64: 1000, 128>}, {transform_indices = @transform_3, window_bounds = array<i64: 1000, 1>}, {pipeline_mode = #tpu.pipeline_mode<synchronous>, transform_indices = @transform_4, window_bounds = array<i64: 1, 128>}, {pipeline_mode = #tpu.pipeline_mode<synchronous>, transform_indices = @transform_5, window_bounds = array<i64: 128, 128>}, {transform_indices = @transform_6, window_bounds = array<i64: 1000, 128>}]} {
    %get3A = arith.constant 0 : index
    %get3A_0 = arith.constant 0 : index
    %get3A_1 = vector.load %arg4[%get3A, %get3A_0] : memref<1000x1xf32, #tpu.memory_space<vmem>>, vector<1000x1xf32>
    %get3A_2 = arith.constant 0 : index
    %get3A_3 = arith.constant 0 : index
    %get3A_4 = vector.load %arg1[%get3A_2, %get3A_3] : memref<1000x128xf32, #tpu.memory_space<vmem>>, vector<1000x128xf32>
    %get3A_5 = arith.constant 0 : index
    %get3A_6 = arith.constant 0 : index
    %get3A_7 = vector.load %arg2[%get3A_5, %get3A_6] : memref<1000x128xf32, #tpu.memory_space<vmem>>, vector<1000x128xf32>
    %add3A = arith.addf %get3A_4, %get3A_7 : vector<1000x128xf32>
    %get3A_8 = arith.constant 0 : index
    %get3A_9 = arith.constant 0 : index
    %get3A_10 = vector.load %arg3[%get3A_8, %get3A_9] : memref<1000x128xf32, #tpu.memory_space<vmem>>, vector<1000x128xf32>
    %add3A_11 = arith.addf %add3A, %get3A_10 : vector<1000x128xf32>
    %mul3A = vector.broadcast %get3A_1 : vector<1000x1xf32> to vector<1000x128xf32>
    %mul3A_12 = arith.mulf %mul3A, %add3A_11 : vector<1000x128xf32>
    %get3A_13 = arith.constant 0 : index
    %get3A_14 = arith.constant 0 : index
    %get3A_15 = vector.load %arg5[%get3A_13, %get3A_14] : memref<1x128xf32, #tpu.memory_space<vmem>>, vector<1x128xf32>
    %add3A_16 = vector.broadcast %get3A_15 : vector<1x128xf32> to vector<1000x128xf32>
    %add3A_17 = arith.addf %mul3A_12, %add3A_16 : vector<1000x128xf32>
    %max3A = arith.constant 0.000000e+00 : f32
    %max3A_18 = vector.broadcast %max3A : f32 to vector<1000x128xf32>
    %max3A_19 = arith.maximumf %add3A_17, %max3A_18 : vector<1000x128xf32>
    %get3A_20 = arith.constant 0 : index
    %get3A_21 = arith.constant 0 : index
    %get3A_22 = vector.load %arg6[%get3A_20, %get3A_21] : memref<128x128xf32, #tpu.memory_space<vmem>>, vector<128x128xf32>
    %dot_general3A = arith.constant dense<0.000000e+00> : vector<1000x128xf32>
    %dot_general3A_23 = tpu.matmul %max3A_19, %get3A_22, %dot_general3A {dimension_numbers = #tpu.dot_dimension_numbers<[1], [0], [0], [1], [0, 0, 1, 1], [], []>, transpose_lhs_hint = false} : vector<1000x128xf32>, vector<128x128xf32>, vector<1000x128xf32> -> vector<1000x128xf32>
    %mul3A_24 = vector.broadcast %get3A_1 : vector<1000x1xf32> to vector<1000x128xf32>
    %mul3A_25 = arith.mulf %mul3A_24, %dot_general3A_23 : vector<1000x128xf32>
    %swap3A = arith.constant 0 : index
    %swap3A_26 = arith.constant 0 : index
    %swap3A_27 = vector.load %arg7[%swap3A, %swap3A_26] : memref<1000x128xf32, #tpu.memory_space<vmem>>, vector<1000x128xf32>
    tpu.vector_store %arg7[%swap3A, %swap3A_26], %mul3A_25 {strides = array<i32>} : memref<1000x128xf32, #tpu.memory_space<vmem>>, vector<1000x128xf32>,
    return
  }
  func.func @transform_0(%arg0: i32) -> (i32, i32) {
    %c0_i32 = arith.constant 0 : i32
    %c0_i32_0 = arith.constant 0 : i32
    return %arg0, %c0_i32 : i32, i32
  }
  func.func @transform_1(%arg0: i32) -> (i32, i32) {
    %c0_i32 = arith.constant 0 : i32
    %c0_i32_0 = arith.constant 0 : i32
    return %arg0, %c0_i32 : i32, i32
  }
  func.func @transform_2(%arg0: i32) -> (i32, i32) {
    %c0_i32 = arith.constant 0 : i32
    %c0_i32_0 = arith.constant 0 : i32
    return %arg0, %c0_i32 : i32, i32
  }
  func.func @transform_3(%arg0: i32) -> (i32, i32) {
    %c0_i32 = arith.constant 0 : i32
    %c0_i32_0 = arith.constant 0 : i32
    return %arg0, %c0_i32 : i32, i32
  }
  func.func @transform_4(%arg0: i32) -> (i32, i32) {
    %c0_i32 = arith.constant 0 : i32
    %c0_i32_0 = arith.constant 0 : i32
    %c0_i32_1 = arith.constant 0 : i32
    return %c0_i32, %c0_i32_0 : i32, i32
  }
  func.func @transform_5(%arg0: i32) -> (i32, i32) {
    %c0_i32 = arith.constant 0 : i32
    %c0_i32_0 = arith.constant 0 : i32
    %c0_i32_1 = arith.constant 0 : i32
    return %c0_i32, %c0_i32_0 : i32, i32
  }
  func.func @transform_6(%arg0: i32) -> (i32, i32) {
    %c0_i32 = arith.constant 0 : i32
    %c0_i32_0 = arith.constant 0 : i32
    return %arg0, %c0_i32 : i32, i32
  }
}

module attributes {stable_mosaic.version = 14 : i64} {
  func.func @_tc3_body(%arg0: i32, %arg1: memref<1000x128xf32, #tpu.memory_space<vmem>>, %arg2: memref<1000x128xf32, #tpu.memory_space<vmem>>, %arg3: memref<1000x128xf32, #tpu.memory_space<vmem>>, %arg4: memref<1000x1xf32, #tpu.memory_space<vmem>>, %arg5: memref<1x128xf32, #tpu.memory_space<vmem>>, %arg6: memref<1000x128xf32, #tpu.memory_space<vmem>>) attributes {dimension_semantics = [#tpu.dimension_semantics<arbitrary>], iteration_bounds = array<i64: 10>, scalar_prefetch = 0 : i64, scratch_operands = 0 : i64, tpu.core_type = #tpu.core_type<tc>, window_params = [{transform_indices = @transform_0, window_bounds = array<i64: 1000, 128>}, {transform_indices = @transform_1, window_bounds = array<i64: 1000, 128>}, {transform_indices = @transform_2, window_bounds = array<i64: 1000, 128>}, {transform_indices = @transform_3, window_bounds = array<i64: 1000, 1>}, {pipeline_mode = #tpu.pipeline_mode<synchronous>, transform_indices = @transform_4, window_bounds = array<i64: 1, 128>}, {transform_indices = @transform_5, window_bounds = array<i64: 1000, 128>}]} {
    %get3A = arith.constant 0 : index
    %get3A_0 = arith.constant 0 : index
    %get3A_1 = vector.load %arg4[%get3A, %get3A_0] : memref<1000x1xf32, #tpu.memory_space<vmem>>, vector<1000x1xf32>
    %get3A_2 = arith.constant 0 : index
    %get3A_3 = arith.constant 0 : index
    %get3A_4 = vector.load %arg1[%get3A_2, %get3A_3] : memref<1000x128xf32, #tpu.memory_space<vmem>>, vector<1000x128xf32>
    %get3A_5 = arith.constant 0 : index
    %get3A_6 = arith.constant 0 : index
    %get3A_7 = vector.load %arg2[%get3A_5, %get3A_6] : memref<1000x128xf32, #tpu.memory_space<vmem>>, vector<1000x128xf32>
    %add3A = arith.addf %get3A_4, %get3A_7 : vector<1000x128xf32>
    %get3A_8 = arith.constant 0 : index
    %get3A_9 = arith.constant 0 : index
    %get3A_10 = vector.load %arg3[%get3A_8, %get3A_9] : memref<1000x128xf32, #tpu.memory_space<vmem>>, vector<1000x128xf32>
    %add3A_11 = arith.addf %add3A, %get3A_10 : vector<1000x128xf32>
    %mul3A = vector.broadcast %get3A_1 : vector<1000x1xf32> to vector<1000x128xf32>
    %mul3A_12 = arith.mulf %mul3A, %add3A_11 : vector<1000x128xf32>
    %get3A_13 = arith.constant 0 : index
    %get3A_14 = arith.constant 0 : index
    %get3A_15 = vector.load %arg5[%get3A_13, %get3A_14] : memref<1x128xf32, #tpu.memory_space<vmem>>, vector<1x128xf32>
    %add3A_16 = vector.broadcast %get3A_15 : vector<1x128xf32> to vector<1000x128xf32>
    %add3A_17 = arith.addf %mul3A_12, %add3A_16 : vector<1000x128xf32>
    %swap3A = arith.constant 0 : index
    %swap3A_18 = arith.constant 0 : index
    %swap3A_19 = vector.load %arg6[%swap3A, %swap3A_18] : memref<1000x128xf32, #tpu.memory_space<vmem>>, vector<1000x128xf32>
    tpu.vector_store %arg6[%swap3A, %swap3A_18], %add3A_17 {strides = array<i32>} : memref<1000x128xf32, #tpu.memory_space<vmem>>, vector<1000x128xf32>,
    return
  }
  func.func @transform_0(%arg0: i32) -> (i32, i32) {
    %c0_i32 = arith.constant 0 : i32
    %c0_i32_0 = arith.constant 0 : i32
    return %arg0, %c0_i32 : i32, i32
  }
  func.func @transform_1(%arg0: i32) -> (i32, i32) {
    %c0_i32 = arith.constant 0 : i32
    %c0_i32_0 = arith.constant 0 : i32
    return %arg0, %c0_i32 : i32, i32
  }
  func.func @transform_2(%arg0: i32) -> (i32, i32) {
    %c0_i32 = arith.constant 0 : i32
    %c0_i32_0 = arith.constant 0 : i32
    return %arg0, %c0_i32 : i32, i32
  }
  func.func @transform_3(%arg0: i32) -> (i32, i32) {
    %c0_i32 = arith.constant 0 : i32
    %c0_i32_0 = arith.constant 0 : i32
    return %arg0, %c0_i32 : i32, i32
  }
  func.func @transform_4(%arg0: i32) -> (i32, i32) {
    %c0_i32 = arith.constant 0 : i32
    %c0_i32_0 = arith.constant 0 : i32
    %c0_i32_1 = arith.constant 0 : i32
    return %c0_i32, %c0_i32_0 : i32, i32
  }
  func.func @transform_5(%arg0: i32) -> (i32, i32) {
    %c0_i32 = arith.constant 0 : i32
    %c0_i32_0 = arith.constant 0 : i32
    return %arg0, %c0_i32 : i32, i32
  }
}

</mosaic_0001>

<sc_bundles>
// kernel: kernel.11.cloned.1.call-start
scs
__scs_entry_jumppad:
0x0: {  	(pc) =	sbr.rel $0x88, $3  }
0x1: {  	(tag) =	ssettag $0x0;
	lr =	simm.s32 $0x1  }
0x2: {  	[smem:$0x3F9B] =	sst lr;
	_ =	strace $0xD0000000  }
0x3: {  	_ = 	snop  }
0x4: {  	_ = 	snop  }
0x5: {  	_ = 	snop  }
0x6: {  	_ = 	snop  }
0x7: {  	_ = 	snop  }
__scs_overlays_trampoline_lowered:
0x8: {  	[smem:$0x3FAA] =	sst s0  }
0x9: {  	[smem:$0x3FAB] =	sst s1  }
0xa: {  	[smem:$0x3FAC] =	sst s2  }
0xb: {  	[smem:$0x3FAD] =	sst s3  }
0xc: {  	[smem:$0x3FAE] =	sst s4  }
0xd: {  	[smem:$0x3FAF] =	sst s5  }
0xe: {  	[smem:$0x3FB0] =	sst s6  }
0xf: {  	[smem:$0x3FB1] =	sst s7  }
0x10: {  	[smem:$0x3FB2] =	sst s8  }
0x11: {  	[smem:$0x3FB3] =	sst s9;
	s0 =	simm.s32 @!p0 $0x0  }
0x12: {  	s1 =	sld [smem:$0x3F99];
	s0 =	simm.s32 @p0 $0x1  }
0x13: {  	[smem:$0x3FB4] =	sst s0;
	s0 =	simm.s32 @!p1 $0x0  }
0x14: {  	s2 =	sld [smem:$0x3F98];
	s0 =	simm.s32 @p1 $0x1  }
0x15: {  	[smem:$0x3FB5] =	sst s0;
	s0 =	simm.s32 @!p2 $0x0  }
0x16: {  	s3 =	sld [smem:$0x3FDB];
	s0 =	simm.s32 @p2 $0x1  }
0x17: {  	s4 =	simm.s32 $0x1BF5;
	[smem:$0x3FB7] =	sst s0  }
0x18: {  	s0 =	sld [smem:$0x3F9A];
	_ =	swait.ge [sflag:s4], $0x0  }
0x19: {  	s7 =	sld [smem:$0x3F9B]  }
0x1a: {  	s8 =	sadd.s32 $0xFFFFE003, lr  }
0x1b: {  	s9 =	sadd.s32 $0xFFFFFEF7, lr;
	s5 =	simm.s32 $0xFFFFFFFF;
	p2 =	slt.u32 s8, $0xFFFFF086  }
0x1c: {  	p1 =	slt.u32 s9, $0xF7A;
	s5 =	simm.s32 @!p2 $0x0  }
0x1d: {  	s5 =	simm.s32 @p1 $0x1;
	p0 =	seq.s32 s7, s2  }
0x1e: {  	s7 =	smul.u32 @!p0 $0xF7A, s2;
	p2 =	seq.s32 @!p0 s5, $0x0  }
0x1f: {  	s9 =	smul.u32 $0xF7A, s1;
	s8 =	simm.s32 @!p0 $0x1BF5;
	p2 =	por !p2, p0  }
0x20: {  	[sflag:s8] =	ssyncset.s32 @!p0 $0xFFFFF086;
	s6 =	sadd.s32 @!p0 s3, s7;
	s7 =	simm.s32 @!p0 $0x108  }
0x21: {  	s3 =	sadd.s32 s3, s9;
	s6 =	sadd.s32 @!p0 $0x88, s6;
	s7 =	simm.s32 @p2 $0x1082  }
0x22: {  	[simem:s7], [sflag:s8] =	dma.local @!p0 [hbm:s6], $0xF7A  }
0x23: {  	s9 =	sor.u32 $0xD0000000, s2;
	s6 =	simm.s32 $0x108;
	_ =	swait.ge @!p0 [sflag:s8], $0x0  }
0x24: {  	s3 =	sadd.s32 $0x88, s3;
	s6 =	simm.s32 @!p1 $0x1082;
	[sflag:s4] =	ssyncset.s32 $0xFFFFF086  }
0x25: {  	[simem:s6], [sflag:s4] =	dma.local [hbm:s3], $0xF7A  }
0x26: {  	[smem:$0x3F9B] =	sst s1;
	(tag) =	ssettag s2;
	_ =	strace s9  }
0x27: {  	s1 =	sld [smem:$0x3FAB]  }
0x28: {  	s2 =	sld [smem:$0x3FAC]  }
0x29: {  	s4 =	sld [smem:$0x3FAE]  }
0x2a: {  	p0 =	seq.s32 s5, $0x0;
	s5 =	sld [smem:$0x3FAF]  }
0x2b: {  	s6 =	sld [smem:$0x3FB0]  }
0x2c: {  	s7 =	sld [smem:$0x3FB1]  }
0x2d: {  	s3 =	simm.s32 $0x108;
	s8 =	sld [smem:$0x3FB2]  }
0x2e: {  	s3 =	simm.s32 @!p0 $0x1082;
	s9 =	sld [smem:$0x3FB3]  }
0x2f: {  	lr =	sadd.s32 s0, s3;
	s0 =	sld [smem:$0x3FAA]  }
0x30: {  	s3 =	sld [smem:$0x3FAD]  }
0x31: {  	[smem:$0x3FB6] =	sst s10  }
0x32: {  	s10 =	sld [smem:$0x3FB4];
	_ =	sdelay $0x3  }
0x33: {  	p0 =	seq.s32 s10, $0x1;
	s10 =	sld [smem:$0x3FB6];
	_ =	sdelay $0x3  }
0x34: {  	[smem:$0x3FB6] =	sst s10  }
0x35: {  	s10 =	sld [smem:$0x3FB5];
	_ =	sdelay $0x3  }
0x36: {  	p1 =	seq.s32 s10, $0x1;
	s10 =	sld [smem:$0x3FB6];
	_ =	sdelay $0x3  }
0x37: {  	[smem:$0x3FB6] =	sst s10  }
0x38: {  	s10 =	sld [smem:$0x3FB7]  }
0x39: {  	_ = 	snop;
	(pc) =	sbr.ind lr, $3  }
0x3a: {  	_ = 	snop  }
0x3b: {  	_ = 	snop  }
0x3c: {  	p2 =	seq.s32 s10, $0x1;
	s10 =	sld [smem:$0x3FB6]  }
0x3d: {  	_ =	shalt  }
0x3e: {  	_ =	shalt  }
0x3f: {  	_ =	shalt  }
0x40: {  	_ =	shalt  }
0x41: {  	_ =	shalt  }
0x42: {  	_ =	shalt  }
0x43: {  	_ =	shalt  }
0x44: {  	_ =	shalt  }
0x45: {  	_ =	shalt  }
0x46: {  	_ =	shalt  }
0x47: {  	_ =	shalt  }
0x48: {  	_ =	shalt  }
0x49: {  	_ =	shalt  }
0x4a: {  	_ =	shalt  }
0x4b: {  	_ =	shalt  }
0x4c: {  	_ =	shalt  }
0x4d: {  	_ =	shalt  }
0x4e: {  	_ =	shalt  }
0x4f: {  	_ =	shalt  }
0x50: {  	_ =	shalt  }
0x51: {  	_ =	shalt  }
0x52: {  	_ =	shalt  }
0x53: {  	_ =	shalt  }
0x54: {  	_ =	shalt  }
0x55: {  	_ =	shalt  }
0x56: {  	_ =	shalt  }
0x57: {  	_ =	shalt  }
0x58: {  	_ =	shalt  }
0x59: {  	_ =	shalt  }
0x5a: {  	_ =	shalt  }
0x5b: {  	_ =	shalt  }
0x5c: {  	_ =	shalt  }
0x5d: {  	_ =	shalt  }
0x5e: {  	_ =	shalt  }
0x5f: {  	_ =	shalt  }
0x60: {  	_ =	shalt  }
0x61: {  	_ =	shalt  }
0x62: {  	_ =	shalt  }
0x63: {  	_ =	shalt  }
0x64: {  	_ =	shalt  }
0x65: {  	_ =	shalt  }
0x66: {  	_ =	shalt  }
0x67: {  	_ =	shalt  }
0x68: {  	_ =	shalt  }
0x69: {  	_ =	shalt  }
0x6a: {  	_ =	shalt  }
0x6b: {  	_ =	shalt  }
0x6c: {  	_ =	shalt  }
0x6d: {  	_ =	shalt  }
0x6e: {  	_ =	shalt  }
0x6f: {  	_ =	shalt  }
0x70: {  	_ =	shalt  }
0x71: {  	_ =	shalt  }
0x72: {  	_ =	shalt  }
0x73: {  	_ =	shalt  }
0x74: {  	_ =	shalt  }
0x75: {  	_ =	shalt  }
0x76: {  	_ =	shalt  }
0x77: {  	_ =	shalt  }
0x78: {  	_ =	shalt  }
0x79: {  	_ =	shalt  }
0x7a: {  	_ =	shalt  }
0x7b: {  	_ =	shalt  }
0x7c: {  	_ =	shalt  }
0x7d: {  	_ =	shalt  }
0x7e: {  	_ =	shalt  }
0x7f: {  	_ =	shalt  }
0x80: {  	_ =	shalt  }
0x81: {  	_ =	shalt  }
0x82: {  	_ =	shalt  }
0x83: {  	_ =	shalt  }
0x84: {  	_ =	shalt  }
0x85: {  	_ =	shalt  }
0x86: {  	_ =	shalt  }
0x87: {  	_ =	shalt  }
.Lfunc_end0:
.L_simem_size_0:
called_computation.1_lowered:
.L_overlay_start_0:
0x88: {  	s2 =	sld [smem:$0x3FD9]  }
0x89: {  	s3 =	sld [smem:$0x3FFE];
	_ =	sdelay $0x1  }
0x8a: {  	s1 =	srdreg.scid  }
0x8b: {  	s0 =	sand.u32 $0x1, s1  }
0x8c: {  	s17 =	sshll.u32 s0, $0xA;
	s2 =	sadd.s32 s3, s2  }
0x8d: {  	s2 =	sadd.s32 s2, s17  }
0x8e: {  	[smem:$0x3FC2] =	sst s2  }
0x8f: {  	_ = 	snop  }
0x90: {  	s2 =	sld [smem:$0x3FD0];
	(tm) =	ssettm $0x1  }
0x91: {  	s18 =	sld [smem:$0x3FFB];
	_ =	sdelay $0x3  }
0x92: {  	_ =	strace s18  }
0x93: {  	s3 =	sld [smem:$0x3FFC];
	_ =	sdelay $0x3  }
0x94: {  	_ =	strace s3  }
0x95: {  	s3 =	sld [smem:$0x3FFD];
	_ =	sdelay $0x3  }
0x96: {  	_ =	strace s3  }
0x97: {  	_ =	strace $0x8FFFFFFF  }
0x98: {  	s19 =	sld [smem:$0x3FDB];
	_ =	sdelay $0x1  }
0x99: {  	s4 =	simm.s32 $_scs_section_size  }
0x9a: {  	s5 =	simm.s32 $_size__tile_overlayer_lowered;
	s6 =	simm.s32 $_tile_overlayer_lowered  }
0x9b: {  	s22 =	simm.s32 $0x1BFF;
	s21 =	sshll.u32 s6, $0x1;
	s3 =	sadd.s32 s4, s19  }
0x9c: {  	s7 =	simm.s32 $0x0;
	s20 =	sshll.u32 s5, $0x1;
	s5 =	sadd.s32 s21, s3  }
0x9d: {  	[timem:s7], [sflag:s22] =	dma.local [hbm:s5], s20  }
0x9e: {  	_ =	swait.ge [sflag:s22], s20  }
0x9f: {  	s4 =	ssub.s32 $0x0, s20;
	[sflag:s22] =	ssyncset.done $0x0  }
0xa0: {  	[sflag:s22] =	ssyncadd.s32 s4;
	_ =	sdelay $0x1  }
0xa1: {  	s23 =	simm.s32 $0x1B8B  }
0xa2: {  	_ =	swait.ge [sflag:s23], $0x1  }
0xa3: {  	[sflag:s23] =	ssyncset.done $0x0  }
0xa4: {  	s25 =	simm.s32 $0x1B8E;
	s24 =	sld [smem:$0x3FFE];
	[sflag:s23] =	ssyncadd.s32 $0xFFFFFFFF  }
0xa5: {  	s26 =	simm.s32 $execute0_lowered;
	[smem:$0x3FD2] =	sst s25  }
0xa6: {  	s5 =	sshll.u32 s26, $0x1;
	_ =	strace $0x80000049;
	[dreg:$0x1] =	wrdreg $0xFFFFFFFF  }
0xa7: {  	s28 =	simm.s32 $_size_execute0_lowered;
	s3 =	sadd.s32 s3, s5;
	[dreg:$0x0] =	wrdreg $0x0  }
0xa8: {  	s5 =	sshll.u32 s28, $0x1;
	[dreg:$0x2] =	wrdreg s3  }
0xa9: {  	[dreg:$0x3] =	wrdreg s5  }
0xaa: {  	[dreg:$0x4] =	wrdreg $0xC0  }
0xab: {  	_ =	task [dreg:s7], $0x5FFFF  }
0xac: {  	[dreg:$0x1] =	wrdreg $0xFFFFFFFF  }
0xad: {  	[dreg:$0x0] =	wrdreg $0x60  }
0xae: {  	[dreg:$0x2] =	wrdreg s2  }
0xaf: {  	[dreg:$0x3] =	wrdreg s24  }
0xb0: {  	[dreg:$0x4] =	wrdreg $0x69000  }
0xb1: {  	[dreg:$0x5] =	wrdreg $0x9  }
0xb2: {  	_ =	task.clear_ibuf [dreg:s7], $0x6FFFF;
	_ =	strace $0x90000049  }
0xb3: {  	s29 =	simm.s32 $0x9;
	_ =	strace $0x8000004B  }
0xb4: {  	_ =	swait.ge [sflag:s29], $0x1  }
0xb5: {  	[sflag:s29] =	ssyncadd.s32 $0xFFFFFFFF  }
0xb6: {  	_ =	strace $0x9000004B  }
0xb7: {  	_ =	sfence  }
0xb8: {  	s30 =	sld [smem:$0x0];
	_ =	sdelay $0x2  }
0xb9: {  	s31 =	sshll.u32 s1, $0xD;
	s1 =	sshrl.u32 s1, $0x2  }
0xba: {  	s3 =	sand.u32 $0x4000, s31;
	s1 =	sadd.s32 s1, s30  }
0xbb: {  	s0 =	sor.u32 s3, s0;
	s1 =	sshll.u32 s1, $0x11  }
0xbc: {  	s0 =	sor.u32 s1, s0  }
0xbd: {  	s0 =	sadd.s32 $0x8F2B, s0  }
0xbe: {  	[sflag:s0] =	ssyncadd.remote.s32 $0x1  }
0xbf: {  	_ =	sfence.sel $0xFFFF  }
0xc0: {  	[dreg:$0x0] =	wrdreg $0xFFFFFFFF;
	(pc) =	sbr.abs _section_cstart, $3  }
0xc1: {  	[dreg:$0x1] =	wrdreg $0xFFFFFFFF  }
0xc2: {  	_ =	task.clear_ibuf [dreg:s7], $0x2FFFF;
	_ =	strace $0x9FFFFFFF  }
0xc3: {  	(tm) =	ssettm $0x7FFFFFFF  }
tec
execute0_lowered:
.L_overlay_start_1:
0x0: {  	(tag) =	ssettag $0x1  }
0x1: {  	s1 =	rddreg [dreg:$0x0]  }
0x2: {  	s10 =	rddreg [dreg:$0x1]  }
0x3: {  	s0 =	srdreg.scid;
	s3 =	rddreg [dreg:$0x2]  }
0x4: {  	s2 =	rddreg [dreg:$0x3];
	s4 =	simm.s32 $0x0;
	s18 =	simm.s32 $0x3E600  }
0x5: {  	s19 =	simm.s32 $0x2;
	s20 =	simm.s32 $0x50;
	s11 =	sand.u32 $0x1, s0  }
0x6: {  	s21 =	simm.s32 $0x100;
	s0 =	stileid.u32;
	s5 =	smul.u32 $0x27100, s11  }
0x7: {  	s22 =	simm.s32 $0x1;
	s23 =	simm.s32 $0x80;
	s6 =	smul.u32 $0x2710, s0  }
0x8: {  	s24 =	simm.s32 $0x0;
	[smem:$0x7FF] =	sst s4;
	s7 =	smul.u32 $0x280, s0  }
0x9: {  	_ =	strace $0x8000004A;
	s25 =	smul.u32 $0x50000, s0;
	s26 =	ssub.s32 $0x2, s11  }
0xa: {  	p0 =	seq.s32 s11, $0x1;
	s31 =	smul.u32 $0x2800, s0;
	s8 =	sshrl.u32 s26, $0x1  }
0xb: {  	s18 =	simm.s32 @!p0 $0x16600;
	s5 =	sadd.s32 s6, s5;
	s12 =	sadd.s32 $0x80, s7  }
0xc: {  	s6 =	sshrl.u32 s25, $0x2;
	s13 =	ssub.s32 s26, s8;
	s14 =	sadd.s32 $0x100, s7  }
0xd: {  	s15 =	sadd.s32 $0x180, s7;
	s16 =	sadd.s32 $0x200, s7;
	s18 =	sadd.s32 s18, s10  }
0xe: {  	s5 =	sshrl.u32 s5, $0x3;
	s9 =	sshll.u32 s12, $0x7;
	s28 =	sshll.u32 s14, $0x7  }
0xf: {  	s29 =	sshll.u32 s15, $0x7;
	s30 =	sshll.u32 s16, $0x7;
	s12 =	sshll.u32 s12, $0x4  }
0x10: {  	s14 =	sshll.u32 s14, $0x4;
	s15 =	sshll.u32 s15, $0x4;
	s16 =	sshll.u32 s16, $0x4  }
0x11: {  	s11 =	sadd.s32 s18, s31;
	s17 =	sadd.s32 s5, s10;
	s5 =	sadd.s32 s6, s3  }
0x12: {  	s6 =	sadd.s32 s9, s3;
	s7 =	sadd.s32 s28, s3;
	s8 =	sadd.s32 s29, s3  }
0x13: {  	s9 =	sadd.s32 s30, s3;
	s10 =	smax.u32 s13, $0x1;
	s12 =	sadd.s32 s18, s12  }
0x14: {  	s13 =	sadd.s32 s18, s14;
	s14 =	sadd.s32 s18, s15;
	s15 =	sadd.s32 s18, s16  }
0x15: {  	v0 =	vimm.f32 $0.0e+00;
	s18 =	simm.s32 $0x2900;
	s16 =	sadd.s32 $0xC800, s17;
	s17 =	sadd.s32 $0x2A00, s17  }
.LBB2_1:
0x16: {  	s25 =	simm.s32 $0x0;
	s26 =	simm.s32 $0x200  }
.LBB2_2:
0x17: {  	p0 =	sne.s32 s26, $0xFE00;
	[tilespmem:s25+$0x2970] =	vst v0  }
0x18: {  	[tilespmem:s25+$0x2900] =	vst v0  }
0x19: {  	[tilespmem:s25+$0x2910] =	vst v0  }
.Ltmp0:
0x1a: {  	[tilespmem:s25+$0x2920] =	vst v0;
	(pc) =	sbr.rel @p0 .LBB2_2-.Ltmp0, $4  }
0x1b: {  	[tilespmem:s25+$0x2930] =	vst v0  }
0x1c: {  	[tilespmem:s25+$0x2940] =	vst v0  }
0x1d: {  	[tilespmem:s25+$0x2950] =	vst v0  }
0x1e: {  	[tilespmem:s25+$0x2960] =	vst v0;
	s25 =	sshra.s32 s26, $0x2;
	s26 =	sadd.s32 $0x200, s26  }
0x1f: {  	[tilespmem:s25+$0x2970] =	vst v0  }
0x20: {  	[tilespmem:s25+$0x2900] =	vst v0  }
0x21: {  	[tilespmem:s25+$0x2910] =	vst v0  }
0x22: {  	[tilespmem:s25+$0x2920] =	vst v0  }
0x23: {  	[tilespmem:s25+$0x2930] =	vst v0  }
0x24: {  	[tilespmem:s25+$0x2940] =	vst v0  }
0x25: {  	[tilespmem:s25+$0x2950] =	vst v0  }
0x26: {  	[tilespmem:s25+$0x2960] =	vst v0  }
0x27: {  	[spmem:s5] =	stream.linear.scatter [tilespmem:s18], [sflag:$0x2], $0x4000, $0x38;
	[tilespmem:$0x1A900] =	vst v63  }
0x28: {  	_ =	swait.ge [sflag:s19], $0x4000  }
0x29: {  	[sflag:s19] =	ssyncset.done $0x0  }
0x2a: {  	[sflag:s19] =	ssyncadd.s32 $0xFFFFC000  }
0x2b: {  	[spmem:s6] =	stream.linear.scatter [tilespmem:s18], [sflag:$0x2], $0x4000, $0x38;
	[tilespmem:$0x1A900] =	vst v63  }
0x2c: {  	_ =	swait.ge [sflag:s19], $0x4000  }
0x2d: {  	[sflag:s19] =	ssyncset.done $0x0  }
0x2e: {  	[sflag:s19] =	ssyncadd.s32 $0xFFFFC000  }
0x2f: {  	[spmem:s7] =	stream.linear.scatter [tilespmem:s18], [sflag:$0x2], $0x4000, $0x38;
	[tilespmem:$0x1A900] =	vst v63  }
0x30: {  	_ =	swait.ge [sflag:s19], $0x4000  }
0x31: {  	[sflag:s19] =	ssyncset.done $0x0  }
0x32: {  	[sflag:s19] =	ssyncadd.s32 $0xFFFFC000  }
0x33: {  	[spmem:s8] =	stream.linear.scatter [tilespmem:s18], [sflag:$0x2], $0x4000, $0x38;
	[tilespmem:$0x1A900] =	vst v63  }
0x34: {  	_ =	swait.ge [sflag:s19], $0x4000  }
0x35: {  	[sflag:s19] =	ssyncset.done $0x0  }
0x36: {  	[sflag:s19] =	ssyncadd.s32 $0xFFFFC000  }
0x37: {  	[spmem:s9] =	stream.linear.scatter [tilespmem:s18], [sflag:$0x2], $0x4000, $0x38;
	[tilespmem:$0x1A900] =	vst v63  }
0x38: {  	_ =	swait.ge [sflag:s19], $0x4000  }
0x39: {  	[sflag:s19] =	ssyncset.done $0x0  }
0x3a: {  	[sflag:s19] =	ssyncadd.s32 $0xFFFFC000  }
0x3b: {  	s30 =	sadd.s32 $0x0, s17;
	[bflag:$0x0] =	sbarrier.arrive $0xFFFF  }
0x3c: {  	[tilespmem:s4], [sflag:$0x2] =	stream.linear.gather [hbm4b:s30+s4], $0x50, $0x38;
	[tilespmem:$0x1A900] =	vst v63  }
0x3d: {  	_ =	swait.ge [sflag:s19], $0x50  }
0x3e: {  	[sflag:s19] =	ssyncset.done $0x0  }
0x3f: {  	[sflag:s19] =	ssyncadd.s32 $0xFFFFFFB0  }
0x40: {  	[tilespmem:s21], [sflag:$0x1] =	stream.indirect.gather [hbm4b:s1+s20], $0x80, s4, s20, $0xb8;
	[tilespmem:$0x1A900] =	vst v63  }
0x41: {  	_ =	swait.ge [sflag:s22], $0x2800  }
0x42: {  	[sflag:s22] =	ssyncset.done $0x0  }
0x43: {  	s31 =	sadd.s32 $0x0, s16;
	[sflag:s22] =	ssyncadd.s32 $0xFFFFD800  }
0x44: {  	[tilespmem:s23], [sflag:$0x2] =	stream.linear.gather [hbm4b:s31+s4], $0x50, $0x38;
	[tilespmem:$0x1A900] =	vst v63  }
0x45: {  	_ =	swait.ge [sflag:s19], $0x50  }
0x46: {  	[sflag:s19] =	ssyncset.done $0x0  }
0x47: {  	[sflag:s19] =	ssyncadd.s32 $0xFFFFFFB0  }
0x48: {  	[spmem:s3] =	stream.indirect.scatter.add.f32 [tilespmem:s21], [sflag:$0x2], $0x80, s23, s20, $0xb8;
	[tilespmem:$0x1A900] =	vst v63  }
0x49: {  	_ =	swait.ge [sflag:s19], $0x2800  }
0x4a: {  	s25 =	simm.s32 $0xA;
	s26 =	simm.s32 $0x14;
	[sflag:s19] =	ssyncset.done $0x0  }
.LBB2_4:
0x4b: {  	s28 =	sadd.s32 s25, s17  }
0x4c: {  	[sflag:s19] =	ssyncadd.s32 $0xFFFFD800;
	s29 =	smov.u32 s26;
	s30 =	sadd.s32 $0xA, s26  }
0x4d: {  	[tilespmem:s4], [sflag:$0x2] =	stream.linear.gather [hbm4b:s28+s4], $0x50, $0x38;
	[tilespmem:$0x1A900] =	vst v63  }
0x4e: {  	p0 =	sne.s32 s26, $0x4D8;
	_ =	swait.ge [sflag:s19], $0x50  }
0x4f: {  	[sflag:s19] =	ssyncset.done $0x0  }
0x50: {  	[sflag:s19] =	ssyncadd.s32 $0xFFFFFFB0  }
0x51: {  	[tilespmem:s21], [sflag:$0x1] =	stream.indirect.gather [hbm4b:s1+s20], $0x80, s4, s20, $0xb8;
	[tilespmem:$0x1A900] =	vst v63  }
0x52: {  	_ =	swait.ge [sflag:s22], $0x2800  }
0x53: {  	[sflag:s22] =	ssyncset.done $0x0  }
0x54: {  	s26 =	sadd.s32 s25, s16;
	s25 =	smov.u32 s29;
	[sflag:s22] =	ssyncadd.s32 $0xFFFFD800  }
0x55: {  	[tilespmem:s23], [sflag:$0x2] =	stream.linear.gather [hbm4b:s26+s4], $0x50, $0x38;
	[tilespmem:$0x1A900] =	vst v63  }
0x56: {  	_ =	swait.ge [sflag:s19], $0x50  }
.Ltmp1:
0x57: {  	[sflag:s19] =	ssyncset.done $0x0;
	(pc) =	sbr.rel @p0 .LBB2_4-.Ltmp1, $4  }
0x58: {  	[sflag:s19] =	ssyncadd.s32 $0xFFFFFFB0  }
0x59: {  	[spmem:s3] =	stream.indirect.scatter.add.f32 [tilespmem:s21], [sflag:$0x2], $0x80, s23, s20, $0xb8;
	[tilespmem:$0x1A900] =	vst v63  }
0x5a: {  	_ =	swait.ge [sflag:s19], $0x2800  }
0x5b: {  	s26 =	smov.u32 s30;
	[sflag:s19] =	ssyncset.done $0x0  }
0x5c: {  	s26 =	sadd.s32 s25, s17;
	[sflag:s19] =	ssyncadd.s32 $0xFFFFD800  }
0x5d: {  	[tilespmem:s4], [sflag:$0x2] =	stream.linear.gather [hbm4b:s26+s4], $0x50, $0x38;
	[tilespmem:$0x1A900] =	vst v63  }
0x5e: {  	_ =	swait.ge [sflag:s19], $0x50  }
0x5f: {  	[sflag:s19] =	ssyncset.done $0x0  }
0x60: {  	[sflag:s19] =	ssyncadd.s32 $0xFFFFFFB0  }
0x61: {  	[tilespmem:s21], [sflag:$0x1] =	stream.indirect.gather [hbm4b:s1+s20], $0x80, s4, s20, $0xb8;
	[tilespmem:$0x1A900] =	vst v63  }
0x62: {  	_ =	swait.ge [sflag:s22], $0x2800  }
0x63: {  	[sflag:s22] =	ssyncset.done $0x0  }
0x64: {  	s29 =	sadd.s32 s25, s16;
	[sflag:s22] =	ssyncadd.s32 $0xFFFFD800  }
0x65: {  	[tilespmem:s23], [sflag:$0x2] =	stream.linear.gather [hbm4b:s29+s4], $0x50, $0x38;
	[tilespmem:$0x1A900] =	vst v63  }
0x66: {  	_ =	swait.ge [sflag:s19], $0x50  }
0x67: {  	[sflag:s19] =	ssyncset.done $0x0  }
0x68: {  	[sflag:s19] =	ssyncadd.s32 $0xFFFFFFB0  }
0x69: {  	[spmem:s3] =	stream.indirect.scatter.add.f32 [tilespmem:s21], [sflag:$0x2], $0x80, s23, s20, $0xb8;
	[tilespmem:$0x1A900] =	vst v63  }
0x6a: {  	_ =	swait.ge [sflag:s19], $0x2800  }
0x6b: {  	[sflag:s19] =	ssyncset.done $0x0  }
0x6c: {  	s30 =	sshll.u32 s0, $0x6;
	[sflag:s19] =	ssyncadd.s32 $0xFFFFD800  }
0x6d: {  	s31 =	sshrl.u32 s5, $0x3;
	s25 =	sor.u32 $0x1C02, s30;
	[bflag:$0x0] =	sbarrier.arrive $0xFFFF  }
0x6e: {  	[hbm:s11], [sflag:s25] =	dma.local [spmem:s31], $0x800  }
0x6f: {  	_ =	swait.ge [sflag:s19], $0x800  }
0x70: {  	[sflag:s19] =	ssyncset.done $0x0  }
0x71: {  	s28 =	sshrl.u32 s6, $0x3;
	[sflag:s19] =	ssyncadd.s32 $0xFFFFF800  }
0x72: {  	[hbm:s12], [sflag:s25] =	dma.local [spmem:s28], $0x800  }
0x73: {  	_ =	swait.ge [sflag:s19], $0x800  }
0x74: {  	[sflag:s19] =	ssyncset.done $0x0  }
0x75: {  	s29 =	sshrl.u32 s7, $0x3;
	[sflag:s19] =	ssyncadd.s32 $0xFFFFF800  }
0x76: {  	[hbm:s13], [sflag:s25] =	dma.local [spmem:s29], $0x800  }
0x77: {  	_ =	swait.ge [sflag:s19], $0x800  }
0x78: {  	[sflag:s19] =	ssyncset.done $0x0  }
0x79: {  	s30 =	sshrl.u32 s8, $0x3;
	[sflag:s19] =	ssyncadd.s32 $0xFFFFF800  }
0x7a: {  	[hbm:s14], [sflag:s25] =	dma.local [spmem:s30], $0x800  }
0x7b: {  	s24 =	sadd.s32 $0x1, s24;
	_ =	swait.ge [sflag:s19], $0x800  }
0x7c: {  	p0 =	sne.s32 s24, s10;
	[sflag:s19] =	ssyncset.done $0x0  }
.Ltmp2:
0x7d: {  	s31 =	sshrl.u32 s9, $0x3;
	[sflag:s19] =	ssyncadd.s32 $0xFFFFF800;
	(pc) =	sbr.rel @p0 .LBB2_1-.Ltmp2, $4  }
0x7e: {  	[hbm:s15], [sflag:s25] =	dma.local [spmem:s31], $0x800  }
0x7f: {  	_ =	swait.ge [sflag:s19], $0x800  }
0x80: {  	[sflag:s19] =	ssyncset.done $0x0  }
0x81: {  	[sflag:s19] =	ssyncadd.s32 $0xFFFFF800  }
0x82: {  	_ =	sfence.sel $0x180000  }
0x83: {  	[bflag:$0x0] =	sbarrier.arrive $0xFFFF  }
0x84: {  	p0 =	sne.s32 s0, $0x0;
	_ =	strace $0x9000004A  }
0x85: {  	s0 =	sadd.s32 @!p0 $0x100000, s2;
	[bflag:$0x2] =	sbarrier.arrive $0xFFFF  }
0x86: {  	[sflag:s0] =	ssyncadd.tile.s32 @!p0 $0x1;
	_ =	shalt  }
.Lfunc_end2:
_tile_overlayer_lowered:
.L_overlay_start_2:
0x87: {  	(tag) =	ssettag $0x2  }
0x88: {  	s0 =	rddreg [dreg:$0x0];
	s2 =	stileid.u32  }
0x89: {  	s1 =	rddreg [dreg:$0x1];
	p0 =	sne.s32 s2, $0x0  }
0x8a: {  	s3 =	rddreg [dreg:$0x2];
	[bflag:$0x3] =	sbarrier.arrive $0xFFFF;
	s2 =	simm.s32 @!p0 $0x1C02  }
0x8b: {  	[timem:s3], [sflag:s2] =	dma.local @!p0 [hbm:s0], s1  }
0x8c: {  	s0 =	simm.s32 @!p0 $0x2  }
0x8d: {  	_ =	swait.ge @!p0 [sflag:s0], s1  }
0x8e: {  	s1 =	ssub.s32 @!p0 $0x0, s1;
	[sflag:s0] =	ssyncset.done @!p0 $0x0  }
0x8f: {  	[sflag:s0] =	ssyncadd.s32 @!p0 s1  }
0x90: {  	[bflag:$0x3] =	sbarrier.arrive $0xFFFF  }
0x91: {  	_ =	shalt  }

// kernel: kernel.14.cloned.1.call-start
scs
__scs_entry_jumppad:
0x0: {  	(pc) =	sbr.rel $0x88, $3  }
0x1: {  	(tag) =	ssettag $0x0;
	lr =	simm.s32 $0x1  }
0x2: {  	[smem:$0x3F9B] =	sst lr;
	_ =	strace $0xD0000000  }
0x3: {  	_ = 	snop  }
0x4: {  	_ = 	snop  }
0x5: {  	_ = 	snop  }
0x6: {  	_ = 	snop  }
0x7: {  	_ = 	snop  }
__scs_overlays_trampoline_lowered:
0x8: {  	[smem:$0x3FAA] =	sst s0  }
0x9: {  	[smem:$0x3FAB] =	sst s1  }
0xa: {  	[smem:$0x3FAC] =	sst s2  }
0xb: {  	[smem:$0x3FAD] =	sst s3  }
0xc: {  	[smem:$0x3FAE] =	sst s4  }
0xd: {  	[smem:$0x3FAF] =	sst s5  }
0xe: {  	[smem:$0x3FB0] =	sst s6  }
0xf: {  	[smem:$0x3FB1] =	sst s7  }
0x10: {  	[smem:$0x3FB2] =	sst s8  }
0x11: {  	[smem:$0x3FB3] =	sst s9;
	s0 =	simm.s32 @!p0 $0x0  }
0x12: {  	s1 =	sld [smem:$0x3F99];
	s0 =	simm.s32 @p0 $0x1  }
0x13: {  	[smem:$0x3FB4] =	sst s0;
	s0 =	simm.s32 @!p1 $0x0  }
0x14: {  	s2 =	sld [smem:$0x3F98];
	s0 =	simm.s32 @p1 $0x1  }
0x15: {  	[smem:$0x3FB5] =	sst s0;
	s0 =	simm.s32 @!p2 $0x0  }
0x16: {  	s3 =	sld [smem:$0x3FDB];
	s0 =	simm.s32 @p2 $0x1  }
0x17: {  	s4 =	simm.s32 $0x1BF5;
	[smem:$0x3FB7] =	sst s0  }
0x18: {  	s0 =	sld [smem:$0x3F9A];
	_ =	swait.ge [sflag:s4], $0x0  }
0x19: {  	s7 =	sld [smem:$0x3F9B]  }
0x1a: {  	s8 =	sadd.s32 $0xFFFFE003, lr  }
0x1b: {  	s9 =	sadd.s32 $0xFFFFFEF7, lr;
	s5 =	simm.s32 $0xFFFFFFFF;
	p2 =	slt.u32 s8, $0xFFFFF086  }
0x1c: {  	p1 =	slt.u32 s9, $0xF7A;
	s5 =	simm.s32 @!p2 $0x0  }
0x1d: {  	s5 =	simm.s32 @p1 $0x1;
	p0 =	seq.s32 s7, s2  }
0x1e: {  	s7 =	smul.u32 @!p0 $0xF7A, s2;
	p2 =	seq.s32 @!p0 s5, $0x0  }
0x1f: {  	s9 =	smul.u32 $0xF7A, s1;
	s8 =	simm.s32 @!p0 $0x1BF5;
	p2 =	por !p2, p0  }
0x20: {  	[sflag:s8] =	ssyncset.s32 @!p0 $0xFFFFF086;
	s6 =	sadd.s32 @!p0 s3, s7;
	s7 =	simm.s32 @!p0 $0x108  }
0x21: {  	s3 =	sadd.s32 s3, s9;
	s6 =	sadd.s32 @!p0 $0x88, s6;
	s7 =	simm.s32 @p2 $0x1082  }
0x22: {  	[simem:s7], [sflag:s8] =	dma.local @!p0 [hbm:s6], $0xF7A  }
0x23: {  	s9 =	sor.u32 $0xD0000000, s2;
	s6 =	simm.s32 $0x108;
	_ =	swait.ge @!p0 [sflag:s8], $0x0  }
0x24: {  	s3 =	sadd.s32 $0x88, s3;
	s6 =	simm.s32 @!p1 $0x1082;
	[sflag:s4] =	ssyncset.s32 $0xFFFFF086  }
0x25: {  	[simem:s6], [sflag:s4] =	dma.local [hbm:s3], $0xF7A  }
0x26: {  	[smem:$0x3F9B] =	sst s1;
	(tag) =	ssettag s2;
	_ =	strace s9  }
0x27: {  	s1 =	sld [smem:$0x3FAB]  }
0x28: {  	s2 =	sld [smem:$0x3FAC]  }
0x29: {  	s4 =	sld [smem:$0x3FAE]  }
0x2a: {  	p0 =	seq.s32 s5, $0x0;
	s5 =	sld [smem:$0x3FAF]  }
0x2b: {  	s6 =	sld [smem:$0x3FB0]  }
0x2c: {  	s7 =	sld [smem:$0x3FB1]  }
0x2d: {  	s3 =	simm.s32 $0x108;
	s8 =	sld [smem:$0x3FB2]  }
0x2e: {  	s3 =	simm.s32 @!p0 $0x1082;
	s9 =	sld [smem:$0x3FB3]  }
0x2f: {  	lr =	sadd.s32 s0, s3;
	s0 =	sld [smem:$0x3FAA]  }
0x30: {  	s3 =	sld [smem:$0x3FAD]  }
0x31: {  	[smem:$0x3FB6] =	sst s10  }
0x32: {  	s10 =	sld [smem:$0x3FB4];
	_ =	sdelay $0x3  }
0x33: {  	p0 =	seq.s32 s10, $0x1;
	s10 =	sld [smem:$0x3FB6];
	_ =	sdelay $0x3  }
0x34: {  	[smem:$0x3FB6] =	sst s10  }
0x35: {  	s10 =	sld [smem:$0x3FB5];
	_ =	sdelay $0x3  }
0x36: {  	p1 =	seq.s32 s10, $0x1;
	s10 =	sld [smem:$0x3FB6];
	_ =	sdelay $0x3  }
0x37: {  	[smem:$0x3FB6] =	sst s10  }
0x38: {  	s10 =	sld [smem:$0x3FB7]  }
0x39: {  	_ = 	snop;
	(pc) =	sbr.ind lr, $3  }
0x3a: {  	_ = 	snop  }
0x3b: {  	_ = 	snop  }
0x3c: {  	p2 =	seq.s32 s10, $0x1;
	s10 =	sld [smem:$0x3FB6]  }
0x3d: {  	_ =	shalt  }
0x3e: {  	_ =	shalt  }
0x3f: {  	_ =	shalt  }
0x40: {  	_ =	shalt  }
0x41: {  	_ =	shalt  }
0x42: {  	_ =	shalt  }
0x43: {  	_ =	shalt  }
0x44: {  	_ =	shalt  }
0x45: {  	_ =	shalt  }
0x46: {  	_ =	shalt  }
0x47: {  	_ =	shalt  }
0x48: {  	_ =	shalt  }
0x49: {  	_ =	shalt  }
0x4a: {  	_ =	shalt  }
0x4b: {  	_ =	shalt  }
0x4c: {  	_ =	shalt  }
0x4d: {  	_ =	shalt  }
0x4e: {  	_ =	shalt  }
0x4f: {  	_ =	shalt  }
0x50: {  	_ =	shalt  }
0x51: {  	_ =	shalt  }
0x52: {  	_ =	shalt  }
0x53: {  	_ =	shalt  }
0x54: {  	_ =	shalt  }
0x55: {  	_ =	shalt  }
0x56: {  	_ =	shalt  }
0x57: {  	_ =	shalt  }
0x58: {  	_ =	shalt  }
0x59: {  	_ =	shalt  }
0x5a: {  	_ =	shalt  }
0x5b: {  	_ =	shalt  }
0x5c: {  	_ =	shalt  }
0x5d: {  	_ =	shalt  }
0x5e: {  	_ =	shalt  }
0x5f: {  	_ =	shalt  }
0x60: {  	_ =	shalt  }
0x61: {  	_ =	shalt  }
0x62: {  	_ =	shalt  }
0x63: {  	_ =	shalt  }
0x64: {  	_ =	shalt  }
0x65: {  	_ =	shalt  }
0x66: {  	_ =	shalt  }
0x67: {  	_ =	shalt  }
0x68: {  	_ =	shalt  }
0x69: {  	_ =	shalt  }
0x6a: {  	_ =	shalt  }
0x6b: {  	_ =	shalt  }
0x6c: {  	_ =	shalt  }
0x6d: {  	_ =	shalt  }
0x6e: {  	_ =	shalt  }
0x6f: {  	_ =	shalt  }
0x70: {  	_ =	shalt  }
0x71: {  	_ =	shalt  }
0x72: {  	_ =	shalt  }
0x73: {  	_ =	shalt  }
0x74: {  	_ =	shalt  }
0x75: {  	_ =	shalt  }
0x76: {  	_ =	shalt  }
0x77: {  	_ =	shalt  }
0x78: {  	_ =	shalt  }
0x79: {  	_ =	shalt  }
0x7a: {  	_ =	shalt  }
0x7b: {  	_ =	shalt  }
0x7c: {  	_ =	shalt  }
0x7d: {  	_ =	shalt  }
0x7e: {  	_ =	shalt  }
0x7f: {  	_ =	shalt  }
0x80: {  	_ =	shalt  }
0x81: {  	_ =	shalt  }
0x82: {  	_ =	shalt  }
0x83: {  	_ =	shalt  }
0x84: {  	_ =	shalt  }
0x85: {  	_ =	shalt  }
0x86: {  	_ =	shalt  }
0x87: {  	_ =	shalt  }
.Lfunc_end0:
.L_simem_size_0:
called_computation.2_lowered:
.L_overlay_start_0:
0x88: {  	s2 =	sld [smem:$0x3FD9]  }
0x89: {  	s3 =	sld [smem:$0x3FFE];
	_ =	sdelay $0x1  }
0x8a: {  	s1 =	srdreg.scid  }
0x8b: {  	s0 =	sand.u32 $0x1, s1  }
0x8c: {  	s17 =	sshll.u32 s0, $0xA;
	s2 =	sadd.s32 s3, s2  }
0x8d: {  	s2 =	sadd.s32 s2, s17  }
0x8e: {  	[smem:$0x3FC2] =	sst s2  }
0x8f: {  	_ = 	snop  }
0x90: {  	s2 =	sld [smem:$0x3FD0];
	(tm) =	ssettm $0x1  }
0x91: {  	s18 =	sld [smem:$0x3FFB];
	_ =	sdelay $0x3  }
0x92: {  	_ =	strace s18  }
0x93: {  	s3 =	sld [smem:$0x3FFC];
	_ =	sdelay $0x3  }
0x94: {  	_ =	strace s3  }
0x95: {  	s3 =	sld [smem:$0x3FFD];
	_ =	sdelay $0x3  }
0x96: {  	_ =	strace s3  }
0x97: {  	_ =	strace $0x8FFFFFFF  }
0x98: {  	s19 =	sld [smem:$0x3FDB];
	_ =	sdelay $0x1  }
0x99: {  	s4 =	simm.s32 $_scs_section_size  }
0x9a: {  	s5 =	simm.s32 $_size__tile_overlayer_lowered;
	s6 =	simm.s32 $_tile_overlayer_lowered  }
0x9b: {  	s22 =	simm.s32 $0x1BFF;
	s21 =	sshll.u32 s6, $0x1;
	s3 =	sadd.s32 s4, s19  }
0x9c: {  	s7 =	simm.s32 $0x0;
	s20 =	sshll.u32 s5, $0x1;
	s5 =	sadd.s32 s21, s3  }
0x9d: {  	[timem:s7], [sflag:s22] =	dma.local [hbm:s5], s20  }
0x9e: {  	_ =	swait.ge [sflag:s22], s20  }
0x9f: {  	s4 =	ssub.s32 $0x0, s20;
	[sflag:s22] =	ssyncset.done $0x0  }
0xa0: {  	[sflag:s22] =	ssyncadd.s32 s4;
	_ =	sdelay $0x1  }
0xa1: {  	s23 =	simm.s32 $0x1B8B  }
0xa2: {  	_ =	swait.ge [sflag:s23], $0x1  }
0xa3: {  	[sflag:s23] =	ssyncset.done $0x0  }
0xa4: {  	s25 =	simm.s32 $0x1B8E;
	s24 =	sld [smem:$0x3FFE];
	[sflag:s23] =	ssyncadd.s32 $0xFFFFFFFF  }
0xa5: {  	s26 =	simm.s32 $execute0_lowered;
	[smem:$0x3FD2] =	sst s25  }
0xa6: {  	s5 =	sshll.u32 s26, $0x1;
	_ =	strace $0x8000004C;
	[dreg:$0x1] =	wrdreg $0xFFFFFFFF  }
0xa7: {  	s28 =	simm.s32 $_size_execute0_lowered;
	s3 =	sadd.s32 s3, s5;
	[dreg:$0x0] =	wrdreg $0x0  }
0xa8: {  	s5 =	sshll.u32 s28, $0x1;
	[dreg:$0x2] =	wrdreg s3  }
0xa9: {  	[dreg:$0x3] =	wrdreg s5  }
0xaa: {  	[dreg:$0x4] =	wrdreg $0xC0  }
0xab: {  	_ =	task [dreg:s7], $0x5FFFF  }
0xac: {  	[dreg:$0x1] =	wrdreg $0xFFFFFFFF  }
0xad: {  	[dreg:$0x0] =	wrdreg $0x60  }
0xae: {  	[dreg:$0x2] =	wrdreg s2  }
0xaf: {  	[dreg:$0x3] =	wrdreg s24  }
0xb0: {  	[dreg:$0x4] =	wrdreg $0x69000  }
0xb1: {  	[dreg:$0x5] =	wrdreg $0x9  }
0xb2: {  	_ =	task.clear_ibuf [dreg:s7], $0x6FFFF;
	_ =	strace $0x9000004C  }
0xb3: {  	s29 =	simm.s32 $0x9;
	_ =	strace $0x8000004E  }
0xb4: {  	_ =	swait.ge [sflag:s29], $0x1  }
0xb5: {  	[sflag:s29] =	ssyncadd.s32 $0xFFFFFFFF  }
0xb6: {  	_ =	strace $0x9000004E  }
0xb7: {  	_ =	sfence  }
0xb8: {  	s30 =	sld [smem:$0x0];
	_ =	sdelay $0x2  }
0xb9: {  	s31 =	sshll.u32 s1, $0xD;
	s1 =	sshrl.u32 s1, $0x2  }
0xba: {  	s3 =	sand.u32 $0x4000, s31;
	s1 =	sadd.s32 s1, s30  }
0xbb: {  	s0 =	sor.u32 s3, s0;
	s1 =	sshll.u32 s1, $0x11  }
0xbc: {  	s0 =	sor.u32 s1, s0  }
0xbd: {  	s0 =	sadd.s32 $0x8F2B, s0  }
0xbe: {  	[sflag:s0] =	ssyncadd.remote.s32 $0x1  }
0xbf: {  	_ =	sfence.sel $0xFFFF  }
0xc0: {  	[dreg:$0x0] =	wrdreg $0xFFFFFFFF;
	(pc) =	sbr.abs _section_cstart, $3  }
0xc1: {  	[dreg:$0x1] =	wrdreg $0xFFFFFFFF  }
0xc2: {  	_ =	task.clear_ibuf [dreg:s7], $0x2FFFF;
	_ =	strace $0x9FFFFFFF  }
0xc3: {  	(tm) =	ssettm $0x7FFFFFFF  }
tec
execute0_lowered:
.L_overlay_start_1:
0x0: {  	(tag) =	ssettag $0x1  }
0x1: {  	s1 =	rddreg [dreg:$0x0]  }
0x2: {  	s10 =	rddreg [dreg:$0x1]  }
0x3: {  	s0 =	srdreg.scid;
	s3 =	rddreg [dreg:$0x2]  }
0x4: {  	s2 =	rddreg [dreg:$0x3];
	s4 =	simm.s32 $0x0;
	s18 =	simm.s32 $0x3E600  }
0x5: {  	s19 =	simm.s32 $0x2;
	s20 =	simm.s32 $0x50;
	s11 =	sand.u32 $0x1, s0  }
0x6: {  	s21 =	simm.s32 $0x100;
	s0 =	stileid.u32;
	s5 =	smul.u32 $0x27100, s11  }
0x7: {  	s22 =	simm.s32 $0x1;
	s23 =	simm.s32 $0x80;
	s6 =	smul.u32 $0x2710, s0  }
0x8: {  	s24 =	simm.s32 $0x0;
	[smem:$0x7FF] =	sst s4;
	s7 =	smul.u32 $0x280, s0  }
0x9: {  	_ =	strace $0x8000004D;
	s25 =	smul.u32 $0x50000, s0;
	s26 =	ssub.s32 $0x2, s11  }
0xa: {  	p0 =	seq.s32 s11, $0x1;
	s31 =	smul.u32 $0x2800, s0;
	s8 =	sshrl.u32 s26, $0x1  }
0xb: {  	s18 =	simm.s32 @!p0 $0x16600;
	s5 =	sadd.s32 s6, s5;
	s12 =	sadd.s32 $0x80, s7  }
0xc: {  	s6 =	sshrl.u32 s25, $0x2;
	s13 =	ssub.s32 s26, s8;
	s14 =	sadd.s32 $0x100, s7  }
0xd: {  	s15 =	sadd.s32 $0x180, s7;
	s16 =	sadd.s32 $0x200, s7;
	s18 =	sadd.s32 s18, s10  }
0xe: {  	s5 =	sshrl.u32 s5, $0x3;
	s9 =	sshll.u32 s12, $0x7;
	s28 =	sshll.u32 s14, $0x7  }
0xf: {  	s29 =	sshll.u32 s15, $0x7;
	s30 =	sshll.u32 s16, $0x7;
	s12 =	sshll.u32 s12, $0x4  }
0x10: {  	s14 =	sshll.u32 s14, $0x4;
	s15 =	sshll.u32 s15, $0x4;
	s16 =	sshll.u32 s16, $0x4  }
0x11: {  	s11 =	sadd.s32 s18, s31;
	s17 =	sadd.s32 s5, s10;
	s5 =	sadd.s32 s6, s3  }
0x12: {  	s6 =	sadd.s32 s9, s3;
	s7 =	sadd.s32 s28, s3;
	s8 =	sadd.s32 s29, s3  }
0x13: {  	s9 =	sadd.s32 s30, s3;
	s10 =	smax.u32 s13, $0x1;
	s12 =	sadd.s32 s18, s12  }
0x14: {  	s13 =	sadd.s32 s18, s14;
	s14 =	sadd.s32 s18, s15;
	s15 =	sadd.s32 s18, s16  }
0x15: {  	v0 =	vimm.f32 $0.0e+00;
	s18 =	simm.s32 $0x2900;
	s16 =	sadd.s32 $0xC800, s17;
	s17 =	sadd.s32 $0x2A00, s17  }
.LBB2_1:
0x16: {  	s25 =	simm.s32 $0x0;
	s26 =	simm.s32 $0x200  }
.LBB2_2:
0x17: {  	p0 =	sne.s32 s26, $0xFE00;
	[tilespmem:s25+$0x2970] =	vst v0  }
0x18: {  	[tilespmem:s25+$0x2900] =	vst v0  }
0x19: {  	[tilespmem:s25+$0x2910] =	vst v0  }
.Ltmp0:
0x1a: {  	[tilespmem:s25+$0x2920] =	vst v0;
	(pc) =	sbr.rel @p0 .LBB2_2-.Ltmp0, $4  }
0x1b: {  	[tilespmem:s25+$0x2930] =	vst v0  }
0x1c: {  	[tilespmem:s25+$0x2940] =	vst v0  }
0x1d: {  	[tilespmem:s25+$0x2950] =	vst v0  }
0x1e: {  	[tilespmem:s25+$0x2960] =	vst v0;
	s25 =	sshra.s32 s26, $0x2;
	s26 =	sadd.s32 $0x200, s26  }
0x1f: {  	[tilespmem:s25+$0x2970] =	vst v0  }
0x20: {  	[tilespmem:s25+$0x2900] =	vst v0  }
0x21: {  	[tilespmem:s25+$0x2910] =	vst v0  }
0x22: {  	[tilespmem:s25+$0x2920] =	vst v0  }
0x23: {  	[tilespmem:s25+$0x2930] =	vst v0  }
0x24: {  	[tilespmem:s25+$0x2940] =	vst v0  }
0x25: {  	[tilespmem:s25+$0x2950] =	vst v0  }
0x26: {  	[tilespmem:s25+$0x2960] =	vst v0  }
0x27: {  	[spmem:s5] =	stream.linear.scatter [tilespmem:s18], [sflag:$0x2], $0x4000, $0x38;
	[tilespmem:$0x1A900] =	vst v63  }
0x28: {  	_ =	swait.ge [sflag:s19], $0x4000  }
0x29: {  	[sflag:s19] =	ssyncset.done $0x0  }
0x2a: {  	[sflag:s19] =	ssyncadd.s32 $0xFFFFC000  }
0x2b: {  	[spmem:s6] =	stream.linear.scatter [tilespmem:s18], [sflag:$0x2], $0x4000, $0x38;
	[tilespmem:$0x1A900] =	vst v63  }
0x2c: {  	_ =	swait.ge [sflag:s19], $0x4000  }
0x2d: {  	[sflag:s19] =	ssyncset.done $0x0  }
0x2e: {  	[sflag:s19] =	ssyncadd.s32 $0xFFFFC000  }
0x2f: {  	[spmem:s7] =	stream.linear.scatter [tilespmem:s18], [sflag:$0x2], $0x4000, $0x38;
	[tilespmem:$0x1A900] =	vst v63  }
0x30: {  	_ =	swait.ge [sflag:s19], $0x4000  }
0x31: {  	[sflag:s19] =	ssyncset.done $0x0  }
0x32: {  	[sflag:s19] =	ssyncadd.s32 $0xFFFFC000  }
0x33: {  	[spmem:s8] =	stream.linear.scatter [tilespmem:s18], [sflag:$0x2], $0x4000, $0x38;
	[tilespmem:$0x1A900] =	vst v63  }
0x34: {  	_ =	swait.ge [sflag:s19], $0x4000  }
0x35: {  	[sflag:s19] =	ssyncset.done $0x0  }
0x36: {  	[sflag:s19] =	ssyncadd.s32 $0xFFFFC000  }
0x37: {  	[spmem:s9] =	stream.linear.scatter [tilespmem:s18], [sflag:$0x2], $0x4000, $0x38;
	[tilespmem:$0x1A900] =	vst v63  }
0x38: {  	_ =	swait.ge [sflag:s19], $0x4000  }
0x39: {  	[sflag:s19] =	ssyncset.done $0x0  }
0x3a: {  	[sflag:s19] =	ssyncadd.s32 $0xFFFFC000  }
0x3b: {  	s30 =	sadd.s32 $0x0, s17;
	[bflag:$0x0] =	sbarrier.arrive $0xFFFF  }
0x3c: {  	[tilespmem:s4], [sflag:$0x2] =	stream.linear.gather [hbm4b:s30+s4], $0x50, $0x38;
	[tilespmem:$0x1A900] =	vst v63  }
0x3d: {  	_ =	swait.ge [sflag:s19], $0x50  }
0x3e: {  	[sflag:s19] =	ssyncset.done $0x0  }
0x3f: {  	[sflag:s19] =	ssyncadd.s32 $0xFFFFFFB0  }
0x40: {  	[tilespmem:s21], [sflag:$0x1] =	stream.indirect.gather [hbm4b:s1+s20], $0x80, s4, s20, $0xb8;
	[tilespmem:$0x1A900] =	vst v63  }
0x41: {  	_ =	swait.ge [sflag:s22], $0x2800  }
0x42: {  	[sflag:s22] =	ssyncset.done $0x0  }
0x43: {  	s31 =	sadd.s32 $0x0, s16;
	[sflag:s22] =	ssyncadd.s32 $0xFFFFD800  }
0x44: {  	[tilespmem:s23], [sflag:$0x2] =	stream.linear.gather [hbm4b:s31+s4], $0x50, $0x38;
	[tilespmem:$0x1A900] =	vst v63  }
0x45: {  	_ =	swait.ge [sflag:s19], $0x50  }
0x46: {  	[sflag:s19] =	ssyncset.done $0x0  }
0x47: {  	[sflag:s19] =	ssyncadd.s32 $0xFFFFFFB0  }
0x48: {  	[spmem:s3] =	stream.indirect.scatter.add.f32 [tilespmem:s21], [sflag:$0x2], $0x80, s23, s20, $0xb8;
	[tilespmem:$0x1A900] =	vst v63  }
0x49: {  	_ =	swait.ge [sflag:s19], $0x2800  }
0x4a: {  	s25 =	simm.s32 $0xA;
	s26 =	simm.s32 $0x14;
	[sflag:s19] =	ssyncset.done $0x0  }
.LBB2_4:
0x4b: {  	s28 =	sadd.s32 s25, s17  }
0x4c: {  	[sflag:s19] =	ssyncadd.s32 $0xFFFFD800;
	s29 =	smov.u32 s26;
	s30 =	sadd.s32 $0xA, s26  }
0x4d: {  	[tilespmem:s4], [sflag:$0x2] =	stream.linear.gather [hbm4b:s28+s4], $0x50, $0x38;
	[tilespmem:$0x1A900] =	vst v63  }
0x4e: {  	p0 =	sne.s32 s26, $0x4D8;
	_ =	swait.ge [sflag:s19], $0x50  }
0x4f: {  	[sflag:s19] =	ssyncset.done $0x0  }
0x50: {  	[sflag:s19] =	ssyncadd.s32 $0xFFFFFFB0  }
0x51: {  	[tilespmem:s21], [sflag:$0x1] =	stream.indirect.gather [hbm4b:s1+s20], $0x80, s4, s20, $0xb8;
	[tilespmem:$0x1A900] =	vst v63  }
0x52: {  	_ =	swait.ge [sflag:s22], $0x2800  }
0x53: {  	[sflag:s22] =	ssyncset.done $0x0  }
0x54: {  	s26 =	sadd.s32 s25, s16;
	s25 =	smov.u32 s29;
	[sflag:s22] =	ssyncadd.s32 $0xFFFFD800  }
0x55: {  	[tilespmem:s23], [sflag:$0x2] =	stream.linear.gather [hbm4b:s26+s4], $0x50, $0x38;
	[tilespmem:$0x1A900] =	vst v63  }
0x56: {  	_ =	swait.ge [sflag:s19], $0x50  }
.Ltmp1:
0x57: {  	[sflag:s19] =	ssyncset.done $0x0;
	(pc) =	sbr.rel @p0 .LBB2_4-.Ltmp1, $4  }
0x58: {  	[sflag:s19] =	ssyncadd.s32 $0xFFFFFFB0  }
0x59: {  	[spmem:s3] =	stream.indirect.scatter.add.f32 [tilespmem:s21], [sflag:$0x2], $0x80, s23, s20, $0xb8;
	[tilespmem:$0x1A900] =	vst v63  }
0x5a: {  	_ =	swait.ge [sflag:s19], $0x2800  }
0x5b: {  	s26 =	smov.u32 s30;
	[sflag:s19] =	ssyncset.done $0x0  }
0x5c: {  	s26 =	sadd.s32 s25, s17;
	[sflag:s19] =	ssyncadd.s32 $0xFFFFD800  }
0x5d: {  	[tilespmem:s4], [sflag:$0x2] =	stream.linear.gather [hbm4b:s26+s4], $0x50, $0x38;
	[tilespmem:$0x1A900] =	vst v63  }
0x5e: {  	_ =	swait.ge [sflag:s19], $0x50  }
0x5f: {  	[sflag:s19] =	ssyncset.done $0x0  }
0x60: {  	[sflag:s19] =	ssyncadd.s32 $0xFFFFFFB0  }
0x61: {  	[tilespmem:s21], [sflag:$0x1] =	stream.indirect.gather [hbm4b:s1+s20], $0x80, s4, s20, $0xb8;
	[tilespmem:$0x1A900] =	vst v63  }
0x62: {  	_ =	swait.ge [sflag:s22], $0x2800  }
0x63: {  	[sflag:s22] =	ssyncset.done $0x0  }
0x64: {  	s29 =	sadd.s32 s25, s16;
	[sflag:s22] =	ssyncadd.s32 $0xFFFFD800  }
0x65: {  	[tilespmem:s23], [sflag:$0x2] =	stream.linear.gather [hbm4b:s29+s4], $0x50, $0x38;
	[tilespmem:$0x1A900] =	vst v63  }
0x66: {  	_ =	swait.ge [sflag:s19], $0x50  }
0x67: {  	[sflag:s19] =	ssyncset.done $0x0  }
0x68: {  	[sflag:s19] =	ssyncadd.s32 $0xFFFFFFB0  }
0x69: {  	[spmem:s3] =	stream.indirect.scatter.add.f32 [tilespmem:s21], [sflag:$0x2], $0x80, s23, s20, $0xb8;
	[tilespmem:$0x1A900] =	vst v63  }
0x6a: {  	_ =	swait.ge [sflag:s19], $0x2800  }
0x6b: {  	[sflag:s19] =	ssyncset.done $0x0  }
0x6c: {  	s30 =	sshll.u32 s0, $0x6;
	[sflag:s19] =	ssyncadd.s32 $0xFFFFD800  }
0x6d: {  	s31 =	sshrl.u32 s5, $0x3;
	s25 =	sor.u32 $0x1C02, s30;
	[bflag:$0x0] =	sbarrier.arrive $0xFFFF  }
0x6e: {  	[hbm:s11], [sflag:s25] =	dma.local [spmem:s31], $0x800  }
0x6f: {  	_ =	swait.ge [sflag:s19], $0x800  }
0x70: {  	[sflag:s19] =	ssyncset.done $0x0  }
0x71: {  	s28 =	sshrl.u32 s6, $0x3;
	[sflag:s19] =	ssyncadd.s32 $0xFFFFF800  }
0x72: {  	[hbm:s12], [sflag:s25] =	dma.local [spmem:s28], $0x800  }
0x73: {  	_ =	swait.ge [sflag:s19], $0x800  }
0x74: {  	[sflag:s19] =	ssyncset.done $0x0  }
0x75: {  	s29 =	sshrl.u32 s7, $0x3;
	[sflag:s19] =	ssyncadd.s32 $0xFFFFF800  }
0x76: {  	[hbm:s13], [sflag:s25] =	dma.local [spmem:s29], $0x800  }
0x77: {  	_ =	swait.ge [sflag:s19], $0x800  }
0x78: {  	[sflag:s19] =	ssyncset.done $0x0  }
0x79: {  	s30 =	sshrl.u32 s8, $0x3;
	[sflag:s19] =	ssyncadd.s32 $0xFFFFF800  }
0x7a: {  	[hbm:s14], [sflag:s25] =	dma.local [spmem:s30], $0x800  }
0x7b: {  	s24 =	sadd.s32 $0x1, s24;
	_ =	swait.ge [sflag:s19], $0x800  }
0x7c: {  	p0 =	sne.s32 s24, s10;
	[sflag:s19] =	ssyncset.done $0x0  }
.Ltmp2:
0x7d: {  	s31 =	sshrl.u32 s9, $0x3;
	[sflag:s19] =	ssyncadd.s32 $0xFFFFF800;
	(pc) =	sbr.rel @p0 .LBB2_1-.Ltmp2, $4  }
0x7e: {  	[hbm:s15], [sflag:s25] =	dma.local [spmem:s31], $0x800  }
0x7f: {  	_ =	swait.ge [sflag:s19], $0x800  }
0x80: {  	[sflag:s19] =	ssyncset.done $0x0  }
0x81: {  	[sflag:s19] =	ssyncadd.s32 $0xFFFFF800  }
0x82: {  	_ =	sfence.sel $0x180000  }
0x83: {  	[bflag:$0x0] =	sbarrier.arrive $0xFFFF  }
0x84: {  	p0 =	sne.s32 s0, $0x0;
	_ =	strace $0x9000004D  }
0x85: {  	s0 =	sadd.s32 @!p0 $0x100000, s2;
	[bflag:$0x2] =	sbarrier.arrive $0xFFFF  }
0x86: {  	[sflag:s0] =	ssyncadd.tile.s32 @!p0 $0x1;
	_ =	shalt  }
.Lfunc_end2:
_tile_overlayer_lowered:
.L_overlay_start_2:
0x87: {  	(tag) =	ssettag $0x2  }
0x88: {  	s0 =	rddreg [dreg:$0x0];
	s2 =	stileid.u32  }
0x89: {  	s1 =	rddreg [dreg:$0x1];
	p0 =	sne.s32 s2, $0x0  }
0x8a: {  	s3 =	rddreg [dreg:$0x2];
	[bflag:$0x3] =	sbarrier.arrive $0xFFFF;
	s2 =	simm.s32 @!p0 $0x1C02  }
0x8b: {  	[timem:s3], [sflag:s2] =	dma.local @!p0 [hbm:s0], s1  }
0x8c: {  	s0 =	simm.s32 @!p0 $0x2  }
0x8d: {  	_ =	swait.ge @!p0 [sflag:s0], s1  }
0x8e: {  	s1 =	ssub.s32 @!p0 $0x0, s1;
	[sflag:s0] =	ssyncset.done @!p0 $0x0  }
0x8f: {  	[sflag:s0] =	ssyncadd.s32 @!p0 s1  }
0x90: {  	[bflag:$0x3] =	sbarrier.arrive $0xFFFF  }
0x91: {  	_ =	shalt  }

// kernel: kernel.8.cloned.1.call-start
scs
__scs_entry_jumppad:
0x0: {  	(pc) =	sbr.rel $0x88, $3  }
0x1: {  	(tag) =	ssettag $0x0;
	lr =	simm.s32 $0x1  }
0x2: {  	[smem:$0x3F9B] =	sst lr;
	_ =	strace $0xD0000000  }
0x3: {  	_ = 	snop  }
0x4: {  	_ = 	snop  }
0x5: {  	_ = 	snop  }
0x6: {  	_ = 	snop  }
0x7: {  	_ = 	snop  }
__scs_overlays_trampoline_lowered:
0x8: {  	[smem:$0x3FAA] =	sst s0  }
0x9: {  	[smem:$0x3FAB] =	sst s1  }
0xa: {  	[smem:$0x3FAC] =	sst s2  }
0xb: {  	[smem:$0x3FAD] =	sst s3  }
0xc: {  	[smem:$0x3FAE] =	sst s4  }
0xd: {  	[smem:$0x3FAF] =	sst s5  }
0xe: {  	[smem:$0x3FB0] =	sst s6  }
0xf: {  	[smem:$0x3FB1] =	sst s7  }
0x10: {  	[smem:$0x3FB2] =	sst s8  }
0x11: {  	[smem:$0x3FB3] =	sst s9;
	s0 =	simm.s32 @!p0 $0x0  }
0x12: {  	s1 =	sld [smem:$0x3F99];
	s0 =	simm.s32 @p0 $0x1  }
0x13: {  	[smem:$0x3FB4] =	sst s0;
	s0 =	simm.s32 @!p1 $0x0  }
0x14: {  	s2 =	sld [smem:$0x3F98];
	s0 =	simm.s32 @p1 $0x1  }
0x15: {  	[smem:$0x3FB5] =	sst s0;
	s0 =	simm.s32 @!p2 $0x0  }
0x16: {  	s3 =	sld [smem:$0x3FDB];
	s0 =	simm.s32 @p2 $0x1  }
0x17: {  	s4 =	simm.s32 $0x1BF5;
	[smem:$0x3FB7] =	sst s0  }
0x18: {  	s0 =	sld [smem:$0x3F9A];
	_ =	swait.ge [sflag:s4], $0x0  }
0x19: {  	s7 =	sld [smem:$0x3F9B]  }
0x1a: {  	s8 =	sadd.s32 $0xFFFFE003, lr  }
0x1b: {  	s9 =	sadd.s32 $0xFFFFFEF7, lr;
	s5 =	simm.s32 $0xFFFFFFFF;
	p2 =	slt.u32 s8, $0xFFFFF086  }
0x1c: {  	p1 =	slt.u32 s9, $0xF7A;
	s5 =	simm.s32 @!p2 $0x0  }
0x1d: {  	s5 =	simm.s32 @p1 $0x1;
	p0 =	seq.s32 s7, s2  }
0x1e: {  	s7 =	smul.u32 @!p0 $0xF7A, s2;
	p2 =	seq.s32 @!p0 s5, $0x0  }
0x1f: {  	s9 =	smul.u32 $0xF7A, s1;
	s8 =	simm.s32 @!p0 $0x1BF5;
	p2 =	por !p2, p0  }
0x20: {  	[sflag:s8] =	ssyncset.s32 @!p0 $0xFFFFF086;
	s6 =	sadd.s32 @!p0 s3, s7;
	s7 =	simm.s32 @!p0 $0x108  }
0x21: {  	s3 =	sadd.s32 s3, s9;
	s6 =	sadd.s32 @!p0 $0x88, s6;
	s7 =	simm.s32 @p2 $0x1082  }
0x22: {  	[simem:s7], [sflag:s8] =	dma.local @!p0 [hbm:s6], $0xF7A  }
0x23: {  	s9 =	sor.u32 $0xD0000000, s2;
	s6 =	simm.s32 $0x108;
	_ =	swait.ge @!p0 [sflag:s8], $0x0  }
0x24: {  	s3 =	sadd.s32 $0x88, s3;
	s6 =	simm.s32 @!p1 $0x1082;
	[sflag:s4] =	ssyncset.s32 $0xFFFFF086  }
0x25: {  	[simem:s6], [sflag:s4] =	dma.local [hbm:s3], $0xF7A  }
0x26: {  	[smem:$0x3F9B] =	sst s1;
	(tag) =	ssettag s2;
	_ =	strace s9  }
0x27: {  	s1 =	sld [smem:$0x3FAB]  }
0x28: {  	s2 =	sld [smem:$0x3FAC]  }
0x29: {  	s4 =	sld [smem:$0x3FAE]  }
0x2a: {  	p0 =	seq.s32 s5, $0x0;
	s5 =	sld [smem:$0x3FAF]  }
0x2b: {  	s6 =	sld [smem:$0x3FB0]  }
0x2c: {  	s7 =	sld [smem:$0x3FB1]  }
0x2d: {  	s3 =	simm.s32 $0x108;
	s8 =	sld [smem:$0x3FB2]  }
0x2e: {  	s3 =	simm.s32 @!p0 $0x1082;
	s9 =	sld [smem:$0x3FB3]  }
0x2f: {  	lr =	sadd.s32 s0, s3;
	s0 =	sld [smem:$0x3FAA]  }
0x30: {  	s3 =	sld [smem:$0x3FAD]  }
0x31: {  	[smem:$0x3FB6] =	sst s10  }
0x32: {  	s10 =	sld [smem:$0x3FB4];
	_ =	sdelay $0x3  }
0x33: {  	p0 =	seq.s32 s10, $0x1;
	s10 =	sld [smem:$0x3FB6];
	_ =	sdelay $0x3  }
0x34: {  	[smem:$0x3FB6] =	sst s10  }
0x35: {  	s10 =	sld [smem:$0x3FB5];
	_ =	sdelay $0x3  }
0x36: {  	p1 =	seq.s32 s10, $0x1;
	s10 =	sld [smem:$0x3FB6];
	_ =	sdelay $0x3  }
0x37: {  	[smem:$0x3FB6] =	sst s10  }
0x38: {  	s10 =	sld [smem:$0x3FB7]  }
0x39: {  	_ = 	snop;
	(pc) =	sbr.ind lr, $3  }
0x3a: {  	_ = 	snop  }
0x3b: {  	_ = 	snop  }
0x3c: {  	p2 =	seq.s32 s10, $0x1;
	s10 =	sld [smem:$0x3FB6]  }
0x3d: {  	_ =	shalt  }
0x3e: {  	_ =	shalt  }
0x3f: {  	_ =	shalt  }
0x40: {  	_ =	shalt  }
0x41: {  	_ =	shalt  }
0x42: {  	_ =	shalt  }
0x43: {  	_ =	shalt  }
0x44: {  	_ =	shalt  }
0x45: {  	_ =	shalt  }
0x46: {  	_ =	shalt  }
0x47: {  	_ =	shalt  }
0x48: {  	_ =	shalt  }
0x49: {  	_ =	shalt  }
0x4a: {  	_ =	shalt  }
0x4b: {  	_ =	shalt  }
0x4c: {  	_ =	shalt  }
0x4d: {  	_ =	shalt  }
0x4e: {  	_ =	shalt  }
0x4f: {  	_ =	shalt  }
0x50: {  	_ =	shalt  }
0x51: {  	_ =	shalt  }
0x52: {  	_ =	shalt  }
0x53: {  	_ =	shalt  }
0x54: {  	_ =	shalt  }
0x55: {  	_ =	shalt  }
0x56: {  	_ =	shalt  }
0x57: {  	_ =	shalt  }
0x58: {  	_ =	shalt  }
0x59: {  	_ =	shalt  }
0x5a: {  	_ =	shalt  }
0x5b: {  	_ =	shalt  }
0x5c: {  	_ =	shalt  }
0x5d: {  	_ =	shalt  }
0x5e: {  	_ =	shalt  }
0x5f: {  	_ =	shalt  }
0x60: {  	_ =	shalt  }
0x61: {  	_ =	shalt  }
0x62: {  	_ =	shalt  }
0x63: {  	_ =	shalt  }
0x64: {  	_ =	shalt  }
0x65: {  	_ =	shalt  }
0x66: {  	_ =	shalt  }
0x67: {  	_ =	shalt  }
0x68: {  	_ =	shalt  }
0x69: {  	_ =	shalt  }
0x6a: {  	_ =	shalt  }
0x6b: {  	_ =	shalt  }
0x6c: {  	_ =	shalt  }
0x6d: {  	_ =	shalt  }
0x6e: {  	_ =	shalt  }
0x6f: {  	_ =	shalt  }
0x70: {  	_ =	shalt  }
0x71: {  	_ =	shalt  }
0x72: {  	_ =	shalt  }
0x73: {  	_ =	shalt  }
0x74: {  	_ =	shalt  }
0x75: {  	_ =	shalt  }
0x76: {  	_ =	shalt  }
0x77: {  	_ =	shalt  }
0x78: {  	_ =	shalt  }
0x79: {  	_ =	shalt  }
0x7a: {  	_ =	shalt  }
0x7b: {  	_ =	shalt  }
0x7c: {  	_ =	shalt  }
0x7d: {  	_ =	shalt  }
0x7e: {  	_ =	shalt  }
0x7f: {  	_ =	shalt  }
0x80: {  	_ =	shalt  }
0x81: {  	_ =	shalt  }
0x82: {  	_ =	shalt  }
0x83: {  	_ =	shalt  }
0x84: {  	_ =	shalt  }
0x85: {  	_ =	shalt  }
0x86: {  	_ =	shalt  }
0x87: {  	_ =	shalt  }
.Lfunc_end0:
.L_simem_size_0:
called_computation_lowered:
.L_overlay_start_0:
0x88: {  	s2 =	sld [smem:$0x3FD9]  }
0x89: {  	s3 =	sld [smem:$0x3FFE];
	_ =	sdelay $0x1  }
0x8a: {  	s1 =	srdreg.scid  }
0x8b: {  	s0 =	sand.u32 $0x1, s1  }
0x8c: {  	s17 =	sshll.u32 s0, $0xA;
	s2 =	sadd.s32 s3, s2  }
0x8d: {  	s2 =	sadd.s32 s2, s17  }
0x8e: {  	[smem:$0x3FC2] =	sst s2  }
0x8f: {  	_ = 	snop  }
0x90: {  	s2 =	sld [smem:$0x3FD0];
	(tm) =	ssettm $0x1  }
0x91: {  	s18 =	sld [smem:$0x3FFB];
	_ =	sdelay $0x3  }
0x92: {  	_ =	strace s18  }
0x93: {  	s3 =	sld [smem:$0x3FFC];
	_ =	sdelay $0x3  }
0x94: {  	_ =	strace s3  }
0x95: {  	s3 =	sld [smem:$0x3FFD];
	_ =	sdelay $0x3  }
0x96: {  	_ =	strace s3  }
0x97: {  	_ =	strace $0x8FFFFFFF  }
0x98: {  	s19 =	sld [smem:$0x3FDB];
	_ =	sdelay $0x1  }
0x99: {  	s4 =	simm.s32 $_scs_section_size  }
0x9a: {  	s5 =	simm.s32 $_size__tile_overlayer_lowered;
	s6 =	simm.s32 $_tile_overlayer_lowered  }
0x9b: {  	s22 =	simm.s32 $0x1BFF;
	s21 =	sshll.u32 s6, $0x1;
	s3 =	sadd.s32 s4, s19  }
0x9c: {  	s7 =	simm.s32 $0x0;
	s20 =	sshll.u32 s5, $0x1;
	s5 =	sadd.s32 s21, s3  }
0x9d: {  	[timem:s7], [sflag:s22] =	dma.local [hbm:s5], s20  }
0x9e: {  	_ =	swait.ge [sflag:s22], s20  }
0x9f: {  	s4 =	ssub.s32 $0x0, s20;
	[sflag:s22] =	ssyncset.done $0x0  }
0xa0: {  	[sflag:s22] =	ssyncadd.s32 s4;
	_ =	sdelay $0x1  }
0xa1: {  	s23 =	simm.s32 $0x1B8B  }
0xa2: {  	_ =	swait.ge [sflag:s23], $0x1  }
0xa3: {  	[sflag:s23] =	ssyncset.done $0x0  }
0xa4: {  	s25 =	simm.s32 $0x1B8E;
	s24 =	sld [smem:$0x3FFE];
	[sflag:s23] =	ssyncadd.s32 $0xFFFFFFFF  }
0xa5: {  	s26 =	simm.s32 $execute0_lowered;
	[smem:$0x3FD2] =	sst s25  }
0xa6: {  	s5 =	sshll.u32 s26, $0x1;
	_ =	strace $0x80000046;
	[dreg:$0x1] =	wrdreg $0xFFFFFFFF  }
0xa7: {  	s28 =	simm.s32 $_size_execute0_lowered;
	s3 =	sadd.s32 s3, s5;
	[dreg:$0x0] =	wrdreg $0x0  }
0xa8: {  	s5 =	sshll.u32 s28, $0x1;
	[dreg:$0x2] =	wrdreg s3  }
0xa9: {  	[dreg:$0x3] =	wrdreg s5  }
0xaa: {  	[dreg:$0x4] =	wrdreg $0xC0  }
0xab: {  	_ =	task [dreg:s7], $0x5FFFF  }
0xac: {  	[dreg:$0x1] =	wrdreg $0xFFFFFFFF  }
0xad: {  	[dreg:$0x0] =	wrdreg $0x60  }
0xae: {  	[dreg:$0x2] =	wrdreg s24  }
0xaf: {  	[dreg:$0x3] =	wrdreg s2  }
0xb0: {  	[dreg:$0x4] =	wrdreg $0xA1000  }
0xb1: {  	[dreg:$0x5] =	wrdreg $0x9  }
0xb2: {  	_ =	task.clear_ibuf [dreg:s7], $0x6FFFF;
	_ =	strace $0x90000046  }
0xb3: {  	s29 =	simm.s32 $0x9;
	_ =	strace $0x80000048  }
0xb4: {  	_ =	swait.ge [sflag:s29], $0x1  }
0xb5: {  	[sflag:s29] =	ssyncadd.s32 $0xFFFFFFFF  }
0xb6: {  	_ =	strace $0x90000048  }
0xb7: {  	_ =	sfence  }
0xb8: {  	s30 =	sld [smem:$0x0];
	_ =	sdelay $0x2  }
0xb9: {  	s31 =	sshll.u32 s1, $0xD;
	s1 =	sshrl.u32 s1, $0x2  }
0xba: {  	s3 =	sand.u32 $0x4000, s31;
	s1 =	sadd.s32 s1, s30  }
0xbb: {  	s0 =	sor.u32 s3, s0;
	s1 =	sshll.u32 s1, $0x11  }
0xbc: {  	s0 =	sor.u32 s1, s0  }
0xbd: {  	s0 =	sadd.s32 $0x8F2B, s0  }
0xbe: {  	[sflag:s0] =	ssyncadd.remote.s32 $0x1  }
0xbf: {  	_ =	sfence.sel $0xFFFF  }
0xc0: {  	[dreg:$0x0] =	wrdreg $0xFFFFFFFF;
	(pc) =	sbr.abs _section_cstart, $3  }
0xc1: {  	[dreg:$0x1] =	wrdreg $0xFFFFFFFF  }
0xc2: {  	_ =	task.clear_ibuf [dreg:s7], $0x2FFFF;
	_ =	strace $0x9FFFFFFF  }
0xc3: {  	(tm) =	ssettm $0x7FFFFFFF  }
tec
execute0_lowered:
.L_overlay_start_1:
0x0: {  	(tag) =	ssettag $0x1  }
0x1: {  	s0 =	rddreg [dreg:$0x0]  }
0x2: {  	s1 =	rddreg [dreg:$0x1]  }
0x3: {  	s3 =	rddreg [dreg:$0x2];
	s9 =	stileid.u32  }
0x4: {  	s2 =	simm.s32 $0x0;
	s4 =	srdreg.scid;
	s5 =	smul.u32 $0x9C4, s9  }
0x5: {  	s6 =	sand.u32 $0x1, s4;
	s25 =	sshrl.u32 s9, $0x3;
	[smem:$0x7FF] =	sst s2  }
0x6: {  	s8 =	smul.u32 $0x5000, s9;
	s10 =	sshll.u32 s9, $0x7;
	s7 =	ssub.s32 $0x2, s6  }
0x7: {  	s4 =	smul.u32 $0x50000, s25;
	_ =	strace $0x80000047;
	s0 =	sadd.s32 s5, s0  }
0x8: {  	s26 =	sshrl.u32 s7, $0x1;
	s11 =	sshrl.u32 s8, $0x2;
	s0 =	sadd.s32 $0xC800, s0  }
0x9: {  	s5 =	ssub.s32 s7, s26;
	s4 =	sshrl.u32 s4, $0x2;
	[dreg:$0x4] =	wrdreg s0  }
0xa: {  	s0 =	sand.u32 $0x380, s10;
	s12 =	sadd.s32 s4, s3;
	s8 =	smax.u32 s5, $0x1  }
0xb: {  	s4 =	sadd.s32 s11, s3;
	s0 =	sadd.s32 s0, s12;
	[dreg:$0x16] =	wrdreg s8  }
0xc: {  	s13 =	sadd.s32 $0x80, s4;
	[dreg:$0x5] =	wrdreg s0  }
0xd: {  	s14 =	sadd.s32 $0x100, s4;
	[dreg:$0x6] =	wrdreg s13  }
0xe: {  	s15 =	sadd.s32 $0x180, s4;
	[dreg:$0x7] =	wrdreg s14  }
0xf: {  	s16 =	sadd.s32 $0x200, s4;
	[dreg:$0x8] =	wrdreg s15  }
0x10: {  	s17 =	sadd.s32 $0x280, s4;
	[dreg:$0x9] =	wrdreg s16  }
0x11: {  	s18 =	sadd.s32 $0x300, s4;
	[dreg:$0xa] =	wrdreg s17  }
0x12: {  	s19 =	sadd.s32 $0x380, s4;
	[dreg:$0xb] =	wrdreg s18  }
0x13: {  	s20 =	sadd.s32 $0x14000, s4;
	[dreg:$0xc] =	wrdreg s19  }
0x14: {  	s21 =	sadd.s32 $0x14080, s4;
	[dreg:$0xd] =	wrdreg s20  }
0x15: {  	s22 =	sadd.s32 $0x14100, s4;
	[dreg:$0xe] =	wrdreg s21  }
0x16: {  	s3 =	sadd.s32 $0x14180, s4;
	[dreg:$0xf] =	wrdreg s22  }
0x17: {  	s24 =	sadd.s32 $0x14200, s4;
	[dreg:$0x10] =	wrdreg s3  }
0x18: {  	s25 =	sadd.s32 $0x14280, s4;
	[dreg:$0x11] =	wrdreg s24  }
0x19: {  	s26 =	sadd.s32 $0x14300, s4;
	[dreg:$0x12] =	wrdreg s25  }
0x1a: {  	s7 =	sadd.s32 $0x14380, s4;
	[dreg:$0x13] =	wrdreg s26  }
0x1b: {  	s23 =	smul.u32 $0x50, s9;
	s9 =	sadd.s32 $0x400, s4;
	[dreg:$0x14] =	wrdreg s7  }
0x1c: {  	s10 =	sadd.s32 $0x800, s4;
	[dreg:$0x17] =	wrdreg s9  }
0x1d: {  	s11 =	sadd.s32 $0xC00, s4;
	[dreg:$0x18] =	wrdreg s10  }
0x1e: {  	s12 =	sadd.s32 $0x1000, s4;
	[dreg:$0x19] =	wrdreg s11  }
0x1f: {  	s5 =	sadd.s32 $0x680, s4;
	[dreg:$0x1a] =	wrdreg s12  }
0x20: {  	p0 =	sne.s32 s6, $0x0;
	s6 =	sadd.s32 $0xA80, s4;
	[smem:$0x7E8] =	sst s5  }
0x21: {  	s8 =	sadd.s32 $0x1280, s4;
	[smem:$0x7E9] =	sst s6  }
0x22: {  	s0 =	sadd.s32 s1, s23;
	[smem:$0x7EB] =	sst s8  }
0x23: {  	s13 =	sadd.s32 $0x480, s4;
	[dreg:$0x15] =	wrdreg s0  }
0x24: {  	s14 =	sadd.s32 $0x880, s4;
	[dreg:$0x1b] =	wrdreg s13  }
0x25: {  	s15 =	sadd.s32 $0xC80, s4;
	[dreg:$0x1c] =	wrdreg s14  }
0x26: {  	s16 =	sadd.s32 $0x1080, s4;
	[dreg:$0x1d] =	wrdreg s15  }
0x27: {  	s17 =	sadd.s32 $0x500, s4;
	[dreg:$0x1e] =	wrdreg s16  }
0x28: {  	s18 =	sadd.s32 $0x900, s4;
	[dreg:$0x1f] =	wrdreg s17  }
0x29: {  	s19 =	sadd.s32 $0xD00, s4;
	[smem:$0x7DD] =	sst s18  }
0x2a: {  	s20 =	sadd.s32 $0x1100, s4;
	[smem:$0x7DE] =	sst s19  }
0x2b: {  	s21 =	sadd.s32 $0x580, s4;
	[smem:$0x7DF] =	sst s20  }
0x2c: {  	s22 =	sadd.s32 $0x980, s4;
	[smem:$0x7E0] =	sst s21  }
0x2d: {  	s23 =	sadd.s32 $0xD80, s4;
	[smem:$0x7E1] =	sst s22  }
0x2e: {  	s24 =	sadd.s32 $0x1180, s4;
	[smem:$0x7E2] =	sst s23  }
0x2f: {  	s25 =	sadd.s32 $0x600, s4;
	[smem:$0x7E3] =	sst s24  }
0x30: {  	s26 =	sadd.s32 $0xA00, s4;
	[smem:$0x7E4] =	sst s25  }
0x31: {  	s1 =	sadd.s32 $0xE00, s4;
	[smem:$0x7E5] =	sst s26  }
0x32: {  	s3 =	sadd.s32 $0x1200, s4;
	[smem:$0x7E6] =	sst s1  }
0x33: {  	s7 =	sadd.s32 $0xE80, s4;
	[smem:$0x7E7] =	sst s3  }
0x34: {  	s9 =	sadd.s32 $0x700, s4;
	[smem:$0x7EA] =	sst s7  }
0x35: {  	s10 =	sadd.s32 $0xB00, s4;
	[smem:$0x7EC] =	sst s9  }
0x36: {  	s11 =	sadd.s32 $0xF00, s4;
	[smem:$0x7ED] =	sst s10  }
0x37: {  	s12 =	sadd.s32 $0x1300, s4;
	[smem:$0x7EE] =	sst s11  }
0x38: {  	[smem:$0x7EF] =	sst s12;
	s13 =	sadd.s32 $0x780, s4  }
0x39: {  	s14 =	sadd.s32 $0xB80, s4;
	[smem:$0x7F0] =	sst s13  }
0x3a: {  	s15 =	sadd.s32 $0xF80, s4;
	[smem:$0x7F1] =	sst s14  }
0x3b: {  	s16 =	sadd.s32 $0x1380, s4;
	[smem:$0x7F2] =	sst s15  }
0x3c: {  	s30 =	simm.s32 $0x1;
	s17 =	sadd.s32 $0x14400, s4;
	[smem:$0x7F3] =	sst s16  }
0x3d: {  	s31 =	simm.s32 $0x4E80;
	s18 =	sadd.s32 $0x14800, s4;
	[smem:$0x7F4] =	sst s17  }
0x3e: {  	s28 =	sadd.s32 $0x14F80, s4;
	s19 =	sadd.s32 $0x14C00, s4;
	[smem:$0x7F5] =	sst s18  }
0x3f: {  	s29 =	sadd.s32 $0x15380, s4;
	s20 =	sadd.s32 $0x15000, s4;
	[smem:$0x7F6] =	sst s19  }
0x40: {  	s8 =	sadd.s32 $0x15100, s4;
	s21 =	sadd.s32 $0x14480, s4;
	[smem:$0x7F7] =	sst s20  }
0x41: {  	s22 =	sadd.s32 $0x14880, s4;
	s23 =	sadd.s32 $0x14C80, s4;
	[smem:$0x7F8] =	sst s21  }
0x42: {  	s24 =	sadd.s32 $0x15080, s4;
	s25 =	sadd.s32 $0x14500, s4;
	[smem:$0x7F9] =	sst s22  }
0x43: {  	s26 =	sadd.s32 $0x14900, s4;
	s7 =	sadd.s32 $0x14D00, s4;
	[smem:$0x7FA] =	sst s23  }
0x44: {  	s9 =	sadd.s32 $0x14580, s4;
	s10 =	sadd.s32 $0x14980, s4;
	[smem:$0x7FB] =	sst s24  }
0x45: {  	s11 =	sadd.s32 $0x14D80, s4;
	s12 =	sadd.s32 $0x15180, s4;
	[smem:$0x7FC] =	sst s25  }
0x46: {  	[smem:$0x7FD] =	sst s26;
	s13 =	sadd.s32 $0x14600, s4;
	s14 =	sadd.s32 $0x14A00, s4  }
0x47: {  	s15 =	sadd.s32 $0x14E00, s4;
	s16 =	sadd.s32 $0x15200, s4;
	s17 =	sadd.s32 $0x14680, s4  }
0x48: {  	s18 =	sadd.s32 $0x14A80, s4;
	s19 =	sadd.s32 $0x14E80, s4;
	s20 =	sadd.s32 $0x15280, s4  }
0x49: {  	s21 =	sadd.s32 $0x14700, s4;
	s22 =	sadd.s32 $0x14B00, s4;
	s23 =	sadd.s32 $0x14F00, s4  }
0x4a: {  	v0 =	vimm.f32 $0.0e+00;
	v1 =	vimm.f32 $1.000000000e+00;
	s24 =	sadd.s32 $0x15300, s4;
	s25 =	sadd.s32 $0x14780, s4;
	s26 =	sadd.s32 $0x14B80, s4  }
.LBB2_1:
0x4b: {  	s0 =	simm.s32 $0x40;
	s1 =	simm.s32 $0x0  }
.LBB2_2:
0x4c: {  	p1 =	sne.s32 s0, $0x9FC0;
	[tilespmem:s1+$0x4E80] =	vst v0;
	s1 =	smov.u32 s0;
	s0 =	sadd.s32 $0x40, s0  }
.Ltmp0:
0x4d: {  	(pc) =	sbr.rel @p1 .LBB2_2-.Ltmp0, $2  }
0x4e: {  	_ =	sdelay $0x2  }
0x4f: {  	s1 =	sshra.s32 s1, $0x2  }
0x50: {  	[tilespmem:s1+$0x4E80] =	vst v0;
	s0 =	simm.s32 $0x0;
	s6 =	rddreg [dreg:$0x4]  }
0x51: {  	[tilespmem:s0], [sflag:$0x1] =	stream.linear.gather [hbm4b:s6+s0], $0x4E20, $0x38;
	[tilespmem:$0xC900] =	vst v63  }
0x52: {  	_ =	swait.ge [sflag:s30], $0x4E20  }
0x53: {  	[sflag:s30] =	ssyncset.done $0x0  }
0x54: {  	s1 =	simm.s32 $0x0;
	s0 =	simm.s32 $0x40;
	[sflag:s30] =	ssyncadd.s32 $0xFFFFB1E0  }
.LBB2_4:
0x55: {  	p1 =	sne.s32 s0, $0x13840;
	v2 =	vld [tilespmem:s1+$0x0];
	_ =	sdelay $0x3  }
.Ltmp1:
0x56: {  	(pc) =	sbr.rel @p1 .LBB2_4-.Ltmp1, $2  }
0x57: {  	_ =	sdelay $0x2  }
0x58: {  	s1 =	sshra.s32 s0, $0x2;
	s0 =	sadd.s32 $0x40, s0;
	[tilespmem:v2+s31+$0x0] =	vst.idx.add.f32.msk $0xffff, v1  }
0x59: {  	v2 =	vld [tilespmem:s1+$0x0];
	_ =	sdelay $0x7  }
0x5a: {  	s0 =	rddreg [dreg:$0x5];
	s5 =	simm.s32 $0x80;
	s3 =	simm.s32 $0x400;
	[tilespmem:v2+s31+$0x0] =	vst.idx.add.f32.msk $0xffff, v1  }
0x5b: {  	[spmem:s0] =	stream.strided.scatter [tilespmem:s31], [sflag:$0x1], $0x2800, s3, s5, $0x38;
	[tilespmem:$0xC900] =	vst v63  }
0x5c: {  	_ =	swait.ge [sflag:s30], $0x2800  }
0x5d: {  	[sflag:s30] =	ssyncset.done $0x0  }
0x5e: {  	[sflag:s30] =	ssyncadd.s32 $0xFFFFD800  }
0x5f: {  	s6 =	simm.s32 $0x7680;
	[bflag:$0x0] =	sbarrier.arrive $0xFFFF  }
0x60: {  	[tilespmem:s6], [sflag:$0x1] =	stream.linear.gather [spmem:s4], $0x80, $0x38;
	[tilespmem:$0xC900] =	vst v63  }
0x61: {  	s3 =	simm.s32 $0x7A80;
	s1 =	rddreg [dreg:$0x17]  }
0x62: {  	[tilespmem:s3], [sflag:$0x1] =	stream.linear.gather [spmem:s1], $0x80, $0x38;
	[tilespmem:$0xC900] =	vst v63  }
0x63: {  	s5 =	rddreg [dreg:$0x18];
	s6 =	simm.s32 $0x7E80  }
0x64: {  	[tilespmem:s6], [sflag:$0x1] =	stream.linear.gather [spmem:s5], $0x80, $0x38;
	[tilespmem:$0xC900] =	vst v63  }
0x65: {  	s1 =	rddreg [dreg:$0x19];
	s3 =	simm.s32 $0x8280  }
0x66: {  	[tilespmem:s3], [sflag:$0x1] =	stream.linear.gather [spmem:s1], $0x80, $0x38;
	[tilespmem:$0xC900] =	vst v63  }
0x67: {  	s5 =	rddreg [dreg:$0x1a];
	s6 =	simm.s32 $0x8680  }
0x68: {  	[tilespmem:s6], [sflag:$0x1] =	stream.linear.gather [spmem:s5], $0x80, $0x38;
	[tilespmem:$0xC900] =	vst v63  }
0x69: {  	_ =	swait.ge [sflag:s30], $0x280  }
0x6a: {  	[sflag:s30] =	ssyncset.done $0x0  }
0x6b: {  	s3 =	simm.s32 $0x7700;
	s1 =	rddreg [dreg:$0x6];
	[sflag:s30] =	ssyncadd.s32 $0xFFFFFD80  }
0x6c: {  	[tilespmem:s3], [sflag:$0x1] =	stream.linear.gather [spmem:s1], $0x80, $0x38;
	[tilespmem:$0xC900] =	vst v63  }
0x6d: {  	s6 =	simm.s32 $0x7B00;
	s5 =	rddreg [dreg:$0x1b]  }
0x6e: {  	[tilespmem:s6], [sflag:$0x1] =	stream.linear.gather [spmem:s5], $0x80, $0x38;
	[tilespmem:$0xC900] =	vst v63  }
0x6f: {  	s1 =	rddreg [dreg:$0x1c];
	s3 =	simm.s32 $0x7F00  }
0x70: {  	[tilespmem:s3], [sflag:$0x1] =	stream.linear.gather [spmem:s1], $0x80, $0x38;
	[tilespmem:$0xC900] =	vst v63  }
0x71: {  	s5 =	rddreg [dreg:$0x1d];
	s6 =	simm.s32 $0x8300  }
0x72: {  	[tilespmem:s6], [sflag:$0x1] =	stream.linear.gather [spmem:s5], $0x80, $0x38;
	[tilespmem:$0xC900] =	vst v63  }
0x73: {  	s1 =	rddreg [dreg:$0x1e];
	s3 =	simm.s32 $0x8700  }
0x74: {  	[tilespmem:s3], [sflag:$0x1] =	stream.linear.gather [spmem:s1], $0x80, $0x38;
	[tilespmem:$0xC900] =	vst v63  }
0x75: {  	_ =	swait.ge [sflag:s30], $0x280  }
0x76: {  	[sflag:s30] =	ssyncset.done $0x0;
	s5 =	rddreg [dreg:$0x7]  }
0x77: {  	s6 =	simm.s32 $0x7780;
	s1 =	rddreg [dreg:$0x1f];
	[sflag:s30] =	ssyncadd.s32 $0xFFFFFD80  }
0x78: {  	[tilespmem:s6], [sflag:$0x1] =	stream.linear.gather [spmem:s5], $0x80, $0x38;
	[tilespmem:$0xC900] =	vst v63  }
0x79: {  	s3 =	simm.s32 $0x7B80;
	s5 =	sld [smem:$0x7DD]  }
0x7a: {  	[tilespmem:s3], [sflag:$0x1] =	stream.linear.gather [spmem:s1], $0x80, $0x38;
	[tilespmem:$0xC900] =	vst v63  }
0x7b: {  	s6 =	simm.s32 $0x7F80;
	s1 =	sld [smem:$0x7DE]  }
0x7c: {  	[tilespmem:s6], [sflag:$0x1] =	stream.linear.gather [spmem:s5], $0x80, $0x38;
	[tilespmem:$0xC900] =	vst v63  }
0x7d: {  	s3 =	simm.s32 $0x8380;
	s5 =	sld [smem:$0x7DF]  }
0x7e: {  	[tilespmem:s3], [sflag:$0x1] =	stream.linear.gather [spmem:s1], $0x80, $0x38;
	[tilespmem:$0xC900] =	vst v63  }
0x7f: {  	s6 =	simm.s32 $0x8780  }
0x80: {  	[tilespmem:s6], [sflag:$0x1] =	stream.linear.gather [spmem:s5], $0x80, $0x38;
	[tilespmem:$0xC900] =	vst v63  }
0x81: {  	_ =	swait.ge [sflag:s30], $0x280  }
0x82: {  	[sflag:s30] =	ssyncset.done $0x0;
	s1 =	rddreg [dreg:$0x8]  }
0x83: {  	s3 =	simm.s32 $0x7800;
	s5 =	sld [smem:$0x7E0];
	[sflag:s30] =	ssyncadd.s32 $0xFFFFFD80  }
0x84: {  	[tilespmem:s3], [sflag:$0x1] =	stream.linear.gather [spmem:s1], $0x80, $0x38;
	[tilespmem:$0xC900] =	vst v63  }
0x85: {  	s6 =	simm.s32 $0x7C00;
	s1 =	sld [smem:$0x7E1]  }
0x86: {  	[tilespmem:s6], [sflag:$0x1] =	stream.linear.gather [spmem:s5], $0x80, $0x38;
	[tilespmem:$0xC900] =	vst v63  }
0x87: {  	s3 =	simm.s32 $0x8000;
	s5 =	sld [smem:$0x7E2]  }
0x88: {  	[tilespmem:s3], [sflag:$0x1] =	stream.linear.gather [spmem:s1], $0x80, $0x38;
	[tilespmem:$0xC900] =	vst v63  }
0x89: {  	s6 =	simm.s32 $0x8400;
	s1 =	sld [smem:$0x7E3]  }
0x8a: {  	[tilespmem:s6], [sflag:$0x1] =	stream.linear.gather [spmem:s5], $0x80, $0x38;
	[tilespmem:$0xC900] =	vst v63  }
0x8b: {  	s3 =	simm.s32 $0x8800  }
0x8c: {  	[tilespmem:s3], [sflag:$0x1] =	stream.linear.gather [spmem:s1], $0x80, $0x38;
	[tilespmem:$0xC900] =	vst v63  }
0x8d: {  	_ =	swait.ge [sflag:s30], $0x280  }
0x8e: {  	[sflag:s30] =	ssyncset.done $0x0;
	s5 =	rddreg [dreg:$0x9]  }
0x8f: {  	s6 =	simm.s32 $0x7880;
	s1 =	sld [smem:$0x7E4];
	[sflag:s30] =	ssyncadd.s32 $0xFFFFFD80  }
0x90: {  	[tilespmem:s6], [sflag:$0x1] =	stream.linear.gather [spmem:s5], $0x80, $0x38;
	[tilespmem:$0xC900] =	vst v63  }
0x91: {  	s3 =	simm.s32 $0x7C80;
	s5 =	sld [smem:$0x7E5]  }
0x92: {  	[tilespmem:s3], [sflag:$0x1] =	stream.linear.gather [spmem:s1], $0x80, $0x38;
	[tilespmem:$0xC900] =	vst v63  }
0x93: {  	s6 =	simm.s32 $0x8080;
	s1 =	sld [smem:$0x7E6]  }
0x94: {  	[tilespmem:s6], [sflag:$0x1] =	stream.linear.gather [spmem:s5], $0x80, $0x38;
	[tilespmem:$0xC900] =	vst v63  }
0x95: {  	s3 =	simm.s32 $0x8480;
	s5 =	sld [smem:$0x7E7]  }
0x96: {  	[tilespmem:s3], [sflag:$0x1] =	stream.linear.gather [spmem:s1], $0x80, $0x38;
	[tilespmem:$0xC900] =	vst v63  }
0x97: {  	s6 =	simm.s32 $0x8880  }
0x98: {  	[tilespmem:s6], [sflag:$0x1] =	stream.linear.gather [spmem:s5], $0x80, $0x38;
	[tilespmem:$0xC900] =	vst v63  }
0x99: {  	_ =	swait.ge [sflag:s30], $0x280  }
0x9a: {  	[sflag:s30] =	ssyncset.done $0x0;
	s1 =	rddreg [dreg:$0xa]  }
0x9b: {  	s3 =	simm.s32 $0x7900;
	s5 =	sld [smem:$0x7E8];
	[sflag:s30] =	ssyncadd.s32 $0xFFFFFD80  }
0x9c: {  	[tilespmem:s3], [sflag:$0x1] =	stream.linear.gather [spmem:s1], $0x80, $0x38;
	[tilespmem:$0xC900] =	vst v63  }
0x9d: {  	s6 =	simm.s32 $0x7D00;
	s1 =	sld [smem:$0x7E9]  }
0x9e: {  	[tilespmem:s6], [sflag:$0x1] =	stream.linear.gather [spmem:s5], $0x80, $0x38;
	[tilespmem:$0xC900] =	vst v63  }
0x9f: {  	s3 =	simm.s32 $0x8100;
	s5 =	sld [smem:$0x7EA]  }
0xa0: {  	[tilespmem:s3], [sflag:$0x1] =	stream.linear.gather [spmem:s1], $0x80, $0x38;
	[tilespmem:$0xC900] =	vst v63  }
0xa1: {  	s6 =	simm.s32 $0x8500;
	s1 =	sld [smem:$0x7EB]  }
0xa2: {  	[tilespmem:s6], [sflag:$0x1] =	stream.linear.gather [spmem:s5], $0x80, $0x38;
	[tilespmem:$0xC900] =	vst v63  }
0xa3: {  	s3 =	simm.s32 $0x8900  }
0xa4: {  	[tilespmem:s3], [sflag:$0x1] =	stream.linear.gather [spmem:s1], $0x80, $0x38;
	[tilespmem:$0xC900] =	vst v63  }
0xa5: {  	_ =	swait.ge [sflag:s30], $0x280  }
0xa6: {  	[sflag:s30] =	ssyncset.done $0x0;
	s5 =	rddreg [dreg:$0xb]  }
0xa7: {  	s6 =	simm.s32 $0x7980;
	s1 =	sld [smem:$0x7EC];
	[sflag:s30] =	ssyncadd.s32 $0xFFFFFD80  }
0xa8: {  	[tilespmem:s6], [sflag:$0x1] =	stream.linear.gather [spmem:s5], $0x80, $0x38;
	[tilespmem:$0xC900] =	vst v63  }
0xa9: {  	s3 =	simm.s32 $0x7D80;
	s5 =	sld [smem:$0x7ED]  }
0xaa: {  	[tilespmem:s3], [sflag:$0x1] =	stream.linear.gather [spmem:s1], $0x80, $0x38;
	[tilespmem:$0xC900] =	vst v63  }
0xab: {  	s6 =	simm.s32 $0x8180;
	s1 =	sld [smem:$0x7EE]  }
0xac: {  	[tilespmem:s6], [sflag:$0x1] =	stream.linear.gather [spmem:s5], $0x80, $0x38;
	[tilespmem:$0xC900] =	vst v63  }
0xad: {  	s3 =	simm.s32 $0x8580;
	s5 =	sld [smem:$0x7EF]  }
0xae: {  	[tilespmem:s3], [sflag:$0x1] =	stream.linear.gather [spmem:s1], $0x80, $0x38;
	[tilespmem:$0xC900] =	vst v63  }
0xaf: {  	s6 =	simm.s32 $0x8980  }
0xb0: {  	[tilespmem:s6], [sflag:$0x1] =	stream.linear.gather [spmem:s5], $0x80, $0x38;
	[tilespmem:$0xC900] =	vst v63  }
0xb1: {  	_ =	swait.ge [sflag:s30], $0x280  }
0xb2: {  	[sflag:s30] =	ssyncset.done $0x0;
	s1 =	rddreg [dreg:$0xc]  }
0xb3: {  	s3 =	simm.s32 $0x7A00;
	s5 =	sld [smem:$0x7F0];
	[sflag:s30] =	ssyncadd.s32 $0xFFFFFD80  }
0xb4: {  	[tilespmem:s3], [sflag:$0x1] =	stream.linear.gather [spmem:s1], $0x80, $0x38;
	[tilespmem:$0xC900] =	vst v63  }
0xb5: {  	s6 =	simm.s32 $0x7E00;
	s1 =	sld [smem:$0x7F1]  }
0xb6: {  	[tilespmem:s6], [sflag:$0x1] =	stream.linear.gather [spmem:s5], $0x80, $0x38;
	[tilespmem:$0xC900] =	vst v63  }
0xb7: {  	s3 =	simm.s32 $0x8200;
	s5 =	sld [smem:$0x7F2]  }
0xb8: {  	[tilespmem:s3], [sflag:$0x1] =	stream.linear.gather [spmem:s1], $0x80, $0x38;
	[tilespmem:$0xC900] =	vst v63  }
0xb9: {  	s6 =	simm.s32 $0x8600;
	s1 =	sld [smem:$0x7F3]  }
0xba: {  	[tilespmem:s6], [sflag:$0x1] =	stream.linear.gather [spmem:s5], $0x80, $0x38;
	[tilespmem:$0xC900] =	vst v63  }
0xbb: {  	s3 =	simm.s32 $0x8A00  }
0xbc: {  	[tilespmem:s3], [sflag:$0x1] =	stream.linear.gather [spmem:s1], $0x80, $0x38;
	[tilespmem:$0xC900] =	vst v63  }
0xbd: {  	_ =	swait.ge [sflag:s30], $0x280  }
0xbe: {  	[sflag:s30] =	ssyncset.done $0x0;
	s5 =	rddreg [dreg:$0xd]  }
0xbf: {  	s6 =	simm.s32 $0x8A80;
	s1 =	sld [smem:$0x7F4];
	[sflag:s30] =	ssyncadd.s32 $0xFFFFFD80  }
0xc0: {  	[tilespmem:s6], [sflag:$0x1] =	stream.linear.gather [spmem:s5], $0x80, $0x38;
	[tilespmem:$0xC900] =	vst v63  }
0xc1: {  	s3 =	simm.s32 $0x8E80;
	s5 =	sld [smem:$0x7F5]  }
0xc2: {  	[tilespmem:s3], [sflag:$0x1] =	stream.linear.gather [spmem:s1], $0x80, $0x38;
	[tilespmem:$0xC900] =	vst v63  }
0xc3: {  	s6 =	simm.s32 $0x9280;
	s1 =	sld [smem:$0x7F6]  }
0xc4: {  	[tilespmem:s6], [sflag:$0x1] =	stream.linear.gather [spmem:s5], $0x80, $0x38;
	[tilespmem:$0xC900] =	vst v63  }
0xc5: {  	s3 =	simm.s32 $0x9680;
	s5 =	sld [smem:$0x7F7]  }
0xc6: {  	[tilespmem:s3], [sflag:$0x1] =	stream.linear.gather [spmem:s1], $0x80, $0x38;
	[tilespmem:$0xC900] =	vst v63  }
0xc7: {  	s6 =	simm.s32 $0x9A80  }
0xc8: {  	[tilespmem:s6], [sflag:$0x1] =	stream.linear.gather [spmem:s5], $0x80, $0x38;
	[tilespmem:$0xC900] =	vst v63  }
0xc9: {  	_ =	swait.ge [sflag:s30], $0x280  }
0xca: {  	[sflag:s30] =	ssyncset.done $0x0;
	s1 =	rddreg [dreg:$0xe]  }
0xcb: {  	s3 =	simm.s32 $0x8B00;
	s5 =	sld [smem:$0x7F8];
	[sflag:s30] =	ssyncadd.s32 $0xFFFFFD80  }
0xcc: {  	[tilespmem:s3], [sflag:$0x1] =	stream.linear.gather [spmem:s1], $0x80, $0x38;
	[tilespmem:$0xC900] =	vst v63  }
0xcd: {  	s6 =	simm.s32 $0x8F00;
	s1 =	sld [smem:$0x7F9]  }
0xce: {  	[tilespmem:s6], [sflag:$0x1] =	stream.linear.gather [spmem:s5], $0x80, $0x38;
	[tilespmem:$0xC900] =	vst v63  }
0xcf: {  	s3 =	simm.s32 $0x9300;
	s5 =	sld [smem:$0x7FA]  }
0xd0: {  	[tilespmem:s3], [sflag:$0x1] =	stream.linear.gather [spmem:s1], $0x80, $0x38;
	[tilespmem:$0xC900] =	vst v63  }
0xd1: {  	s6 =	simm.s32 $0x9700;
	s1 =	sld [smem:$0x7FB]  }
0xd2: {  	[tilespmem:s6], [sflag:$0x1] =	stream.linear.gather [spmem:s5], $0x80, $0x38;
	[tilespmem:$0xC900] =	vst v63  }
0xd3: {  	s3 =	simm.s32 $0x9B00  }
0xd4: {  	[tilespmem:s3], [sflag:$0x1] =	stream.linear.gather [spmem:s1], $0x80, $0x38;
	[tilespmem:$0xC900] =	vst v63  }
0xd5: {  	_ =	swait.ge [sflag:s30], $0x280  }
0xd6: {  	[sflag:s30] =	ssyncset.done $0x0;
	s5 =	rddreg [dreg:$0xf]  }
0xd7: {  	s6 =	simm.s32 $0x8B80;
	s1 =	sld [smem:$0x7FC];
	[sflag:s30] =	ssyncadd.s32 $0xFFFFFD80  }
0xd8: {  	[tilespmem:s6], [sflag:$0x1] =	stream.linear.gather [spmem:s5], $0x80, $0x38;
	[tilespmem:$0xC900] =	vst v63  }
0xd9: {  	s3 =	simm.s32 $0x8F80;
	s5 =	sld [smem:$0x7FD]  }
0xda: {  	[tilespmem:s3], [sflag:$0x1] =	stream.linear.gather [spmem:s1], $0x80, $0x38;
	[tilespmem:$0xC900] =	vst v63  }
0xdb: {  	s6 =	simm.s32 $0x9380  }
0xdc: {  	[tilespmem:s6], [sflag:$0x1] =	stream.linear.gather [spmem:s5], $0x80, $0x38;
	[tilespmem:$0xC900] =	vst v63  }
0xdd: {  	s1 =	simm.s32 $0x9780  }
0xde: {  	[tilespmem:s1], [sflag:$0x1] =	stream.linear.gather [spmem:s7], $0x80, $0x38;
	[tilespmem:$0xC900] =	vst v63  }
0xdf: {  	s3 =	simm.s32 $0x9B80  }
0xe0: {  	[tilespmem:s3], [sflag:$0x1] =	stream.linear.gather [spmem:s8], $0x80, $0x38;
	[tilespmem:$0xC900] =	vst v63  }
0xe1: {  	_ =	swait.ge [sflag:s30], $0x280  }
0xe2: {  	[sflag:s30] =	ssyncset.done $0x0  }
0xe3: {  	s6 =	simm.s32 $0x8C00;
	s5 =	rddreg [dreg:$0x10];
	[sflag:s30] =	ssyncadd.s32 $0xFFFFFD80  }
0xe4: {  	[tilespmem:s6], [sflag:$0x1] =	stream.linear.gather [spmem:s5], $0x80, $0x38;
	[tilespmem:$0xC900] =	vst v63  }
0xe5: {  	s1 =	simm.s32 $0x9000  }
0xe6: {  	[tilespmem:s1], [sflag:$0x1] =	stream.linear.gather [spmem:s9], $0x80, $0x38;
	[tilespmem:$0xC900] =	vst v63  }
0xe7: {  	s3 =	simm.s32 $0x9400  }
0xe8: {  	[tilespmem:s3], [sflag:$0x1] =	stream.linear.gather [spmem:s10], $0x80, $0x38;
	[tilespmem:$0xC900] =	vst v63  }
0xe9: {  	s5 =	simm.s32 $0x9800  }
0xea: {  	[tilespmem:s5], [sflag:$0x1] =	stream.linear.gather [spmem:s11], $0x80, $0x38;
	[tilespmem:$0xC900] =	vst v63  }
0xeb: {  	s6 =	simm.s32 $0x9C00  }
0xec: {  	[tilespmem:s6], [sflag:$0x1] =	stream.linear.gather [spmem:s12], $0x80, $0x38;
	[tilespmem:$0xC900] =	vst v63  }
0xed: {  	_ =	swait.ge [sflag:s30], $0x280  }
0xee: {  	[sflag:s30] =	ssyncset.done $0x0  }
0xef: {  	s3 =	simm.s32 $0x8C80;
	s1 =	rddreg [dreg:$0x11];
	[sflag:s30] =	ssyncadd.s32 $0xFFFFFD80  }
0xf0: {  	[tilespmem:s3], [sflag:$0x1] =	stream.linear.gather [spmem:s1], $0x80, $0x38;
	[tilespmem:$0xC900] =	vst v63  }
0xf1: {  	s5 =	simm.s32 $0x9080  }
0xf2: {  	[tilespmem:s5], [sflag:$0x1] =	stream.linear.gather [spmem:s13], $0x80, $0x38;
	[tilespmem:$0xC900] =	vst v63  }
0xf3: {  	s6 =	simm.s32 $0x9480  }
0xf4: {  	[tilespmem:s6], [sflag:$0x1] =	stream.linear.gather [spmem:s14], $0x80, $0x38;
	[tilespmem:$0xC900] =	vst v63  }
0xf5: {  	s1 =	simm.s32 $0x9880  }
0xf6: {  	[tilespmem:s1], [sflag:$0x1] =	stream.linear.gather [spmem:s15], $0x80, $0x38;
	[tilespmem:$0xC900] =	vst v63  }
0xf7: {  	s3 =	simm.s32 $0x9C80  }
0xf8: {  	[tilespmem:s3], [sflag:$0x1] =	stream.linear.gather [spmem:s16], $0x80, $0x38;
	[tilespmem:$0xC900] =	vst v63  }
0xf9: {  	_ =	swait.ge [sflag:s30], $0x280  }
0xfa: {  	[sflag:s30] =	ssyncset.done $0x0  }
0xfb: {  	s6 =	simm.s32 $0x8D00;
	s5 =	rddreg [dreg:$0x12];
	[sflag:s30] =	ssyncadd.s32 $0xFFFFFD80  }
0xfc: {  	[tilespmem:s6], [sflag:$0x1] =	stream.linear.gather [spmem:s5], $0x80, $0x38;
	[tilespmem:$0xC900] =	vst v63  }
0xfd: {  	s1 =	simm.s32 $0x9100  }
0xfe: {  	[tilespmem:s1], [sflag:$0x1] =	stream.linear.gather [spmem:s17], $0x80, $0x38;
	[tilespmem:$0xC900] =	vst v63  }
0xff: {  	s3 =	simm.s32 $0x9500  }
0x100: {  	[tilespmem:s3], [sflag:$0x1] =	stream.linear.gather [spmem:s18], $0x80, $0x38;
	[tilespmem:$0xC900] =	vst v63  }
0x101: {  	s5 =	simm.s32 $0x9900  }
0x102: {  	[tilespmem:s5], [sflag:$0x1] =	stream.linear.gather [spmem:s19], $0x80, $0x38;
	[tilespmem:$0xC900] =	vst v63  }
0x103: {  	s6 =	simm.s32 $0x9D00  }
0x104: {  	[tilespmem:s6], [sflag:$0x1] =	stream.linear.gather [spmem:s20], $0x80, $0x38;
	[tilespmem:$0xC900] =	vst v63  }
0x105: {  	_ =	swait.ge [sflag:s30], $0x280  }
0x106: {  	[sflag:s30] =	ssyncset.done $0x0  }
0x107: {  	s3 =	simm.s32 $0x8D80;
	s1 =	rddreg [dreg:$0x13];
	[sflag:s30] =	ssyncadd.s32 $0xFFFFFD80  }
0x108: {  	[tilespmem:s3], [sflag:$0x1] =	stream.linear.gather [spmem:s1], $0x80, $0x38;
	[tilespmem:$0xC900] =	vst v63  }
0x109: {  	s5 =	simm.s32 $0x9180  }
0x10a: {  	[tilespmem:s5], [sflag:$0x1] =	stream.linear.gather [spmem:s21], $0x80, $0x38;
	[tilespmem:$0xC900] =	vst v63  }
0x10b: {  	s6 =	simm.s32 $0x9580  }
0x10c: {  	[tilespmem:s6], [sflag:$0x1] =	stream.linear.gather [spmem:s22], $0x80, $0x38;
	[tilespmem:$0xC900] =	vst v63  }
0x10d: {  	s1 =	simm.s32 $0x9980  }
0x10e: {  	[tilespmem:s1], [sflag:$0x1] =	stream.linear.gather [spmem:s23], $0x80, $0x38;
	[tilespmem:$0xC900] =	vst v63  }
0x10f: {  	s3 =	simm.s32 $0x9D80  }
0x110: {  	[tilespmem:s3], [sflag:$0x1] =	stream.linear.gather [spmem:s24], $0x80, $0x38;
	[tilespmem:$0xC900] =	vst v63  }
0x111: {  	_ =	swait.ge [sflag:s30], $0x280  }
0x112: {  	[sflag:s30] =	ssyncset.done $0x0  }
0x113: {  	s6 =	simm.s32 $0x8E00;
	s5 =	rddreg [dreg:$0x14];
	[sflag:s30] =	ssyncadd.s32 $0xFFFFFD80  }
0x114: {  	[tilespmem:s6], [sflag:$0x1] =	stream.linear.gather [spmem:s5], $0x80, $0x38;
	[tilespmem:$0xC900] =	vst v63  }
0x115: {  	s3 =	simm.s32 $0x9200  }
0x116: {  	[tilespmem:s3], [sflag:$0x1] =	stream.linear.gather [spmem:s25], $0x80, $0x38;
	[tilespmem:$0xC900] =	vst v63  }
0x117: {  	s5 =	simm.s32 $0x9600  }
0x118: {  	[tilespmem:s5], [sflag:$0x1] =	stream.linear.gather [spmem:s26], $0x80, $0x38;
	[tilespmem:$0xC900] =	vst v63  }
0x119: {  	s6 =	simm.s32 $0x9A00  }
0x11a: {  	[tilespmem:s6], [sflag:$0x1] =	stream.linear.gather [spmem:s28], $0x80, $0x38;
	[tilespmem:$0xC900] =	vst v63  }
0x11b: {  	s1 =	simm.s32 $0x9E00  }
0x11c: {  	[tilespmem:s1], [sflag:$0x1] =	stream.linear.gather [spmem:s29], $0x80, $0x38;
	[tilespmem:$0xC900] =	vst v63  }
0x11d: {  	s3 =	simm.s32 $0x0;
	_ =	swait.ge [sflag:s30], $0x280  }
0x11e: {  	s0 =	sand.u32 $0x1C00, s3;
	s5 =	sand.u32 $0x70, s3;
	[sflag:s30] =	ssyncset.done $0x0  }
0x11f: {  	s0 =	sor.u32 s5, s0;
	[sflag:s30] =	ssyncadd.s32 $0xFFFFFD80  }
0x120: {  	v2 =	vld [tilespmem:s0+$0x7700]  }
0x121: {  	v3 =	vld [tilespmem:s0+$0x7680];
	_ =	sdelay $0x1  }
0x122: {  	v4 =	vld [tilespmem:s0+$0x7780];
	_ =	sdelay $0x1  }
0x123: {  	v5 =	vld [tilespmem:s0+$0x7800]  }
0x124: {  	v2 =	vadd.f32 v2, v3  }
0x125: {  	v3 =	vld [tilespmem:s0+$0x7880]  }
0x126: {  	v2 =	vadd.f32 v4, v2  }
0x127: {  	v55 =	vld [tilespmem:s0+$0x7900]  }
0x128: {  	v2 =	vadd.f32 v5, v2  }
0x129: {  	v56 =	vld [tilespmem:s0+$0x7980]  }
0x12a: {  	v2 =	vadd.f32 v3, v2  }
0x12b: {  	v3 =	vld [tilespmem:s0+$0x7A00]  }
0x12c: {  	v2 =	vadd.f32 v55, v2  }
0x12d: {  	v57 =	vld [tilespmem:s0+$0x8A80]  }
0x12e: {  	v2 =	vadd.f32 v56, v2  }
0x12f: {  	v58 =	vld [tilespmem:s0+$0x8B00]  }
0x130: {  	v2 =	vadd.f32 v3, v2  }
0x131: {  	v3 =	vld [tilespmem:s0+$0x8B80]  }
0x132: {  	v2 =	vadd.f32 v57, v2  }
0x133: {  	v59 =	vld [tilespmem:s0+$0x8C00]  }
0x134: {  	v2 =	vadd.f32 v58, v2  }
0x135: {  	v60 =	vld [tilespmem:s0+$0x8C80]  }
0x136: {  	v2 =	vadd.f32 v3, v2  }
0x137: {  	v3 =	vld [tilespmem:s0+$0x8D00]  }
0x138: {  	v2 =	vadd.f32 v59, v2  }
0x139: {  	v61 =	vld [tilespmem:s0+$0x8D80]  }
0x13a: {  	v2 =	vadd.f32 v60, v2  }
0x13b: {  	v62 =	vld [tilespmem:s0+$0x8E00]  }
0x13c: {  	v2 =	vadd.f32 v3, v2;
	_ =	sdelay $0x1  }
0x13d: {  	v2 =	vadd.f32 v61, v2;
	_ =	sdelay $0x1  }
0x13e: {  	v2 =	vadd.f32 v62, v2;
	_ =	sdelay $0x1  }
0x13f: {  	v2 =	vadd.f32 $1.000000000e+00, v2;
	_ =	sdelay $0x1  }
0x140: {  	v3 =	vshra.s32 v2, $0x1;
	v2 =	vmul.f32 $5.000000000e-01, v2  }
0x141: {  	v3 =	vsub.s32 $0x5F3759DF, v3  }
0x142: {  	v63 =	vmul.f32 v3, v2;
	_ =	sdelay $0x1  }
0x143: {  	v4 =	vmul.f32 v3, v63;
	_ =	sdelay $0x1  }
0x144: {  	v4 =	vsub.f32 $1.500000000e+00, v4;
	_ =	sdelay $0x1  }
0x145: {  	v3 =	vmul.f32 v3, v4;
	_ =	sdelay $0x1  }
0x146: {  	v4 =	vmul.f32 v3, v2;
	_ =	sdelay $0x1  }
0x147: {  	v4 =	vmul.f32 v4, v3;
	_ =	sdelay $0x1  }
0x148: {  	v4 =	vsub.f32 $1.500000000e+00, v4;
	_ =	sdelay $0x1  }
0x149: {  	v3 =	vmul.f32 v4, v3;
	_ =	sdelay $0x1  }
0x14a: {  	v2 =	vmul.f32 v3, v2;
	_ =	sdelay $0x1  }
0x14b: {  	v2 =	vmul.f32 v2, v3;
	_ =	sdelay $0x1  }
0x14c: {  	v2 =	vsub.f32 $1.500000000e+00, v2;
	_ =	sdelay $0x1  }
0x14d: {  	s6 =	simm.s32 $0x10;
	s1 =	simm.s32 $0x80;
	v2 =	vmul.f32 v2, v3  }
0x14e: {  	s3 =	sand.u32 $0x70, s6;
	s5 =	sand.u32 $0x1C00, s1;
	s0 =	simm.s32 $0x9E80  }
0x14f: {  	s5 =	sor.u32 s3, s5;
	s3 =	simm.s32 $0x20;
	[tilespmem:s0+$0x0] =	vst v2  }
.LBB2_6:
0x150: {  	p1 =	sne.s32 s3, $0x270;
	v2 =	vld [tilespmem:s5+$0x7700]  }
0x151: {  	v3 =	vld [tilespmem:s5+$0x7680];
	_ =	sdelay $0x1  }
0x152: {  	v4 =	vld [tilespmem:s5+$0x7780];
	_ =	sdelay $0x1  }
0x153: {  	v5 =	vld [tilespmem:s5+$0x7800]  }
0x154: {  	v2 =	vadd.f32 v2, v3  }
0x155: {  	v3 =	vld [tilespmem:s5+$0x7880]  }
0x156: {  	v2 =	vadd.f32 v4, v2  }
0x157: {  	v4 =	vld [tilespmem:s5+$0x7900]  }
0x158: {  	v2 =	vadd.f32 v5, v2  }
0x159: {  	v5 =	vld [tilespmem:s5+$0x7980]  }
0x15a: {  	v2 =	vadd.f32 v3, v2  }
0x15b: {  	v3 =	vld [tilespmem:s5+$0x7A00]  }
0x15c: {  	v2 =	vadd.f32 v4, v2  }
0x15d: {  	v4 =	vld [tilespmem:s5+$0x8A80]  }
0x15e: {  	v2 =	vadd.f32 v5, v2  }
0x15f: {  	v5 =	vld [tilespmem:s5+$0x8B00]  }
0x160: {  	v2 =	vadd.f32 v3, v2  }
0x161: {  	v3 =	vld [tilespmem:s5+$0x8B80]  }
0x162: {  	v2 =	vadd.f32 v4, v2  }
0x163: {  	v4 =	vld [tilespmem:s5+$0x8C00]  }
0x164: {  	v2 =	vadd.f32 v5, v2  }
0x165: {  	v5 =	vld [tilespmem:s5+$0x8C80]  }
0x166: {  	v2 =	vadd.f32 v3, v2  }
0x167: {  	v3 =	vld [tilespmem:s5+$0x8D00]  }
0x168: {  	v2 =	vadd.f32 v4, v2  }
0x169: {  	v4 =	vld [tilespmem:s5+$0x8D80]  }
0x16a: {  	v2 =	vadd.f32 v5, v2  }
0x16b: {  	v5 =	vld [tilespmem:s5+$0x8E00]  }
0x16c: {  	v2 =	vadd.f32 v3, v2;
	_ =	sdelay $0x1  }
0x16d: {  	v2 =	vadd.f32 v4, v2;
	_ =	sdelay $0x1  }
0x16e: {  	v2 =	vadd.f32 v5, v2;
	_ =	sdelay $0x1  }
0x16f: {  	v2 =	vadd.f32 $1.000000000e+00, v2;
	_ =	sdelay $0x1  }
0x170: {  	v3 =	vshra.s32 v2, $0x1;
	v2 =	vmul.f32 $5.000000000e-01, v2  }
0x171: {  	v3 =	vsub.s32 $0x5F3759DF, v3  }
0x172: {  	v4 =	vmul.f32 v3, v2;
	_ =	sdelay $0x1  }
0x173: {  	v4 =	vmul.f32 v3, v4;
	_ =	sdelay $0x1  }
0x174: {  	v4 =	vsub.f32 $1.500000000e+00, v4;
	_ =	sdelay $0x1  }
0x175: {  	v3 =	vmul.f32 v3, v4;
	_ =	sdelay $0x1  }
0x176: {  	v4 =	vmul.f32 v3, v2;
	_ =	sdelay $0x1  }
0x177: {  	v4 =	vmul.f32 v4, v3;
	_ =	sdelay $0x1  }
0x178: {  	v4 =	vsub.f32 $1.500000000e+00, v4;
	_ =	sdelay $0x1  }
0x179: {  	v3 =	vmul.f32 v4, v3;
	_ =	sdelay $0x1  }
0x17a: {  	v2 =	vmul.f32 v3, v2;
	_ =	sdelay $0x1  }
0x17b: {  	v2 =	vmul.f32 v2, v3;
	_ =	sdelay $0x1  }
.Ltmp2:
0x17c: {  	v2 =	vsub.f32 $1.500000000e+00, v2;
	(pc) =	sbr.rel @p1 .LBB2_6-.Ltmp2, $4  }
0x17d: {  	_ = 	snop  }
0x17e: {  	s1 =	sadd.s32 $0x80, s1;
	v2 =	vmul.f32 v2, v3  }
0x17f: {  	s0 =	sadd.s32 $0x10, s0;
	s6 =	sand.u32 $0x1C00, s1;
	s5 =	sand.u32 $0x70, s3  }
0x180: {  	s3 =	sadd.s32 $0x10, s3;
	s5 =	sor.u32 s5, s6;
	[tilespmem:s0+$0x0] =	vst v2  }
0x181: {  	v2 =	vld [tilespmem:s5+$0x7700]  }
0x182: {  	v3 =	vld [tilespmem:s5+$0x7680];
	_ =	sdelay $0x1  }
0x183: {  	v4 =	vld [tilespmem:s5+$0x7780];
	_ =	sdelay $0x1  }
0x184: {  	v5 =	vld [tilespmem:s5+$0x7800]  }
0x185: {  	v2 =	vadd.f32 v2, v3  }
0x186: {  	v3 =	vld [tilespmem:s5+$0x7880]  }
0x187: {  	v2 =	vadd.f32 v4, v2  }
0x188: {  	v55 =	vld [tilespmem:s5+$0x7900]  }
0x189: {  	v2 =	vadd.f32 v5, v2  }
0x18a: {  	v56 =	vld [tilespmem:s5+$0x7980]  }
0x18b: {  	v2 =	vadd.f32 v3, v2  }
0x18c: {  	v3 =	vld [tilespmem:s5+$0x7A00]  }
0x18d: {  	v2 =	vadd.f32 v55, v2  }
0x18e: {  	v57 =	vld [tilespmem:s5+$0x8A80]  }
0x18f: {  	v2 =	vadd.f32 v56, v2  }
0x190: {  	v58 =	vld [tilespmem:s5+$0x8B00]  }
0x191: {  	v2 =	vadd.f32 v3, v2  }
0x192: {  	v3 =	vld [tilespmem:s5+$0x8B80]  }
0x193: {  	v2 =	vadd.f32 v57, v2  }
0x194: {  	v59 =	vld [tilespmem:s5+$0x8C00]  }
0x195: {  	v2 =	vadd.f32 v58, v2  }
0x196: {  	v60 =	vld [tilespmem:s5+$0x8C80]  }
0x197: {  	v2 =	vadd.f32 v3, v2  }
0x198: {  	v3 =	vld [tilespmem:s5+$0x8D00]  }
0x199: {  	v2 =	vadd.f32 v59, v2  }
0x19a: {  	v61 =	vld [tilespmem:s5+$0x8D80]  }
0x19b: {  	v2 =	vadd.f32 v60, v2  }
0x19c: {  	v62 =	vld [tilespmem:s5+$0x8E00]  }
0x19d: {  	v2 =	vadd.f32 v3, v2;
	_ =	sdelay $0x1  }
0x19e: {  	v2 =	vadd.f32 v61, v2;
	_ =	sdelay $0x1  }
0x19f: {  	v2 =	vadd.f32 v62, v2;
	_ =	sdelay $0x1  }
0x1a0: {  	v2 =	vadd.f32 $1.000000000e+00, v2;
	_ =	sdelay $0x1  }
0x1a1: {  	v3 =	vshra.s32 v2, $0x1;
	v2 =	vmul.f32 $5.000000000e-01, v2  }
0x1a2: {  	v3 =	vsub.s32 $0x5F3759DF, v3  }
0x1a3: {  	v63 =	vmul.f32 v3, v2;
	_ =	sdelay $0x1  }
0x1a4: {  	v4 =	vmul.f32 v3, v63;
	_ =	sdelay $0x1  }
0x1a5: {  	v4 =	vsub.f32 $1.500000000e+00, v4;
	_ =	sdelay $0x1  }
0x1a6: {  	v3 =	vmul.f32 v3, v4;
	_ =	sdelay $0x1  }
0x1a7: {  	v4 =	vmul.f32 v3, v2;
	_ =	sdelay $0x1  }
0x1a8: {  	v4 =	vmul.f32 v4, v3;
	_ =	sdelay $0x1  }
0x1a9: {  	v4 =	vsub.f32 $1.500000000e+00, v4;
	_ =	sdelay $0x1  }
0x1aa: {  	v3 =	vmul.f32 v4, v3;
	_ =	sdelay $0x1  }
0x1ab: {  	v2 =	vmul.f32 v3, v2;
	_ =	sdelay $0x1  }
0x1ac: {  	v2 =	vmul.f32 v2, v3;
	_ =	sdelay $0x1  }
0x1ad: {  	v2 =	vsub.f32 $1.500000000e+00, v2;
	_ =	sdelay $0x1  }
0x1ae: {  	v2 =	vmul.f32 v2, v3  }
0x1af: {  	s0 =	sadd.s32 $0x10, s0  }
0x1b0: {  	s1 =	simm.s32 @!p0 $0x9E80;
	s3 =	rddreg [dreg:$0x15];
	[tilespmem:s0+$0x0] =	vst v2;
	s0 =	simm.s32 @!p0 $0x0  }
0x1b1: {  	[hbm4b:s3+s0] =	stream.linear.scatter @!p0 [tilespmem:s1], [sflag:$0x1], $0x280, $0x38;
	[tilespmem:$0xC900] =	vst v63  }
0x1b2: {  	s0 =	simm.s32 @!p0 $0x1  }
0x1b3: {  	_ =	swait.ge @!p0 [sflag:s0], $0x280  }
0x1b4: {  	s2 =	sadd.s32 $0x1, s2;
	s6 =	rddreg [dreg:$0x16]  }
0x1b5: {  	p1 =	sne.s32 s2, s6  }
.Ltmp3:
0x1b6: {  	_ = 	snop;
	(pc) =	sbr.rel @p1 .LBB2_1-.Ltmp3, $3  }
0x1b7: {  	_ =	sdelay $0x1  }
0x1b8: {  	[sflag:s0] =	ssyncset.done @!p0 $0x0  }
0x1b9: {  	[sflag:s0] =	ssyncadd.s32 @!p0 $0xFFFFFD80  }
0x1ba: {  	_ =	sfence.sel $0x180000  }
0x1bb: {  	[bflag:$0x0] =	sbarrier.arrive $0xFFFF  }
0x1bc: {  	_ =	strace $0x90000047  }
0x1bd: {  	s0 =	stileid.u32;
	[bflag:$0x2] =	sbarrier.arrive $0xFFFF  }
0x1be: {  	p0 =	sne.s32 s0, $0x0;
	s0 =	rddreg [dreg:$0x3]  }
0x1bf: {  	s0 =	sadd.s32 @!p0 $0x100000, s0  }
0x1c0: {  	[sflag:s0] =	ssyncadd.tile.s32 @!p0 $0x1;
	_ =	shalt  }
.Lfunc_end2:
_tile_overlayer_lowered:
.L_overlay_start_2:
0x1c1: {  	(tag) =	ssettag $0x2  }
0x1c2: {  	s0 =	rddreg [dreg:$0x0];
	s2 =	stileid.u32  }
0x1c3: {  	s1 =	rddreg [dreg:$0x1];
	p0 =	sne.s32 s2, $0x0  }
0x1c4: {  	s3 =	rddreg [dreg:$0x2];
	[bflag:$0x3] =	sbarrier.arrive $0xFFFF;
	s2 =	simm.s32 @!p0 $0x1C01  }
0x1c5: {  	[timem:s3], [sflag:s2] =	dma.local @!p0 [hbm:s0], s1  }
0x1c6: {  	s0 =	simm.s32 @!p0 $0x1  }
0x1c7: {  	_ =	swait.ge @!p0 [sflag:s0], s1  }
0x1c8: {  	s1 =	ssub.s32 @!p0 $0x0, s1;
	[sflag:s0] =	ssyncset.done @!p0 $0x0  }
0x1c9: {  	[sflag:s0] =	ssyncadd.s32 @!p0 s1  }
0x1ca: {  	[bflag:$0x3] =	sbarrier.arrive $0xFFFF  }
0x1cb: {  	_ =	shalt  }

</sc_bundles>
